<compile_context>
chip_gen: v7x
topology: tpu7x:2x2x1
jax: 0.10.2.dev20260603
libtpu: 0.0.44.dev20260713+nightly
codegen_flags: <defaults>
</compile_context>

<pallas_src>
import functools

import jax
import jax.numpy as jnp
from jax import lax
from jax.experimental import pallas as pl
from jax.experimental.pallas import tpu as pltpu
from jax.experimental.pallas import tpu_sc as plsc

B = 4096
NNZ = 256
M = 2048
L = 16

NC = 2
NS = 16
NW = NC * NS
ROWS = B // NW
G = 8
NG = ROWS // G
NQ = NNZ // L


def _body(idx_hbm, val_hbm, out_hbm, idx_v, val_v, dense0, dense1,
          ssem, sem0, sem1):
    c = lax.axis_index("c")
    s = lax.axis_index("s")
    wid = s * NC + c
    base = wid * ROWS

    zeros16 = jnp.zeros((L,), jnp.float32)
    bufs = (dense0, dense1)
    sems = (sem0, sem1)

    pltpu.async_copy(idx_hbm.at[pl.ds(base, ROWS)], idx_v, ssem)
    pltpu.async_copy(val_hbm.at[pl.ds(base, ROWS)], val_v, ssem)

    def zero_group(b):
        dense = bufs[b]

        @plsc.parallel_loop(0, G * M // L, unroll=16)
        def _zero(i):
            dense[i // (M // L), pl.ds((i % (M // L)) * L, L)] = zeros16

    def scatter_group(b, g0):
        dense = bufs[b]

        @plsc.parallel_loop(0, G, unroll=4)
        def _scatter_row(g):
            r = g0 + g
            gvec = jnp.full((L,), 0, jnp.int32) + g
            for q in range(NQ):
                idx16 = idx_v[r, pl.ds(q * L, L)]
                val16 = val_v[r, pl.ds(q * L, L)]
                plsc.addupdate_scatter(dense, [gvec, idx16], val16)

        pltpu.async_copy(
            dense, out_hbm.at[pl.ds(base + g0, G)], sems[b]
        )

    def wait_group(b, g0):
        pltpu.make_async_copy(
            bufs[b], out_hbm.at[pl.ds(base + g0, G)], sems[b]
        ).wait()

    zero_group(0)
    zero_group(1)
    pltpu.make_async_copy(
        idx_hbm.at[pl.ds(base, ROWS)], idx_v, ssem).wait()
    pltpu.make_async_copy(
        val_hbm.at[pl.ds(base, ROWS)], val_v, ssem).wait()

    scatter_group(0, 0)
    scatter_group(1, G)

    def pair(p, carry):
        g0 = 2 * p * G
        wait_group(0, g0 - 2 * G)
        zero_group(0)
        scatter_group(0, g0)
        wait_group(1, g0 - G)
        zero_group(1)
        scatter_group(1, g0 + G)
        return carry

    lax.fori_loop(1, NG // 2, pair, 0)
    wait_group(0, (NG - 2) * G)
    wait_group(1, (NG - 1) * G)


_sc_call = functools.partial(
    pl.kernel,
    mesh=plsc.VectorSubcoreMesh(core_axis_name="c", subcore_axis_name="s"),
    out_type=jax.ShapeDtypeStruct((B, M), jnp.float32),
    compiler_params=pltpu.CompilerParams(needs_layout_passes=False),
    scratch_types=[
        pltpu.VMEM((ROWS, NNZ), jnp.int32),
        pltpu.VMEM((ROWS, NNZ), jnp.float32),
        pltpu.VMEM((G, M), jnp.float32),
        pltpu.VMEM((G, M), jnp.float32),
        pltpu.SemaphoreType.DMA,
        pltpu.SemaphoreType.DMA,
        pltpu.SemaphoreType.DMA,
    ],
)(_body)


def kernel(indices, values):
    return _sc_call(indices, values)

# --- scband reference (transcript-rebuilt; emitter-appended) ---
"""Pipeline reference for scband-base-model-66614942761395 (READ-ONLY COPY).

The authoritative reference and input builder live on the scoring server;
editing this copy changes nothing except your own understanding.
"""

import jax, jax.numpy as jnp
import numpy as np

B = 4096   # batch_size (number of sparse rows)
NNZ = 256  # nonzeros per row
M = 2048   # dense row length (sparse_row.dense_shape[0])


def setup_inputs(seed: int = 0) -> dict:
    key = jax.random.key(seed)
    k1, k2 = jax.random.split(key)
    # per-row scatter positions (tf.sparse indices column within the row)
    indices = jax.random.randint(k1, (B, NNZ), 0, M, dtype=jnp.int32)
    # sparse values (counts cast to float32 in get_table_data)
    values = jax.random.uniform(k2, (B, NNZ), dtype=jnp.float32)
    return {"indices": indices, "values": values}


def reference(indices, values):
    # Faithful JAX translation of BaseModel.call ->
    #   counts = tf.map_fn(self.get_table_data, table_info)
    # where get_table_data does:
    #   dense = tf.scatter_nd(sparse_row.indices, tf.cast(values, tf.float32),
    #                         shape=[dense_shape[0]])
    # tf.scatter_nd sums duplicate indices, so we use .at[...].add.
    # Batched over B rows (the map_fn over the batch dimension).
    rows = jnp.arange(B, dtype=jnp.int32)[:, None]  # [B, 1] broadcasts against [B, NNZ]
    dense = jnp.zeros((B, M), dtype=jnp.float32)
    counts = dense.at[rows, indices].add(values)
    # model_step is abstract in BaseModel; the concrete computation performed by
    # this base class is the densification (scatter) of the sparse table, which
    # is returned here as the forward output.
    return counts

if __name__ == "__main__":
    import jax
    _d = setup_inputs()
    print(jax.jit(kernel)(*tuple(_d.values())))

</pallas_src>

<mosaic_0001>
#map = affine_map<(d0, d1) -> (0, 0)>
module attributes {stable_mosaic.version = 14 : i64} {
  func.func @_body(%arg0: i32, %arg1: i32, %arg2: memref<4096x256xi32, #tpu.memory_space<hbm>>, %arg3: memref<4096x256xf32, #tpu.memory_space<hbm>>, %arg4: memref<4096x2048xf32, #tpu.memory_space<hbm>>, %arg5: memref<128x256xi32, #tpu.memory_space<vmem>>, %arg6: memref<128x256xf32, #tpu.memory_space<vmem>>, %arg7: memref<8x2048xf32, #tpu.memory_space<vmem>>, %arg8: memref<8x2048xf32, #tpu.memory_space<vmem>>, %arg9: memref<!tpu.dma_semaphore, #tpu.memory_space<semaphore_mem>>, %arg10: memref<!tpu.dma_semaphore, #tpu.memory_space<semaphore_mem>>, %arg11: memref<!tpu.dma_semaphore, #tpu.memory_space<semaphore_mem>>) attributes {dimension_semantics = [#tpu.dimension_semantics<core_parallel>, #tpu.dimension_semantics<subcore_parallel>], iteration_bounds = array<i64: 2, 16>, scalar_prefetch = 0 : i64, scratch_operands = 7 : i64, tpu.core_type = #tpu.core_type<sc_vector_subcore>, window_params = [{transform_indices = #map}, {transform_indices = #map}, {transform_indices = #map}]} {
    %mul3A = arith.constant 2 : i32
    %mul3A_0 = arith.muli %arg1, %mul3A : i32
    %add3A = arith.addi %mul3A_0, %arg0 : i32
    %mul3A_1 = arith.constant 128 : i32
    %mul3A_2 = arith.muli %add3A, %mul3A_1 : i32
    %broadcast_in_dim3A = arith.constant 0.000000e+00 : f32
    %broadcast_in_dim3A_3 = vector.broadcast %broadcast_in_dim3A : f32 to vector<16xf32>
    %dma_start3A = arith.constant 0 : i32
    %dma_start3A_4 = tpu.memref_slice %arg2[%mul3A_2, %dma_start3A] : memref<4096x256xi32, #tpu.memory_space<hbm>> -> memref<128x256xi32, #tpu.memory_space<hbm>>
    %dma_start3A_5 = arith.constant 0 : i32
    %dma_start3A_6 = tpu.memref_slice %arg2[%mul3A_2, %dma_start3A_5] : memref<4096x256xi32, #tpu.memory_space<hbm>> -> memref<128x256xi32, #tpu.memory_space<hbm>>
    tpu.enqueue_dma source(%dma_start3A_6 : memref<128x256xi32, #tpu.memory_space<hbm>>) target(%arg5 : memref<128x256xi32, #tpu.memory_space<vmem>>) target_semaphore(%arg9 : memref<!tpu.dma_semaphore, #tpu.memory_space<semaphore_mem>>)
    %dma_start3A_7 = arith.constant 0 : i32
    %dma_start3A_8 = tpu.memref_slice %arg3[%mul3A_2, %dma_start3A_7] : memref<4096x256xf32, #tpu.memory_space<hbm>> -> memref<128x256xf32, #tpu.memory_space<hbm>>
    %dma_start3A_9 = arith.constant 0 : i32
    %dma_start3A_10 = tpu.memref_slice %arg3[%mul3A_2, %dma_start3A_9] : memref<4096x256xf32, #tpu.memory_space<hbm>> -> memref<128x256xf32, #tpu.memory_space<hbm>>
    tpu.enqueue_dma source(%dma_start3A_10 : memref<128x256xf32, #tpu.memory_space<hbm>>) target(%arg6 : memref<128x256xf32, #tpu.memory_space<vmem>>) target_semaphore(%arg9 : memref<!tpu.dma_semaphore, #tpu.memory_space<semaphore_mem>>)
    %parallel_loop3A = arith.constant 0 : i32
    %parallel_loop3A_11 = arith.constant 1024 : i32
    %parallel_loop3A_12 = arith.constant 1 : i32
    scf.for %parallel_loop3A_58 = %parallel_loop3A to %parallel_loop3A_11 step %parallel_loop3A_12  : i32 {
      %parallel_loop3A_59 = arith.constant 128 : i32
      %parallel_loop3A_60 = arith.divsi %parallel_loop3A_58, %parallel_loop3A_59 : i32
      %parallel_loop3A_61 = arith.constant 0 : i32
      %parallel_loop3A_62 = arith.cmpi sgt, %parallel_loop3A_58, %parallel_loop3A_61 : i32
      %parallel_loop3A_63 = arith.extui %parallel_loop3A_62 : i1 to i32
      %parallel_loop3A_64 = arith.constant 0 : i32
      %parallel_loop3A_65 = arith.cmpi slt, %parallel_loop3A_58, %parallel_loop3A_64 : i32
      %parallel_loop3A_66 = arith.extui %parallel_loop3A_65 : i1 to i32
      %parallel_loop3A_67 = arith.subi %parallel_loop3A_63, %parallel_loop3A_66 : i32
      %parallel_loop3A_68 = arith.constant 0 : i32
      %parallel_loop3A_69 = arith.cmpi sgt, %parallel_loop3A_59, %parallel_loop3A_68 : i32
      %parallel_loop3A_70 = arith.extui %parallel_loop3A_69 : i1 to i32
      %parallel_loop3A_71 = arith.constant 0 : i32
      %parallel_loop3A_72 = arith.cmpi slt, %parallel_loop3A_59, %parallel_loop3A_71 : i32
      %parallel_loop3A_73 = arith.extui %parallel_loop3A_72 : i1 to i32
      %parallel_loop3A_74 = arith.subi %parallel_loop3A_70, %parallel_loop3A_73 : i32
      %parallel_loop3A_75 = arith.cmpi ne, %parallel_loop3A_67, %parallel_loop3A_74 : i32
      %parallel_loop3A_76 = arith.remsi %parallel_loop3A_58, %parallel_loop3A_59 : i32
      %parallel_loop3A_77 = arith.constant 0 : i32
      %parallel_loop3A_78 = arith.cmpi ne, %parallel_loop3A_76, %parallel_loop3A_77 : i32
      %parallel_loop3A_79 = arith.andi %parallel_loop3A_75, %parallel_loop3A_78 : i1
      %parallel_loop3A_80 = arith.constant 1 : i32
      %parallel_loop3A_81 = arith.subi %parallel_loop3A_60, %parallel_loop3A_80 : i32
      %parallel_loop3A_82 = arith.select %parallel_loop3A_79, %parallel_loop3A_81, %parallel_loop3A_60 : i32
      %parallel_loop3A_83 = arith.constant 128 : i32
      %parallel_loop3A_84 = arith.constant 0 : i32
      %parallel_loop3A_85 = arith.cmpi eq, %parallel_loop3A_83, %parallel_loop3A_84 : i32
      %parallel_loop3A_86 = arith.constant 1 : i32
      %parallel_loop3A_87 = arith.select %parallel_loop3A_85, %parallel_loop3A_86, %parallel_loop3A_83 : i32
      %parallel_loop3A_88 = arith.remsi %parallel_loop3A_58, %parallel_loop3A_87 : i32
      %parallel_loop3A_89 = arith.constant 0 : i32
      %parallel_loop3A_90 = arith.cmpi ne, %parallel_loop3A_88, %parallel_loop3A_89 : i32
      %parallel_loop3A_91 = arith.constant 0 : i32
      %parallel_loop3A_92 = arith.cmpi slt, %parallel_loop3A_88, %parallel_loop3A_91 : i32
      %parallel_loop3A_93 = arith.constant 0 : i32
      %parallel_loop3A_94 = arith.cmpi slt, %parallel_loop3A_87, %parallel_loop3A_93 : i32
      %parallel_loop3A_95 = arith.xori %parallel_loop3A_92, %parallel_loop3A_94 : i1
      %parallel_loop3A_96 = arith.andi %parallel_loop3A_95, %parallel_loop3A_90 : i1
      %parallel_loop3A_97 = arith.addi %parallel_loop3A_88, %parallel_loop3A_87 : i32
      %parallel_loop3A_98 = arith.select %parallel_loop3A_96, %parallel_loop3A_97, %parallel_loop3A_88 : i32
      %parallel_loop3A_99 = arith.constant 16 : i32
      %parallel_loop3A_100 = arith.muli %parallel_loop3A_98, %parallel_loop3A_99 : i32
      %parallel_loop3A_101 = arith.index_cast %parallel_loop3A_82 : i32 to index
      %parallel_loop3A_102 = arith.index_cast %parallel_loop3A_100 : i32 to index
      %parallel_loop3A_103 = tpu.vector_load %arg7[%parallel_loop3A_101, %parallel_loop3A_102] {strides = array<i32>} : memref<8x2048xf32, #tpu.memory_space<vmem>>, vector<16xf32>,
      tpu.vector_store %arg7[%parallel_loop3A_101, %parallel_loop3A_102], %broadcast_in_dim3A_3 {strides = array<i32>} : memref<8x2048xf32, #tpu.memory_space<vmem>>, vector<16xf32>,
    } {sc.loop_unroll_factor = 16 : i64, sc.parallel_access}
    %parallel_loop3A_13 = arith.constant 0 : i32
    %parallel_loop3A_14 = arith.constant 1024 : i32
    %parallel_loop3A_15 = arith.constant 1 : i32
    scf.for %parallel_loop3A_58 = %parallel_loop3A_13 to %parallel_loop3A_14 step %parallel_loop3A_15  : i32 {
      %parallel_loop3A_59 = arith.constant 128 : i32
      %parallel_loop3A_60 = arith.divsi %parallel_loop3A_58, %parallel_loop3A_59 : i32
      %parallel_loop3A_61 = arith.constant 0 : i32
      %parallel_loop3A_62 = arith.cmpi sgt, %parallel_loop3A_58, %parallel_loop3A_61 : i32
      %parallel_loop3A_63 = arith.extui %parallel_loop3A_62 : i1 to i32
      %parallel_loop3A_64 = arith.constant 0 : i32
      %parallel_loop3A_65 = arith.cmpi slt, %parallel_loop3A_58, %parallel_loop3A_64 : i32
      %parallel_loop3A_66 = arith.extui %parallel_loop3A_65 : i1 to i32
      %parallel_loop3A_67 = arith.subi %parallel_loop3A_63, %parallel_loop3A_66 : i32
      %parallel_loop3A_68 = arith.constant 0 : i32
      %parallel_loop3A_69 = arith.cmpi sgt, %parallel_loop3A_59, %parallel_loop3A_68 : i32
      %parallel_loop3A_70 = arith.extui %parallel_loop3A_69 : i1 to i32
      %parallel_loop3A_71 = arith.constant 0 : i32
      %parallel_loop3A_72 = arith.cmpi slt, %parallel_loop3A_59, %parallel_loop3A_71 : i32
      %parallel_loop3A_73 = arith.extui %parallel_loop3A_72 : i1 to i32
      %parallel_loop3A_74 = arith.subi %parallel_loop3A_70, %parallel_loop3A_73 : i32
      %parallel_loop3A_75 = arith.cmpi ne, %parallel_loop3A_67, %parallel_loop3A_74 : i32
      %parallel_loop3A_76 = arith.remsi %parallel_loop3A_58, %parallel_loop3A_59 : i32
      %parallel_loop3A_77 = arith.constant 0 : i32
      %parallel_loop3A_78 = arith.cmpi ne, %parallel_loop3A_76, %parallel_loop3A_77 : i32
      %parallel_loop3A_79 = arith.andi %parallel_loop3A_75, %parallel_loop3A_78 : i1
      %parallel_loop3A_80 = arith.constant 1 : i32
      %parallel_loop3A_81 = arith.subi %parallel_loop3A_60, %parallel_loop3A_80 : i32
      %parallel_loop3A_82 = arith.select %parallel_loop3A_79, %parallel_loop3A_81, %parallel_loop3A_60 : i32
      %parallel_loop3A_83 = arith.constant 128 : i32
      %parallel_loop3A_84 = arith.constant 0 : i32
      %parallel_loop3A_85 = arith.cmpi eq, %parallel_loop3A_83, %parallel_loop3A_84 : i32
      %parallel_loop3A_86 = arith.constant 1 : i32
      %parallel_loop3A_87 = arith.select %parallel_loop3A_85, %parallel_loop3A_86, %parallel_loop3A_83 : i32
      %parallel_loop3A_88 = arith.remsi %parallel_loop3A_58, %parallel_loop3A_87 : i32
      %parallel_loop3A_89 = arith.constant 0 : i32
      %parallel_loop3A_90 = arith.cmpi ne, %parallel_loop3A_88, %parallel_loop3A_89 : i32
      %parallel_loop3A_91 = arith.constant 0 : i32
      %parallel_loop3A_92 = arith.cmpi slt, %parallel_loop3A_88, %parallel_loop3A_91 : i32
      %parallel_loop3A_93 = arith.constant 0 : i32
      %parallel_loop3A_94 = arith.cmpi slt, %parallel_loop3A_87, %parallel_loop3A_93 : i32
      %parallel_loop3A_95 = arith.xori %parallel_loop3A_92, %parallel_loop3A_94 : i1
      %parallel_loop3A_96 = arith.andi %parallel_loop3A_95, %parallel_loop3A_90 : i1
      %parallel_loop3A_97 = arith.addi %parallel_loop3A_88, %parallel_loop3A_87 : i32
      %parallel_loop3A_98 = arith.select %parallel_loop3A_96, %parallel_loop3A_97, %parallel_loop3A_88 : i32
      %parallel_loop3A_99 = arith.constant 16 : i32
      %parallel_loop3A_100 = arith.muli %parallel_loop3A_98, %parallel_loop3A_99 : i32
      %parallel_loop3A_101 = arith.index_cast %parallel_loop3A_82 : i32 to index
      %parallel_loop3A_102 = arith.index_cast %parallel_loop3A_100 : i32 to index
      %parallel_loop3A_103 = tpu.vector_load %arg8[%parallel_loop3A_101, %parallel_loop3A_102] {strides = array<i32>} : memref<8x2048xf32, #tpu.memory_space<vmem>>, vector<16xf32>,
      tpu.vector_store %arg8[%parallel_loop3A_101, %parallel_loop3A_102], %broadcast_in_dim3A_3 {strides = array<i32>} : memref<8x2048xf32, #tpu.memory_space<vmem>>, vector<16xf32>,
    } {sc.loop_unroll_factor = 16 : i64, sc.parallel_access}
    %dma_wait3A = arith.constant 0 : i32
    %dma_wait3A_16 = tpu.memref_slice %arg2[%mul3A_2, %dma_wait3A] : memref<4096x256xi32, #tpu.memory_space<hbm>> -> memref<128x256xi32, #tpu.memory_space<hbm>>
    %dma_wait3A_17 = arith.constant 0 : i32
    %dma_wait3A_18 = tpu.memref_slice %arg2[%mul3A_2, %dma_wait3A_17] : memref<4096x256xi32, #tpu.memory_space<hbm>> -> memref<128x256xi32, #tpu.memory_space<hbm>>
    tpu.wait_dma2 semaphore(%arg9 : memref<!tpu.dma_semaphore, #tpu.memory_space<semaphore_mem>>) src(%dma_wait3A_18 : memref<128x256xi32, #tpu.memory_space<hbm>>) dst(%arg5 : memref<128x256xi32, #tpu.memory_space<vmem>>)
    %dma_wait3A_19 = arith.constant 0 : i32
    %dma_wait3A_20 = tpu.memref_slice %arg3[%mul3A_2, %dma_wait3A_19] : memref<4096x256xf32, #tpu.memory_space<hbm>> -> memref<128x256xf32, #tpu.memory_space<hbm>>
    %dma_wait3A_21 = arith.constant 0 : i32
    %dma_wait3A_22 = tpu.memref_slice %arg3[%mul3A_2, %dma_wait3A_21] : memref<4096x256xf32, #tpu.memory_space<hbm>> -> memref<128x256xf32, #tpu.memory_space<hbm>>
    tpu.wait_dma2 semaphore(%arg9 : memref<!tpu.dma_semaphore, #tpu.memory_space<semaphore_mem>>) src(%dma_wait3A_22 : memref<128x256xf32, #tpu.memory_space<hbm>>) dst(%arg6 : memref<128x256xf32, #tpu.memory_space<vmem>>)
    %parallel_loop3A_23 = arith.constant 0 : i32
    %parallel_loop3A_24 = arith.constant 8 : i32
    %parallel_loop3A_25 = arith.constant 1 : i32
    scf.for %parallel_loop3A_58 = %parallel_loop3A_23 to %parallel_loop3A_24 step %parallel_loop3A_25  : i32 {
      %parallel_loop3A_59 = arith.constant 0 : i32
      %parallel_loop3A_60 = arith.addi %parallel_loop3A_59, %parallel_loop3A_58 : i32
      %parallel_loop3A_61 = arith.constant 0 : i32
      %parallel_loop3A_62 = vector.broadcast %parallel_loop3A_61 : i32 to vector<16xi32>
      %parallel_loop3A_63 = vector.broadcast %parallel_loop3A_58 : i32 to vector<16xi32>
      %parallel_loop3A_64 = arith.addi %parallel_loop3A_62, %parallel_loop3A_63 : vector<16xi32>
      %parallel_loop3A_65 = arith.index_cast %parallel_loop3A_60 : i32 to index
      %parallel_loop3A_66 = arith.constant 0 : index
      %parallel_loop3A_67 = tpu.vector_load %arg5[%parallel_loop3A_65, %parallel_loop3A_66] {strides = array<i32>} : memref<128x256xi32, #tpu.memory_space<vmem>>, vector<16xi32>,
      %parallel_loop3A_68 = arith.index_cast %parallel_loop3A_60 : i32 to index
      %parallel_loop3A_69 = arith.constant 0 : index
      %parallel_loop3A_70 = tpu.vector_load %arg6[%parallel_loop3A_68, %parallel_loop3A_69] {strides = array<i32>} : memref<128x256xf32, #tpu.memory_space<vmem>>, vector<16xf32>,
      tpu.vector_store_idx %arg7[%parallel_loop3A_64, %parallel_loop3A_67], %parallel_loop3A_70 {add = true} : memref<8x2048xf32, #tpu.memory_space<vmem>>[vector<16xi32>, vector<16xi32>], vector<16xf32>,
      %parallel_loop3A_71 = arith.index_cast %parallel_loop3A_60 : i32 to index
      %parallel_loop3A_72 = arith.constant 16 : index
      %parallel_loop3A_73 = tpu.vector_load %arg5[%parallel_loop3A_71, %parallel_loop3A_72] {strides = array<i32>} : memref<128x256xi32, #tpu.memory_space<vmem>>, vector<16xi32>,
      %parallel_loop3A_74 = arith.index_cast %parallel_loop3A_60 : i32 to index
      %parallel_loop3A_75 = arith.constant 16 : index
      %parallel_loop3A_76 = tpu.vector_load %arg6[%parallel_loop3A_74, %parallel_loop3A_75] {strides = array<i32>} : memref<128x256xf32, #tpu.memory_space<vmem>>, vector<16xf32>,
      tpu.vector_store_idx %arg7[%parallel_loop3A_64, %parallel_loop3A_73], %parallel_loop3A_76 {add = true} : memref<8x2048xf32, #tpu.memory_space<vmem>>[vector<16xi32>, vector<16xi32>], vector<16xf32>,
      %parallel_loop3A_77 = arith.index_cast %parallel_loop3A_60 : i32 to index
      %parallel_loop3A_78 = arith.constant 32 : index
      %parallel_loop3A_79 = tpu.vector_load %arg5[%parallel_loop3A_77, %parallel_loop3A_78] {strides = array<i32>} : memref<128x256xi32, #tpu.memory_space<vmem>>, vector<16xi32>,
      %parallel_loop3A_80 = arith.index_cast %parallel_loop3A_60 : i32 to index
      %parallel_loop3A_81 = arith.constant 32 : index
      %parallel_loop3A_82 = tpu.vector_load %arg6[%parallel_loop3A_80, %parallel_loop3A_81] {strides = array<i32>} : memref<128x256xf32, #tpu.memory_space<vmem>>, vector<16xf32>,
      tpu.vector_store_idx %arg7[%parallel_loop3A_64, %parallel_loop3A_79], %parallel_loop3A_82 {add = true} : memref<8x2048xf32, #tpu.memory_space<vmem>>[vector<16xi32>, vector<16xi32>], vector<16xf32>,
      %parallel_loop3A_83 = arith.index_cast %parallel_loop3A_60 : i32 to index
      %parallel_loop3A_84 = arith.constant 48 : index
      %parallel_loop3A_85 = tpu.vector_load %arg5[%parallel_loop3A_83, %parallel_loop3A_84] {strides = array<i32>} : memref<128x256xi32, #tpu.memory_space<vmem>>, vector<16xi32>,
      %parallel_loop3A_86 = arith.index_cast %parallel_loop3A_60 : i32 to index
      %parallel_loop3A_87 = arith.constant 48 : index
      %parallel_loop3A_88 = tpu.vector_load %arg6[%parallel_loop3A_86, %parallel_loop3A_87] {strides = array<i32>} : memref<128x256xf32, #tpu.memory_space<vmem>>, vector<16xf32>,
      tpu.vector_store_idx %arg7[%parallel_loop3A_64, %parallel_loop3A_85], %parallel_loop3A_88 {add = true} : memref<8x2048xf32, #tpu.memory_space<vmem>>[vector<16xi32>, vector<16xi32>], vector<16xf32>,
      %parallel_loop3A_89 = arith.index_cast %parallel_loop3A_60 : i32 to index
      %parallel_loop3A_90 = arith.constant 64 : index
      %parallel_loop3A_91 = tpu.vector_load %arg5[%parallel_loop3A_89, %parallel_loop3A_90] {strides = array<i32>} : memref<128x256xi32, #tpu.memory_space<vmem>>, vector<16xi32>,
      %parallel_loop3A_92 = arith.index_cast %parallel_loop3A_60 : i32 to index
      %parallel_loop3A_93 = arith.constant 64 : index
      %parallel_loop3A_94 = tpu.vector_load %arg6[%parallel_loop3A_92, %parallel_loop3A_93] {strides = array<i32>} : memref<128x256xf32, #tpu.memory_space<vmem>>, vector<16xf32>,
      tpu.vector_store_idx %arg7[%parallel_loop3A_64, %parallel_loop3A_91], %parallel_loop3A_94 {add = true} : memref<8x2048xf32, #tpu.memory_space<vmem>>[vector<16xi32>, vector<16xi32>], vector<16xf32>,
      %parallel_loop3A_95 = arith.index_cast %parallel_loop3A_60 : i32 to index
      %parallel_loop3A_96 = arith.constant 80 : index
      %parallel_loop3A_97 = tpu.vector_load %arg5[%parallel_loop3A_95, %parallel_loop3A_96] {strides = array<i32>} : memref<128x256xi32, #tpu.memory_space<vmem>>, vector<16xi32>,
      %parallel_loop3A_98 = arith.index_cast %parallel_loop3A_60 : i32 to index
      %parallel_loop3A_99 = arith.constant 80 : index
      %parallel_loop3A_100 = tpu.vector_load %arg6[%parallel_loop3A_98, %parallel_loop3A_99] {strides = array<i32>} : memref<128x256xf32, #tpu.memory_space<vmem>>, vector<16xf32>,
      tpu.vector_store_idx %arg7[%parallel_loop3A_64, %parallel_loop3A_97], %parallel_loop3A_100 {add = true} : memref<8x2048xf32, #tpu.memory_space<vmem>>[vector<16xi32>, vector<16xi32>], vector<16xf32>,
      %parallel_loop3A_101 = arith.index_cast %parallel_loop3A_60 : i32 to index
      %parallel_loop3A_102 = arith.constant 96 : index
      %parallel_loop3A_103 = tpu.vector_load %arg5[%parallel_loop3A_101, %parallel_loop3A_102] {strides = array<i32>} : memref<128x256xi32, #tpu.memory_space<vmem>>, vector<16xi32>,
      %parallel_loop3A_104 = arith.index_cast %parallel_loop3A_60 : i32 to index
      %parallel_loop3A_105 = arith.constant 96 : index
      %parallel_loop3A_106 = tpu.vector_load %arg6[%parallel_loop3A_104, %parallel_loop3A_105] {strides = array<i32>} : memref<128x256xf32, #tpu.memory_space<vmem>>, vector<16xf32>,
      tpu.vector_store_idx %arg7[%parallel_loop3A_64, %parallel_loop3A_103], %parallel_loop3A_106 {add = true} : memref<8x2048xf32, #tpu.memory_space<vmem>>[vector<16xi32>, vector<16xi32>], vector<16xf32>,
      %parallel_loop3A_107 = arith.index_cast %parallel_loop3A_60 : i32 to index
      %parallel_loop3A_108 = arith.constant 112 : index
      %parallel_loop3A_109 = tpu.vector_load %arg5[%parallel_loop3A_107, %parallel_loop3A_108] {strides = array<i32>} : memref<128x256xi32, #tpu.memory_space<vmem>>, vector<16xi32>,
      %parallel_loop3A_110 = arith.index_cast %parallel_loop3A_60 : i32 to index
      %parallel_loop3A_111 = arith.constant 112 : index
      %parallel_loop3A_112 = tpu.vector_load %arg6[%parallel_loop3A_110, %parallel_loop3A_111] {strides = array<i32>} : memref<128x256xf32, #tpu.memory_space<vmem>>, vector<16xf32>,
      tpu.vector_store_idx %arg7[%parallel_loop3A_64, %parallel_loop3A_109], %parallel_loop3A_112 {add = true} : memref<8x2048xf32, #tpu.memory_space<vmem>>[vector<16xi32>, vector<16xi32>], vector<16xf32>,
      %parallel_loop3A_113 = arith.index_cast %parallel_loop3A_60 : i32 to index
      %parallel_loop3A_114 = arith.constant 128 : index
      %parallel_loop3A_115 = tpu.vector_load %arg5[%parallel_loop3A_113, %parallel_loop3A_114] {strides = array<i32>} : memref<128x256xi32, #tpu.memory_space<vmem>>, vector<16xi32>,
      %parallel_loop3A_116 = arith.index_cast %parallel_loop3A_60 : i32 to index
      %parallel_loop3A_117 = arith.constant 128 : index
      %parallel_loop3A_118 = tpu.vector_load %arg6[%parallel_loop3A_116, %parallel_loop3A_117] {strides = array<i32>} : memref<128x256xf32, #tpu.memory_space<vmem>>, vector<16xf32>,
      tpu.vector_store_idx %arg7[%parallel_loop3A_64, %parallel_loop3A_115], %parallel_loop3A_118 {add = true} : memref<8x2048xf32, #tpu.memory_space<vmem>>[vector<16xi32>, vector<16xi32>], vector<16xf32>,
      %parallel_loop3A_119 = arith.index_cast %parallel_loop3A_60 : i32 to index
      %parallel_loop3A_120 = arith.constant 144 : index
      %parallel_loop3A_121 = tpu.vector_load %arg5[%parallel_loop3A_119, %parallel_loop3A_120] {strides = array<i32>} : memref<128x256xi32, #tpu.memory_space<vmem>>, vector<16xi32>,
      %parallel_loop3A_122 = arith.index_cast %parallel_loop3A_60 : i32 to index
      %parallel_loop3A_123 = arith.constant 144 : index
      %parallel_loop3A_124 = tpu.vector_load %arg6[%parallel_loop3A_122, %parallel_loop3A_123] {strides = array<i32>} : memref<128x256xf32, #tpu.memory_space<vmem>>, vector<16xf32>,
      tpu.vector_store_idx %arg7[%parallel_loop3A_64, %parallel_loop3A_121], %parallel_loop3A_124 {add = true} : memref<8x2048xf32, #tpu.memory_space<vmem>>[vector<16xi32>, vector<16xi32>], vector<16xf32>,
      %parallel_loop3A_125 = arith.index_cast %parallel_loop3A_60 : i32 to index
      %parallel_loop3A_126 = arith.constant 160 : index
      %parallel_loop3A_127 = tpu.vector_load %arg5[%parallel_loop3A_125, %parallel_loop3A_126] {strides = array<i32>} : memref<128x256xi32, #tpu.memory_space<vmem>>, vector<16xi32>,
      %parallel_loop3A_128 = arith.index_cast %parallel_loop3A_60 : i32 to index
      %parallel_loop3A_129 = arith.constant 160 : index
      %parallel_loop3A_130 = tpu.vector_load %arg6[%parallel_loop3A_128, %parallel_loop3A_129] {strides = array<i32>} : memref<128x256xf32, #tpu.memory_space<vmem>>, vector<16xf32>,
      tpu.vector_store_idx %arg7[%parallel_loop3A_64, %parallel_loop3A_127], %parallel_loop3A_130 {add = true} : memref<8x2048xf32, #tpu.memory_space<vmem>>[vector<16xi32>, vector<16xi32>], vector<16xf32>,
      %parallel_loop3A_131 = arith.index_cast %parallel_loop3A_60 : i32 to index
      %parallel_loop3A_132 = arith.constant 176 : index
      %parallel_loop3A_133 = tpu.vector_load %arg5[%parallel_loop3A_131, %parallel_loop3A_132] {strides = array<i32>} : memref<128x256xi32, #tpu.memory_space<vmem>>, vector<16xi32>,
      %parallel_loop3A_134 = arith.index_cast %parallel_loop3A_60 : i32 to index
      %parallel_loop3A_135 = arith.constant 176 : index
      %parallel_loop3A_136 = tpu.vector_load %arg6[%parallel_loop3A_134, %parallel_loop3A_135] {strides = array<i32>} : memref<128x256xf32, #tpu.memory_space<vmem>>, vector<16xf32>,
      tpu.vector_store_idx %arg7[%parallel_loop3A_64, %parallel_loop3A_133], %parallel_loop3A_136 {add = true} : memref<8x2048xf32, #tpu.memory_space<vmem>>[vector<16xi32>, vector<16xi32>], vector<16xf32>,
      %parallel_loop3A_137 = arith.index_cast %parallel_loop3A_60 : i32 to index
      %parallel_loop3A_138 = arith.constant 192 : index
      %parallel_loop3A_139 = tpu.vector_load %arg5[%parallel_loop3A_137, %parallel_loop3A_138] {strides = array<i32>} : memref<128x256xi32, #tpu.memory_space<vmem>>, vector<16xi32>,
      %parallel_loop3A_140 = arith.index_cast %parallel_loop3A_60 : i32 to index
      %parallel_loop3A_141 = arith.constant 192 : index
      %parallel_loop3A_142 = tpu.vector_load %arg6[%parallel_loop3A_140, %parallel_loop3A_141] {strides = array<i32>} : memref<128x256xf32, #tpu.memory_space<vmem>>, vector<16xf32>,
      tpu.vector_store_idx %arg7[%parallel_loop3A_64, %parallel_loop3A_139], %parallel_loop3A_142 {add = true} : memref<8x2048xf32, #tpu.memory_space<vmem>>[vector<16xi32>, vector<16xi32>], vector<16xf32>,
      %parallel_loop3A_143 = arith.index_cast %parallel_loop3A_60 : i32 to index
      %parallel_loop3A_144 = arith.constant 208 : index
      %parallel_loop3A_145 = tpu.vector_load %arg5[%parallel_loop3A_143, %parallel_loop3A_144] {strides = array<i32>} : memref<128x256xi32, #tpu.memory_space<vmem>>, vector<16xi32>,
      %parallel_loop3A_146 = arith.index_cast %parallel_loop3A_60 : i32 to index
      %parallel_loop3A_147 = arith.constant 208 : index
      %parallel_loop3A_148 = tpu.vector_load %arg6[%parallel_loop3A_146, %parallel_loop3A_147] {strides = array<i32>} : memref<128x256xf32, #tpu.memory_space<vmem>>, vector<16xf32>,
      tpu.vector_store_idx %arg7[%parallel_loop3A_64, %parallel_loop3A_145], %parallel_loop3A_148 {add = true} : memref<8x2048xf32, #tpu.memory_space<vmem>>[vector<16xi32>, vector<16xi32>], vector<16xf32>,
      %parallel_loop3A_149 = arith.index_cast %parallel_loop3A_60 : i32 to index
      %parallel_loop3A_150 = arith.constant 224 : index
      %parallel_loop3A_151 = tpu.vector_load %arg5[%parallel_loop3A_149, %parallel_loop3A_150] {strides = array<i32>} : memref<128x256xi32, #tpu.memory_space<vmem>>, vector<16xi32>,
      %parallel_loop3A_152 = arith.index_cast %parallel_loop3A_60 : i32 to index
      %parallel_loop3A_153 = arith.constant 224 : index
      %parallel_loop3A_154 = tpu.vector_load %arg6[%parallel_loop3A_152, %parallel_loop3A_153] {strides = array<i32>} : memref<128x256xf32, #tpu.memory_space<vmem>>, vector<16xf32>,
      tpu.vector_store_idx %arg7[%parallel_loop3A_64, %parallel_loop3A_151], %parallel_loop3A_154 {add = true} : memref<8x2048xf32, #tpu.memory_space<vmem>>[vector<16xi32>, vector<16xi32>], vector<16xf32>,
      %parallel_loop3A_155 = arith.index_cast %parallel_loop3A_60 : i32 to index
      %parallel_loop3A_156 = arith.constant 240 : index
      %parallel_loop3A_157 = tpu.vector_load %arg5[%parallel_loop3A_155, %parallel_loop3A_156] {strides = array<i32>} : memref<128x256xi32, #tpu.memory_space<vmem>>, vector<16xi32>,
      %parallel_loop3A_158 = arith.index_cast %parallel_loop3A_60 : i32 to index
      %parallel_loop3A_159 = arith.constant 240 : index
      %parallel_loop3A_160 = tpu.vector_load %arg6[%parallel_loop3A_158, %parallel_loop3A_159] {strides = array<i32>} : memref<128x256xf32, #tpu.memory_space<vmem>>, vector<16xf32>,
      tpu.vector_store_idx %arg7[%parallel_loop3A_64, %parallel_loop3A_157], %parallel_loop3A_160 {add = true} : memref<8x2048xf32, #tpu.memory_space<vmem>>[vector<16xi32>, vector<16xi32>], vector<16xf32>,
    } {sc.loop_unroll_factor = 4 : i64, sc.parallel_access}
    %add3A_26 = arith.constant 0 : i32
    %add3A_27 = arith.addi %mul3A_2, %add3A_26 : i32
    %dma_start3A_28 = arith.constant 0 : i32
    %dma_start3A_29 = tpu.memref_slice %arg4[%add3A_27, %dma_start3A_28] : memref<4096x2048xf32, #tpu.memory_space<hbm>> -> memref<8x2048xf32, #tpu.memory_space<hbm>>
    %dma_start3A_30 = arith.constant 0 : i32
    %dma_start3A_31 = tpu.memref_slice %arg4[%add3A_27, %dma_start3A_30] : memref<4096x2048xf32, #tpu.memory_space<hbm>> -> memref<8x2048xf32, #tpu.memory_space<hbm>>
    tpu.enqueue_dma source(%arg7 : memref<8x2048xf32, #tpu.memory_space<vmem>>) target(%dma_start3A_31 : memref<8x2048xf32, #tpu.memory_space<hbm>>) target_semaphore(%arg10 : memref<!tpu.dma_semaphore, #tpu.memory_space<semaphore_mem>>)
    %parallel_loop3A_32 = arith.constant 0 : i32
    %parallel_loop3A_33 = arith.constant 8 : i32
    %parallel_loop3A_34 = arith.constant 1 : i32
    scf.for %parallel_loop3A_58 = %parallel_loop3A_32 to %parallel_loop3A_33 step %parallel_loop3A_34  : i32 {
      %parallel_loop3A_59 = arith.constant 8 : i32
      %parallel_loop3A_60 = arith.addi %parallel_loop3A_59, %parallel_loop3A_58 : i32
      %parallel_loop3A_61 = arith.constant 0 : i32
      %parallel_loop3A_62 = vector.broadcast %parallel_loop3A_61 : i32 to vector<16xi32>
      %parallel_loop3A_63 = vector.broadcast %parallel_loop3A_58 : i32 to vector<16xi32>
      %parallel_loop3A_64 = arith.addi %parallel_loop3A_62, %parallel_loop3A_63 : vector<16xi32>
      %parallel_loop3A_65 = arith.index_cast %parallel_loop3A_60 : i32 to index
      %parallel_loop3A_66 = arith.constant 0 : index
      %parallel_loop3A_67 = tpu.vector_load %arg5[%parallel_loop3A_65, %parallel_loop3A_66] {strides = array<i32>} : memref<128x256xi32, #tpu.memory_space<vmem>>, vector<16xi32>,
      %parallel_loop3A_68 = arith.index_cast %parallel_loop3A_60 : i32 to index
      %parallel_loop3A_69 = arith.constant 0 : index
      %parallel_loop3A_70 = tpu.vector_load %arg6[%parallel_loop3A_68, %parallel_loop3A_69] {strides = array<i32>} : memref<128x256xf32, #tpu.memory_space<vmem>>, vector<16xf32>,
      tpu.vector_store_idx %arg8[%parallel_loop3A_64, %parallel_loop3A_67], %parallel_loop3A_70 {add = true} : memref<8x2048xf32, #tpu.memory_space<vmem>>[vector<16xi32>, vector<16xi32>], vector<16xf32>,
      %parallel_loop3A_71 = arith.index_cast %parallel_loop3A_60 : i32 to index
      %parallel_loop3A_72 = arith.constant 16 : index
      %parallel_loop3A_73 = tpu.vector_load %arg5[%parallel_loop3A_71, %parallel_loop3A_72] {strides = array<i32>} : memref<128x256xi32, #tpu.memory_space<vmem>>, vector<16xi32>,
      %parallel_loop3A_74 = arith.index_cast %parallel_loop3A_60 : i32 to index
      %parallel_loop3A_75 = arith.constant 16 : index
      %parallel_loop3A_76 = tpu.vector_load %arg6[%parallel_loop3A_74, %parallel_loop3A_75] {strides = array<i32>} : memref<128x256xf32, #tpu.memory_space<vmem>>, vector<16xf32>,
      tpu.vector_store_idx %arg8[%parallel_loop3A_64, %parallel_loop3A_73], %parallel_loop3A_76 {add = true} : memref<8x2048xf32, #tpu.memory_space<vmem>>[vector<16xi32>, vector<16xi32>], vector<16xf32>,
      %parallel_loop3A_77 = arith.index_cast %parallel_loop3A_60 : i32 to index
      %parallel_loop3A_78 = arith.constant 32 : index
      %parallel_loop3A_79 = tpu.vector_load %arg5[%parallel_loop3A_77, %parallel_loop3A_78] {strides = array<i32>} : memref<128x256xi32, #tpu.memory_space<vmem>>, vector<16xi32>,
      %parallel_loop3A_80 = arith.index_cast %parallel_loop3A_60 : i32 to index
      %parallel_loop3A_81 = arith.constant 32 : index
      %parallel_loop3A_82 = tpu.vector_load %arg6[%parallel_loop3A_80, %parallel_loop3A_81] {strides = array<i32>} : memref<128x256xf32, #tpu.memory_space<vmem>>, vector<16xf32>,
      tpu.vector_store_idx %arg8[%parallel_loop3A_64, %parallel_loop3A_79], %parallel_loop3A_82 {add = true} : memref<8x2048xf32, #tpu.memory_space<vmem>>[vector<16xi32>, vector<16xi32>], vector<16xf32>,
      %parallel_loop3A_83 = arith.index_cast %parallel_loop3A_60 : i32 to index
      %parallel_loop3A_84 = arith.constant 48 : index
      %parallel_loop3A_85 = tpu.vector_load %arg5[%parallel_loop3A_83, %parallel_loop3A_84] {strides = array<i32>} : memref<128x256xi32, #tpu.memory_space<vmem>>, vector<16xi32>,
      %parallel_loop3A_86 = arith.index_cast %parallel_loop3A_60 : i32 to index
      %parallel_loop3A_87 = arith.constant 48 : index
      %parallel_loop3A_88 = tpu.vector_load %arg6[%parallel_loop3A_86, %parallel_loop3A_87] {strides = array<i32>} : memref<128x256xf32, #tpu.memory_space<vmem>>, vector<16xf32>,
      tpu.vector_store_idx %arg8[%parallel_loop3A_64, %parallel_loop3A_85], %parallel_loop3A_88 {add = true} : memref<8x2048xf32, #tpu.memory_space<vmem>>[vector<16xi32>, vector<16xi32>], vector<16xf32>,
      %parallel_loop3A_89 = arith.index_cast %parallel_loop3A_60 : i32 to index
      %parallel_loop3A_90 = arith.constant 64 : index
      %parallel_loop3A_91 = tpu.vector_load %arg5[%parallel_loop3A_89, %parallel_loop3A_90] {strides = array<i32>} : memref<128x256xi32, #tpu.memory_space<vmem>>, vector<16xi32>,
      %parallel_loop3A_92 = arith.index_cast %parallel_loop3A_60 : i32 to index
      %parallel_loop3A_93 = arith.constant 64 : index
      %parallel_loop3A_94 = tpu.vector_load %arg6[%parallel_loop3A_92, %parallel_loop3A_93] {strides = array<i32>} : memref<128x256xf32, #tpu.memory_space<vmem>>, vector<16xf32>,
      tpu.vector_store_idx %arg8[%parallel_loop3A_64, %parallel_loop3A_91], %parallel_loop3A_94 {add = true} : memref<8x2048xf32, #tpu.memory_space<vmem>>[vector<16xi32>, vector<16xi32>], vector<16xf32>,
      %parallel_loop3A_95 = arith.index_cast %parallel_loop3A_60 : i32 to index
      %parallel_loop3A_96 = arith.constant 80 : index
      %parallel_loop3A_97 = tpu.vector_load %arg5[%parallel_loop3A_95, %parallel_loop3A_96] {strides = array<i32>} : memref<128x256xi32, #tpu.memory_space<vmem>>, vector<16xi32>,
      %parallel_loop3A_98 = arith.index_cast %parallel_loop3A_60 : i32 to index
      %parallel_loop3A_99 = arith.constant 80 : index
      %parallel_loop3A_100 = tpu.vector_load %arg6[%parallel_loop3A_98, %parallel_loop3A_99] {strides = array<i32>} : memref<128x256xf32, #tpu.memory_space<vmem>>, vector<16xf32>,
      tpu.vector_store_idx %arg8[%parallel_loop3A_64, %parallel_loop3A_97], %parallel_loop3A_100 {add = true} : memref<8x2048xf32, #tpu.memory_space<vmem>>[vector<16xi32>, vector<16xi32>], vector<16xf32>,
      %parallel_loop3A_101 = arith.index_cast %parallel_loop3A_60 : i32 to index
      %parallel_loop3A_102 = arith.constant 96 : index
      %parallel_loop3A_103 = tpu.vector_load %arg5[%parallel_loop3A_101, %parallel_loop3A_102] {strides = array<i32>} : memref<128x256xi32, #tpu.memory_space<vmem>>, vector<16xi32>,
      %parallel_loop3A_104 = arith.index_cast %parallel_loop3A_60 : i32 to index
      %parallel_loop3A_105 = arith.constant 96 : index
      %parallel_loop3A_106 = tpu.vector_load %arg6[%parallel_loop3A_104, %parallel_loop3A_105] {strides = array<i32>} : memref<128x256xf32, #tpu.memory_space<vmem>>, vector<16xf32>,
      tpu.vector_store_idx %arg8[%parallel_loop3A_64, %parallel_loop3A_103], %parallel_loop3A_106 {add = true} : memref<8x2048xf32, #tpu.memory_space<vmem>>[vector<16xi32>, vector<16xi32>], vector<16xf32>,
      %parallel_loop3A_107 = arith.index_cast %parallel_loop3A_60 : i32 to index
      %parallel_loop3A_108 = arith.constant 112 : index
      %parallel_loop3A_109 = tpu.vector_load %arg5[%parallel_loop3A_107, %parallel_loop3A_108] {strides = array<i32>} : memref<128x256xi32, #tpu.memory_space<vmem>>, vector<16xi32>,
      %parallel_loop3A_110 = arith.index_cast %parallel_loop3A_60 : i32 to index
      %parallel_loop3A_111 = arith.constant 112 : index
      %parallel_loop3A_112 = tpu.vector_load %arg6[%parallel_loop3A_110, %parallel_loop3A_111] {strides = array<i32>} : memref<128x256xf32, #tpu.memory_space<vmem>>, vector<16xf32>,
      tpu.vector_store_idx %arg8[%parallel_loop3A_64, %parallel_loop3A_109], %parallel_loop3A_112 {add = true} : memref<8x2048xf32, #tpu.memory_space<vmem>>[vector<16xi32>, vector<16xi32>], vector<16xf32>,
      %parallel_loop3A_113 = arith.index_cast %parallel_loop3A_60 : i32 to index
      %parallel_loop3A_114 = arith.constant 128 : index
      %parallel_loop3A_115 = tpu.vector_load %arg5[%parallel_loop3A_113, %parallel_loop3A_114] {strides = array<i32>} : memref<128x256xi32, #tpu.memory_space<vmem>>, vector<16xi32>,
      %parallel_loop3A_116 = arith.index_cast %parallel_loop3A_60 : i32 to index
      %parallel_loop3A_117 = arith.constant 128 : index
      %parallel_loop3A_118 = tpu.vector_load %arg6[%parallel_loop3A_116, %parallel_loop3A_117] {strides = array<i32>} : memref<128x256xf32, #tpu.memory_space<vmem>>, vector<16xf32>,
      tpu.vector_store_idx %arg8[%parallel_loop3A_64, %parallel_loop3A_115], %parallel_loop3A_118 {add = true} : memref<8x2048xf32, #tpu.memory_space<vmem>>[vector<16xi32>, vector<16xi32>], vector<16xf32>,
      %parallel_loop3A_119 = arith.index_cast %parallel_loop3A_60 : i32 to index
      %parallel_loop3A_120 = arith.constant 144 : index
      %parallel_loop3A_121 = tpu.vector_load %arg5[%parallel_loop3A_119, %parallel_loop3A_120] {strides = array<i32>} : memref<128x256xi32, #tpu.memory_space<vmem>>, vector<16xi32>,
      %parallel_loop3A_122 = arith.index_cast %parallel_loop3A_60 : i32 to index
      %parallel_loop3A_123 = arith.constant 144 : index
      %parallel_loop3A_124 = tpu.vector_load %arg6[%parallel_loop3A_122, %parallel_loop3A_123] {strides = array<i32>} : memref<128x256xf32, #tpu.memory_space<vmem>>, vector<16xf32>,
      tpu.vector_store_idx %arg8[%parallel_loop3A_64, %parallel_loop3A_121], %parallel_loop3A_124 {add = true} : memref<8x2048xf32, #tpu.memory_space<vmem>>[vector<16xi32>, vector<16xi32>], vector<16xf32>,
      %parallel_loop3A_125 = arith.index_cast %parallel_loop3A_60 : i32 to index
      %parallel_loop3A_126 = arith.constant 160 : index
      %parallel_loop3A_127 = tpu.vector_load %arg5[%parallel_loop3A_125, %parallel_loop3A_126] {strides = array<i32>} : memref<128x256xi32, #tpu.memory_space<vmem>>, vector<16xi32>,
      %parallel_loop3A_128 = arith.index_cast %parallel_loop3A_60 : i32 to index
      %parallel_loop3A_129 = arith.constant 160 : index
      %parallel_loop3A_130 = tpu.vector_load %arg6[%parallel_loop3A_128, %parallel_loop3A_129] {strides = array<i32>} : memref<128x256xf32, #tpu.memory_space<vmem>>, vector<16xf32>,
      tpu.vector_store_idx %arg8[%parallel_loop3A_64, %parallel_loop3A_127], %parallel_loop3A_130 {add = true} : memref<8x2048xf32, #tpu.memory_space<vmem>>[vector<16xi32>, vector<16xi32>], vector<16xf32>,
      %parallel_loop3A_131 = arith.index_cast %parallel_loop3A_60 : i32 to index
      %parallel_loop3A_132 = arith.constant 176 : index
      %parallel_loop3A_133 = tpu.vector_load %arg5[%parallel_loop3A_131, %parallel_loop3A_132] {strides = array<i32>} : memref<128x256xi32, #tpu.memory_space<vmem>>, vector<16xi32>,
      %parallel_loop3A_134 = arith.index_cast %parallel_loop3A_60 : i32 to index
      %parallel_loop3A_135 = arith.constant 176 : index
      %parallel_loop3A_136 = tpu.vector_load %arg6[%parallel_loop3A_134, %parallel_loop3A_135] {strides = array<i32>} : memref<128x256xf32, #tpu.memory_space<vmem>>, vector<16xf32>,
      tpu.vector_store_idx %arg8[%parallel_loop3A_64, %parallel_loop3A_133], %parallel_loop3A_136 {add = true} : memref<8x2048xf32, #tpu.memory_space<vmem>>[vector<16xi32>, vector<16xi32>], vector<16xf32>,
      %parallel_loop3A_137 = arith.index_cast %parallel_loop3A_60 : i32 to index
      %parallel_loop3A_138 = arith.constant 192 : index
      %parallel_loop3A_139 = tpu.vector_load %arg5[%parallel_loop3A_137, %parallel_loop3A_138] {strides = array<i32>} : memref<128x256xi32, #tpu.memory_space<vmem>>, vector<16xi32>,
      %parallel_loop3A_140 = arith.index_cast %parallel_loop3A_60 : i32 to index
      %parallel_loop3A_141 = arith.constant 192 : index
      %parallel_loop3A_142 = tpu.vector_load %arg6[%parallel_loop3A_140, %parallel_loop3A_141] {strides = array<i32>} : memref<128x256xf32, #tpu.memory_space<vmem>>, vector<16xf32>,
      tpu.vector_store_idx %arg8[%parallel_loop3A_64, %parallel_loop3A_139], %parallel_loop3A_142 {add = true} : memref<8x2048xf32, #tpu.memory_space<vmem>>[vector<16xi32>, vector<16xi32>], vector<16xf32>,
      %parallel_loop3A_143 = arith.index_cast %parallel_loop3A_60 : i32 to index
      %parallel_loop3A_144 = arith.constant 208 : index
      %parallel_loop3A_145 = tpu.vector_load %arg5[%parallel_loop3A_143, %parallel_loop3A_144] {strides = array<i32>} : memref<128x256xi32, #tpu.memory_space<vmem>>, vector<16xi32>,
      %parallel_loop3A_146 = arith.index_cast %parallel_loop3A_60 : i32 to index
      %parallel_loop3A_147 = arith.constant 208 : index
      %parallel_loop3A_148 = tpu.vector_load %arg6[%parallel_loop3A_146, %parallel_loop3A_147] {strides = array<i32>} : memref<128x256xf32, #tpu.memory_space<vmem>>, vector<16xf32>,
      tpu.vector_store_idx %arg8[%parallel_loop3A_64, %parallel_loop3A_145], %parallel_loop3A_148 {add = true} : memref<8x2048xf32, #tpu.memory_space<vmem>>[vector<16xi32>, vector<16xi32>], vector<16xf32>,
      %parallel_loop3A_149 = arith.index_cast %parallel_loop3A_60 : i32 to index
      %parallel_loop3A_150 = arith.constant 224 : index
      %parallel_loop3A_151 = tpu.vector_load %arg5[%parallel_loop3A_149, %parallel_loop3A_150] {strides = array<i32>} : memref<128x256xi32, #tpu.memory_space<vmem>>, vector<16xi32>,
      %parallel_loop3A_152 = arith.index_cast %parallel_loop3A_60 : i32 to index
      %parallel_loop3A_153 = arith.constant 224 : index
      %parallel_loop3A_154 = tpu.vector_load %arg6[%parallel_loop3A_152, %parallel_loop3A_153] {strides = array<i32>} : memref<128x256xf32, #tpu.memory_space<vmem>>, vector<16xf32>,
      tpu.vector_store_idx %arg8[%parallel_loop3A_64, %parallel_loop3A_151], %parallel_loop3A_154 {add = true} : memref<8x2048xf32, #tpu.memory_space<vmem>>[vector<16xi32>, vector<16xi32>], vector<16xf32>,
      %parallel_loop3A_155 = arith.index_cast %parallel_loop3A_60 : i32 to index
      %parallel_loop3A_156 = arith.constant 240 : index
      %parallel_loop3A_157 = tpu.vector_load %arg5[%parallel_loop3A_155, %parallel_loop3A_156] {strides = array<i32>} : memref<128x256xi32, #tpu.memory_space<vmem>>, vector<16xi32>,
      %parallel_loop3A_158 = arith.index_cast %parallel_loop3A_60 : i32 to index
      %parallel_loop3A_159 = arith.constant 240 : index
      %parallel_loop3A_160 = tpu.vector_load %arg6[%parallel_loop3A_158, %parallel_loop3A_159] {strides = array<i32>} : memref<128x256xf32, #tpu.memory_space<vmem>>, vector<16xf32>,
      tpu.vector_store_idx %arg8[%parallel_loop3A_64, %parallel_loop3A_157], %parallel_loop3A_160 {add = true} : memref<8x2048xf32, #tpu.memory_space<vmem>>[vector<16xi32>, vector<16xi32>], vector<16xf32>,
    } {sc.loop_unroll_factor = 4 : i64, sc.parallel_access}
    %add3A_35 = arith.constant 8 : i32
    %add3A_36 = arith.addi %mul3A_2, %add3A_35 : i32
    %dma_start3A_37 = arith.constant 0 : i32
    %dma_start3A_38 = tpu.memref_slice %arg4[%add3A_36, %dma_start3A_37] : memref<4096x2048xf32, #tpu.memory_space<hbm>> -> memref<8x2048xf32, #tpu.memory_space<hbm>>
    %dma_start3A_39 = arith.constant 0 : i32
    %dma_start3A_40 = tpu.memref_slice %arg4[%add3A_36, %dma_start3A_39] : memref<4096x2048xf32, #tpu.memory_space<hbm>> -> memref<8x2048xf32, #tpu.memory_space<hbm>>
    tpu.enqueue_dma source(%arg8 : memref<8x2048xf32, #tpu.memory_space<vmem>>) target(%dma_start3A_40 : memref<8x2048xf32, #tpu.memory_space<hbm>>) target_semaphore(%arg11 : memref<!tpu.dma_semaphore, #tpu.memory_space<semaphore_mem>>)
    %scan3A = arith.constant 0 : i32
    %scan3A_41 = arith.constant 1 : i32
    %scan3A_42 = arith.constant 7 : i32
    %scan3A_43 = arith.addi %scan3A_41, %scan3A_42 : i32
    %scan3A_44 = arith.constant 1 : i32
    scf.for %scan3A_58 = %scan3A_41 to %scan3A_43 step %scan3A_44  : i32 {
      %mul3A_59 = arith.constant 2 : i32
      %mul3A_60 = arith.muli %mul3A_59, %scan3A_58 : i32
      %mul3A_61 = arith.constant 8 : i32
      %mul3A_62 = arith.muli %mul3A_60, %mul3A_61 : i32
      %sub3A = arith.constant 16 : i32
      %sub3A_63 = arith.subi %mul3A_62, %sub3A : i32
      %add3A_64 = arith.addi %mul3A_2, %sub3A_63 : i32
      %dma_wait3A_65 = arith.constant 0 : i32
      %dma_wait3A_66 = tpu.memref_slice %arg4[%add3A_64, %dma_wait3A_65] : memref<4096x2048xf32, #tpu.memory_space<hbm>> -> memref<8x2048xf32, #tpu.memory_space<hbm>>
      %dma_wait3A_67 = arith.constant 0 : i32
      %dma_wait3A_68 = tpu.memref_slice %arg4[%add3A_64, %dma_wait3A_67] : memref<4096x2048xf32, #tpu.memory_space<hbm>> -> memref<8x2048xf32, #tpu.memory_space<hbm>>
      tpu.wait_dma2 semaphore(%arg10 : memref<!tpu.dma_semaphore, #tpu.memory_space<semaphore_mem>>) src(%arg7 : memref<8x2048xf32, #tpu.memory_space<vmem>>) dst(%dma_wait3A_68 : memref<8x2048xf32, #tpu.memory_space<hbm>>)
      %parallel_loop3A_69 = arith.constant 0 : i32
      %parallel_loop3A_70 = arith.constant 1024 : i32
      %parallel_loop3A_71 = arith.constant 1 : i32
      scf.for %parallel_loop3A_100 = %parallel_loop3A_69 to %parallel_loop3A_70 step %parallel_loop3A_71  : i32 {
        %parallel_loop3A_101 = arith.constant 128 : i32
        %parallel_loop3A_102 = arith.divsi %parallel_loop3A_100, %parallel_loop3A_101 : i32
        %parallel_loop3A_103 = arith.constant 0 : i32
        %parallel_loop3A_104 = arith.cmpi sgt, %parallel_loop3A_100, %parallel_loop3A_103 : i32
        %parallel_loop3A_105 = arith.extui %parallel_loop3A_104 : i1 to i32
        %parallel_loop3A_106 = arith.constant 0 : i32
        %parallel_loop3A_107 = arith.cmpi slt, %parallel_loop3A_100, %parallel_loop3A_106 : i32
        %parallel_loop3A_108 = arith.extui %parallel_loop3A_107 : i1 to i32
        %parallel_loop3A_109 = arith.subi %parallel_loop3A_105, %parallel_loop3A_108 : i32
        %parallel_loop3A_110 = arith.constant 0 : i32
        %parallel_loop3A_111 = arith.cmpi sgt, %parallel_loop3A_101, %parallel_loop3A_110 : i32
        %parallel_loop3A_112 = arith.extui %parallel_loop3A_111 : i1 to i32
        %parallel_loop3A_113 = arith.constant 0 : i32
        %parallel_loop3A_114 = arith.cmpi slt, %parallel_loop3A_101, %parallel_loop3A_113 : i32
        %parallel_loop3A_115 = arith.extui %parallel_loop3A_114 : i1 to i32
        %parallel_loop3A_116 = arith.subi %parallel_loop3A_112, %parallel_loop3A_115 : i32
        %parallel_loop3A_117 = arith.cmpi ne, %parallel_loop3A_109, %parallel_loop3A_116 : i32
        %parallel_loop3A_118 = arith.remsi %parallel_loop3A_100, %parallel_loop3A_101 : i32
        %parallel_loop3A_119 = arith.constant 0 : i32
        %parallel_loop3A_120 = arith.cmpi ne, %parallel_loop3A_118, %parallel_loop3A_119 : i32
        %parallel_loop3A_121 = arith.andi %parallel_loop3A_117, %parallel_loop3A_120 : i1
        %parallel_loop3A_122 = arith.constant 1 : i32
        %parallel_loop3A_123 = arith.subi %parallel_loop3A_102, %parallel_loop3A_122 : i32
        %parallel_loop3A_124 = arith.select %parallel_loop3A_121, %parallel_loop3A_123, %parallel_loop3A_102 : i32
        %parallel_loop3A_125 = arith.constant 128 : i32
        %parallel_loop3A_126 = arith.constant 0 : i32
        %parallel_loop3A_127 = arith.cmpi eq, %parallel_loop3A_125, %parallel_loop3A_126 : i32
        %parallel_loop3A_128 = arith.constant 1 : i32
        %parallel_loop3A_129 = arith.select %parallel_loop3A_127, %parallel_loop3A_128, %parallel_loop3A_125 : i32
        %parallel_loop3A_130 = arith.remsi %parallel_loop3A_100, %parallel_loop3A_129 : i32
        %parallel_loop3A_131 = arith.constant 0 : i32
        %parallel_loop3A_132 = arith.cmpi ne, %parallel_loop3A_130, %parallel_loop3A_131 : i32
        %parallel_loop3A_133 = arith.constant 0 : i32
        %parallel_loop3A_134 = arith.cmpi slt, %parallel_loop3A_130, %parallel_loop3A_133 : i32
        %parallel_loop3A_135 = arith.constant 0 : i32
        %parallel_loop3A_136 = arith.cmpi slt, %parallel_loop3A_129, %parallel_loop3A_135 : i32
        %parallel_loop3A_137 = arith.xori %parallel_loop3A_134, %parallel_loop3A_136 : i1
        %parallel_loop3A_138 = arith.andi %parallel_loop3A_137, %parallel_loop3A_132 : i1
        %parallel_loop3A_139 = arith.addi %parallel_loop3A_130, %parallel_loop3A_129 : i32
        %parallel_loop3A_140 = arith.select %parallel_loop3A_138, %parallel_loop3A_139, %parallel_loop3A_130 : i32
        %parallel_loop3A_141 = arith.constant 16 : i32
        %parallel_loop3A_142 = arith.muli %parallel_loop3A_140, %parallel_loop3A_141 : i32
        %parallel_loop3A_143 = arith.index_cast %parallel_loop3A_124 : i32 to index
        %parallel_loop3A_144 = arith.index_cast %parallel_loop3A_142 : i32 to index
        %parallel_loop3A_145 = tpu.vector_load %arg7[%parallel_loop3A_143, %parallel_loop3A_144] {strides = array<i32>} : memref<8x2048xf32, #tpu.memory_space<vmem>>, vector<16xf32>,
        tpu.vector_store %arg7[%parallel_loop3A_143, %parallel_loop3A_144], %broadcast_in_dim3A_3 {strides = array<i32>} : memref<8x2048xf32, #tpu.memory_space<vmem>>, vector<16xf32>,
      } {sc.loop_unroll_factor = 16 : i64, sc.parallel_access}
      %parallel_loop3A_72 = arith.constant 0 : i32
      %parallel_loop3A_73 = arith.constant 8 : i32
      %parallel_loop3A_74 = arith.constant 1 : i32
      scf.for %parallel_loop3A_100 = %parallel_loop3A_72 to %parallel_loop3A_73 step %parallel_loop3A_74  : i32 {
        %parallel_loop3A_101 = arith.addi %mul3A_62, %parallel_loop3A_100 : i32
        %parallel_loop3A_102 = arith.constant 0 : i32
        %parallel_loop3A_103 = vector.broadcast %parallel_loop3A_102 : i32 to vector<16xi32>
        %parallel_loop3A_104 = vector.broadcast %parallel_loop3A_100 : i32 to vector<16xi32>
        %parallel_loop3A_105 = arith.addi %parallel_loop3A_103, %parallel_loop3A_104 : vector<16xi32>
        %parallel_loop3A_106 = arith.index_cast %parallel_loop3A_101 : i32 to index
        %parallel_loop3A_107 = arith.constant 0 : index
        %parallel_loop3A_108 = tpu.vector_load %arg5[%parallel_loop3A_106, %parallel_loop3A_107] {strides = array<i32>} : memref<128x256xi32, #tpu.memory_space<vmem>>, vector<16xi32>,
        %parallel_loop3A_109 = arith.index_cast %parallel_loop3A_101 : i32 to index
        %parallel_loop3A_110 = arith.constant 0 : index
        %parallel_loop3A_111 = tpu.vector_load %arg6[%parallel_loop3A_109, %parallel_loop3A_110] {strides = array<i32>} : memref<128x256xf32, #tpu.memory_space<vmem>>, vector<16xf32>,
        tpu.vector_store_idx %arg7[%parallel_loop3A_105, %parallel_loop3A_108], %parallel_loop3A_111 {add = true} : memref<8x2048xf32, #tpu.memory_space<vmem>>[vector<16xi32>, vector<16xi32>], vector<16xf32>,
        %parallel_loop3A_112 = arith.index_cast %parallel_loop3A_101 : i32 to index
        %parallel_loop3A_113 = arith.constant 16 : index
        %parallel_loop3A_114 = tpu.vector_load %arg5[%parallel_loop3A_112, %parallel_loop3A_113] {strides = array<i32>} : memref<128x256xi32, #tpu.memory_space<vmem>>, vector<16xi32>,
        %parallel_loop3A_115 = arith.index_cast %parallel_loop3A_101 : i32 to index
        %parallel_loop3A_116 = arith.constant 16 : index
        %parallel_loop3A_117 = tpu.vector_load %arg6[%parallel_loop3A_115, %parallel_loop3A_116] {strides = array<i32>} : memref<128x256xf32, #tpu.memory_space<vmem>>, vector<16xf32>,
        tpu.vector_store_idx %arg7[%parallel_loop3A_105, %parallel_loop3A_114], %parallel_loop3A_117 {add = true} : memref<8x2048xf32, #tpu.memory_space<vmem>>[vector<16xi32>, vector<16xi32>], vector<16xf32>,
        %parallel_loop3A_118 = arith.index_cast %parallel_loop3A_101 : i32 to index
        %parallel_loop3A_119 = arith.constant 32 : index
        %parallel_loop3A_120 = tpu.vector_load %arg5[%parallel_loop3A_118, %parallel_loop3A_119] {strides = array<i32>} : memref<128x256xi32, #tpu.memory_space<vmem>>, vector<16xi32>,
        %parallel_loop3A_121 = arith.index_cast %parallel_loop3A_101 : i32 to index
        %parallel_loop3A_122 = arith.constant 32 : index
        %parallel_loop3A_123 = tpu.vector_load %arg6[%parallel_loop3A_121, %parallel_loop3A_122] {strides = array<i32>} : memref<128x256xf32, #tpu.memory_space<vmem>>, vector<16xf32>,
        tpu.vector_store_idx %arg7[%parallel_loop3A_105, %parallel_loop3A_120], %parallel_loop3A_123 {add = true} : memref<8x2048xf32, #tpu.memory_space<vmem>>[vector<16xi32>, vector<16xi32>], vector<16xf32>,
        %parallel_loop3A_124 = arith.index_cast %parallel_loop3A_101 : i32 to index
        %parallel_loop3A_125 = arith.constant 48 : index
        %parallel_loop3A_126 = tpu.vector_load %arg5[%parallel_loop3A_124, %parallel_loop3A_125] {strides = array<i32>} : memref<128x256xi32, #tpu.memory_space<vmem>>, vector<16xi32>,
        %parallel_loop3A_127 = arith.index_cast %parallel_loop3A_101 : i32 to index
        %parallel_loop3A_128 = arith.constant 48 : index
        %parallel_loop3A_129 = tpu.vector_load %arg6[%parallel_loop3A_127, %parallel_loop3A_128] {strides = array<i32>} : memref<128x256xf32, #tpu.memory_space<vmem>>, vector<16xf32>,
        tpu.vector_store_idx %arg7[%parallel_loop3A_105, %parallel_loop3A_126], %parallel_loop3A_129 {add = true} : memref<8x2048xf32, #tpu.memory_space<vmem>>[vector<16xi32>, vector<16xi32>], vector<16xf32>,
        %parallel_loop3A_130 = arith.index_cast %parallel_loop3A_101 : i32 to index
        %parallel_loop3A_131 = arith.constant 64 : index
        %parallel_loop3A_132 = tpu.vector_load %arg5[%parallel_loop3A_130, %parallel_loop3A_131] {strides = array<i32>} : memref<128x256xi32, #tpu.memory_space<vmem>>, vector<16xi32>,
        %parallel_loop3A_133 = arith.index_cast %parallel_loop3A_101 : i32 to index
        %parallel_loop3A_134 = arith.constant 64 : index
        %parallel_loop3A_135 = tpu.vector_load %arg6[%parallel_loop3A_133, %parallel_loop3A_134] {strides = array<i32>} : memref<128x256xf32, #tpu.memory_space<vmem>>, vector<16xf32>,
        tpu.vector_store_idx %arg7[%parallel_loop3A_105, %parallel_loop3A_132], %parallel_loop3A_135 {add = true} : memref<8x2048xf32, #tpu.memory_space<vmem>>[vector<16xi32>, vector<16xi32>], vector<16xf32>,
        %parallel_loop3A_136 = arith.index_cast %parallel_loop3A_101 : i32 to index
        %parallel_loop3A_137 = arith.constant 80 : index
        %parallel_loop3A_138 = tpu.vector_load %arg5[%parallel_loop3A_136, %parallel_loop3A_137] {strides = array<i32>} : memref<128x256xi32, #tpu.memory_space<vmem>>, vector<16xi32>,
        %parallel_loop3A_139 = arith.index_cast %parallel_loop3A_101 : i32 to index
        %parallel_loop3A_140 = arith.constant 80 : index
        %parallel_loop3A_141 = tpu.vector_load %arg6[%parallel_loop3A_139, %parallel_loop3A_140] {strides = array<i32>} : memref<128x256xf32, #tpu.memory_space<vmem>>, vector<16xf32>,
        tpu.vector_store_idx %arg7[%parallel_loop3A_105, %parallel_loop3A_138], %parallel_loop3A_141 {add = true} : memref<8x2048xf32, #tpu.memory_space<vmem>>[vector<16xi32>, vector<16xi32>], vector<16xf32>,
        %parallel_loop3A_142 = arith.index_cast %parallel_loop3A_101 : i32 to index
        %parallel_loop3A_143 = arith.constant 96 : index
        %parallel_loop3A_144 = tpu.vector_load %arg5[%parallel_loop3A_142, %parallel_loop3A_143] {strides = array<i32>} : memref<128x256xi32, #tpu.memory_space<vmem>>, vector<16xi32>,
        %parallel_loop3A_145 = arith.index_cast %parallel_loop3A_101 : i32 to index
        %parallel_loop3A_146 = arith.constant 96 : index
        %parallel_loop3A_147 = tpu.vector_load %arg6[%parallel_loop3A_145, %parallel_loop3A_146] {strides = array<i32>} : memref<128x256xf32, #tpu.memory_space<vmem>>, vector<16xf32>,
        tpu.vector_store_idx %arg7[%parallel_loop3A_105, %parallel_loop3A_144], %parallel_loop3A_147 {add = true} : memref<8x2048xf32, #tpu.memory_space<vmem>>[vector<16xi32>, vector<16xi32>], vector<16xf32>,
        %parallel_loop3A_148 = arith.index_cast %parallel_loop3A_101 : i32 to index
        %parallel_loop3A_149 = arith.constant 112 : index
        %parallel_loop3A_150 = tpu.vector_load %arg5[%parallel_loop3A_148, %parallel_loop3A_149] {strides = array<i32>} : memref<128x256xi32, #tpu.memory_space<vmem>>, vector<16xi32>,
        %parallel_loop3A_151 = arith.index_cast %parallel_loop3A_101 : i32 to index
        %parallel_loop3A_152 = arith.constant 112 : index
        %parallel_loop3A_153 = tpu.vector_load %arg6[%parallel_loop3A_151, %parallel_loop3A_152] {strides = array<i32>} : memref<128x256xf32, #tpu.memory_space<vmem>>, vector<16xf32>,
        tpu.vector_store_idx %arg7[%parallel_loop3A_105, %parallel_loop3A_150], %parallel_loop3A_153 {add = true} : memref<8x2048xf32, #tpu.memory_space<vmem>>[vector<16xi32>, vector<16xi32>], vector<16xf32>,
        %parallel_loop3A_154 = arith.index_cast %parallel_loop3A_101 : i32 to index
        %parallel_loop3A_155 = arith.constant 128 : index
        %parallel_loop3A_156 = tpu.vector_load %arg5[%parallel_loop3A_154, %parallel_loop3A_155] {strides = array<i32>} : memref<128x256xi32, #tpu.memory_space<vmem>>, vector<16xi32>,
        %parallel_loop3A_157 = arith.index_cast %parallel_loop3A_101 : i32 to index
        %parallel_loop3A_158 = arith.constant 128 : index
        %parallel_loop3A_159 = tpu.vector_load %arg6[%parallel_loop3A_157, %parallel_loop3A_158] {strides = array<i32>} : memref<128x256xf32, #tpu.memory_space<vmem>>, vector<16xf32>,
        tpu.vector_store_idx %arg7[%parallel_loop3A_105, %parallel_loop3A_156], %parallel_loop3A_159 {add = true} : memref<8x2048xf32, #tpu.memory_space<vmem>>[vector<16xi32>, vector<16xi32>], vector<16xf32>,
        %parallel_loop3A_160 = arith.index_cast %parallel_loop3A_101 : i32 to index
        %parallel_loop3A_161 = arith.constant 144 : index
        %parallel_loop3A_162 = tpu.vector_load %arg5[%parallel_loop3A_160, %parallel_loop3A_161] {strides = array<i32>} : memref<128x256xi32, #tpu.memory_space<vmem>>, vector<16xi32>,
        %parallel_loop3A_163 = arith.index_cast %parallel_loop3A_101 : i32 to index
        %parallel_loop3A_164 = arith.constant 144 : index
        %parallel_loop3A_165 = tpu.vector_load %arg6[%parallel_loop3A_163, %parallel_loop3A_164] {strides = array<i32>} : memref<128x256xf32, #tpu.memory_space<vmem>>, vector<16xf32>,
        tpu.vector_store_idx %arg7[%parallel_loop3A_105, %parallel_loop3A_162], %parallel_loop3A_165 {add = true} : memref<8x2048xf32, #tpu.memory_space<vmem>>[vector<16xi32>, vector<16xi32>], vector<16xf32>,
        %parallel_loop3A_166 = arith.index_cast %parallel_loop3A_101 : i32 to index
        %parallel_loop3A_167 = arith.constant 160 : index
        %parallel_loop3A_168 = tpu.vector_load %arg5[%parallel_loop3A_166, %parallel_loop3A_167] {strides = array<i32>} : memref<128x256xi32, #tpu.memory_space<vmem>>, vector<16xi32>,
        %parallel_loop3A_169 = arith.index_cast %parallel_loop3A_101 : i32 to index
        %parallel_loop3A_170 = arith.constant 160 : index
        %parallel_loop3A_171 = tpu.vector_load %arg6[%parallel_loop3A_169, %parallel_loop3A_170] {strides = array<i32>} : memref<128x256xf32, #tpu.memory_space<vmem>>, vector<16xf32>,
        tpu.vector_store_idx %arg7[%parallel_loop3A_105, %parallel_loop3A_168], %parallel_loop3A_171 {add = true} : memref<8x2048xf32, #tpu.memory_space<vmem>>[vector<16xi32>, vector<16xi32>], vector<16xf32>,
        %parallel_loop3A_172 = arith.index_cast %parallel_loop3A_101 : i32 to index
        %parallel_loop3A_173 = arith.constant 176 : index
        %parallel_loop3A_174 = tpu.vector_load %arg5[%parallel_loop3A_172, %parallel_loop3A_173] {strides = array<i32>} : memref<128x256xi32, #tpu.memory_space<vmem>>, vector<16xi32>,
        %parallel_loop3A_175 = arith.index_cast %parallel_loop3A_101 : i32 to index
        %parallel_loop3A_176 = arith.constant 176 : index
        %parallel_loop3A_177 = tpu.vector_load %arg6[%parallel_loop3A_175, %parallel_loop3A_176] {strides = array<i32>} : memref<128x256xf32, #tpu.memory_space<vmem>>, vector<16xf32>,
        tpu.vector_store_idx %arg7[%parallel_loop3A_105, %parallel_loop3A_174], %parallel_loop3A_177 {add = true} : memref<8x2048xf32, #tpu.memory_space<vmem>>[vector<16xi32>, vector<16xi32>], vector<16xf32>,
        %parallel_loop3A_178 = arith.index_cast %parallel_loop3A_101 : i32 to index
        %parallel_loop3A_179 = arith.constant 192 : index
        %parallel_loop3A_180 = tpu.vector_load %arg5[%parallel_loop3A_178, %parallel_loop3A_179] {strides = array<i32>} : memref<128x256xi32, #tpu.memory_space<vmem>>, vector<16xi32>,
        %parallel_loop3A_181 = arith.index_cast %parallel_loop3A_101 : i32 to index
        %parallel_loop3A_182 = arith.constant 192 : index
        %parallel_loop3A_183 = tpu.vector_load %arg6[%parallel_loop3A_181, %parallel_loop3A_182] {strides = array<i32>} : memref<128x256xf32, #tpu.memory_space<vmem>>, vector<16xf32>,
        tpu.vector_store_idx %arg7[%parallel_loop3A_105, %parallel_loop3A_180], %parallel_loop3A_183 {add = true} : memref<8x2048xf32, #tpu.memory_space<vmem>>[vector<16xi32>, vector<16xi32>], vector<16xf32>,
        %parallel_loop3A_184 = arith.index_cast %parallel_loop3A_101 : i32 to index
        %parallel_loop3A_185 = arith.constant 208 : index
        %parallel_loop3A_186 = tpu.vector_load %arg5[%parallel_loop3A_184, %parallel_loop3A_185] {strides = array<i32>} : memref<128x256xi32, #tpu.memory_space<vmem>>, vector<16xi32>,
        %parallel_loop3A_187 = arith.index_cast %parallel_loop3A_101 : i32 to index
        %parallel_loop3A_188 = arith.constant 208 : index
        %parallel_loop3A_189 = tpu.vector_load %arg6[%parallel_loop3A_187, %parallel_loop3A_188] {strides = array<i32>} : memref<128x256xf32, #tpu.memory_space<vmem>>, vector<16xf32>,
        tpu.vector_store_idx %arg7[%parallel_loop3A_105, %parallel_loop3A_186], %parallel_loop3A_189 {add = true} : memref<8x2048xf32, #tpu.memory_space<vmem>>[vector<16xi32>, vector<16xi32>], vector<16xf32>,
        %parallel_loop3A_190 = arith.index_cast %parallel_loop3A_101 : i32 to index
        %parallel_loop3A_191 = arith.constant 224 : index
        %parallel_loop3A_192 = tpu.vector_load %arg5[%parallel_loop3A_190, %parallel_loop3A_191] {strides = array<i32>} : memref<128x256xi32, #tpu.memory_space<vmem>>, vector<16xi32>,
        %parallel_loop3A_193 = arith.index_cast %parallel_loop3A_101 : i32 to index
        %parallel_loop3A_194 = arith.constant 224 : index
        %parallel_loop3A_195 = tpu.vector_load %arg6[%parallel_loop3A_193, %parallel_loop3A_194] {strides = array<i32>} : memref<128x256xf32, #tpu.memory_space<vmem>>, vector<16xf32>,
        tpu.vector_store_idx %arg7[%parallel_loop3A_105, %parallel_loop3A_192], %parallel_loop3A_195 {add = true} : memref<8x2048xf32, #tpu.memory_space<vmem>>[vector<16xi32>, vector<16xi32>], vector<16xf32>,
        %parallel_loop3A_196 = arith.index_cast %parallel_loop3A_101 : i32 to index
        %parallel_loop3A_197 = arith.constant 240 : index
        %parallel_loop3A_198 = tpu.vector_load %arg5[%parallel_loop3A_196, %parallel_loop3A_197] {strides = array<i32>} : memref<128x256xi32, #tpu.memory_space<vmem>>, vector<16xi32>,
        %parallel_loop3A_199 = arith.index_cast %parallel_loop3A_101 : i32 to index
        %parallel_loop3A_200 = arith.constant 240 : index
        %parallel_loop3A_201 = tpu.vector_load %arg6[%parallel_loop3A_199, %parallel_loop3A_200] {strides = array<i32>} : memref<128x256xf32, #tpu.memory_space<vmem>>, vector<16xf32>,
        tpu.vector_store_idx %arg7[%parallel_loop3A_105, %parallel_loop3A_198], %parallel_loop3A_201 {add = true} : memref<8x2048xf32, #tpu.memory_space<vmem>>[vector<16xi32>, vector<16xi32>], vector<16xf32>,
      } {sc.loop_unroll_factor = 4 : i64, sc.parallel_access}
      %add3A_75 = arith.addi %mul3A_2, %mul3A_62 : i32
      %dma_start3A_76 = arith.constant 0 : i32
      %dma_start3A_77 = tpu.memref_slice %arg4[%add3A_75, %dma_start3A_76] : memref<4096x2048xf32, #tpu.memory_space<hbm>> -> memref<8x2048xf32, #tpu.memory_space<hbm>>
      %dma_start3A_78 = arith.constant 0 : i32
      %dma_start3A_79 = tpu.memref_slice %arg4[%add3A_75, %dma_start3A_78] : memref<4096x2048xf32, #tpu.memory_space<hbm>> -> memref<8x2048xf32, #tpu.memory_space<hbm>>
      tpu.enqueue_dma source(%arg7 : memref<8x2048xf32, #tpu.memory_space<vmem>>) target(%dma_start3A_79 : memref<8x2048xf32, #tpu.memory_space<hbm>>) target_semaphore(%arg10 : memref<!tpu.dma_semaphore, #tpu.memory_space<semaphore_mem>>)
      %sub3A_80 = arith.constant 8 : i32
      %sub3A_81 = arith.subi %mul3A_62, %sub3A_80 : i32
      %add3A_82 = arith.addi %mul3A_2, %sub3A_81 : i32
      %dma_wait3A_83 = arith.constant 0 : i32
      %dma_wait3A_84 = tpu.memref_slice %arg4[%add3A_82, %dma_wait3A_83] : memref<4096x2048xf32, #tpu.memory_space<hbm>> -> memref<8x2048xf32, #tpu.memory_space<hbm>>
      %dma_wait3A_85 = arith.constant 0 : i32
      %dma_wait3A_86 = tpu.memref_slice %arg4[%add3A_82, %dma_wait3A_85] : memref<4096x2048xf32, #tpu.memory_space<hbm>> -> memref<8x2048xf32, #tpu.memory_space<hbm>>
      tpu.wait_dma2 semaphore(%arg11 : memref<!tpu.dma_semaphore, #tpu.memory_space<semaphore_mem>>) src(%arg8 : memref<8x2048xf32, #tpu.memory_space<vmem>>) dst(%dma_wait3A_86 : memref<8x2048xf32, #tpu.memory_space<hbm>>)
      %parallel_loop3A_87 = arith.constant 0 : i32
      %parallel_loop3A_88 = arith.constant 1024 : i32
      %parallel_loop3A_89 = arith.constant 1 : i32
      scf.for %parallel_loop3A_100 = %parallel_loop3A_87 to %parallel_loop3A_88 step %parallel_loop3A_89  : i32 {
        %parallel_loop3A_101 = arith.constant 128 : i32
        %parallel_loop3A_102 = arith.divsi %parallel_loop3A_100, %parallel_loop3A_101 : i32
        %parallel_loop3A_103 = arith.constant 0 : i32
        %parallel_loop3A_104 = arith.cmpi sgt, %parallel_loop3A_100, %parallel_loop3A_103 : i32
        %parallel_loop3A_105 = arith.extui %parallel_loop3A_104 : i1 to i32
        %parallel_loop3A_106 = arith.constant 0 : i32
        %parallel_loop3A_107 = arith.cmpi slt, %parallel_loop3A_100, %parallel_loop3A_106 : i32
        %parallel_loop3A_108 = arith.extui %parallel_loop3A_107 : i1 to i32
        %parallel_loop3A_109 = arith.subi %parallel_loop3A_105, %parallel_loop3A_108 : i32
        %parallel_loop3A_110 = arith.constant 0 : i32
        %parallel_loop3A_111 = arith.cmpi sgt, %parallel_loop3A_101, %parallel_loop3A_110 : i32
        %parallel_loop3A_112 = arith.extui %parallel_loop3A_111 : i1 to i32
        %parallel_loop3A_113 = arith.constant 0 : i32
        %parallel_loop3A_114 = arith.cmpi slt, %parallel_loop3A_101, %parallel_loop3A_113 : i32
        %parallel_loop3A_115 = arith.extui %parallel_loop3A_114 : i1 to i32
        %parallel_loop3A_116 = arith.subi %parallel_loop3A_112, %parallel_loop3A_115 : i32
        %parallel_loop3A_117 = arith.cmpi ne, %parallel_loop3A_109, %parallel_loop3A_116 : i32
        %parallel_loop3A_118 = arith.remsi %parallel_loop3A_100, %parallel_loop3A_101 : i32
        %parallel_loop3A_119 = arith.constant 0 : i32
        %parallel_loop3A_120 = arith.cmpi ne, %parallel_loop3A_118, %parallel_loop3A_119 : i32
        %parallel_loop3A_121 = arith.andi %parallel_loop3A_117, %parallel_loop3A_120 : i1
        %parallel_loop3A_122 = arith.constant 1 : i32
        %parallel_loop3A_123 = arith.subi %parallel_loop3A_102, %parallel_loop3A_122 : i32
        %parallel_loop3A_124 = arith.select %parallel_loop3A_121, %parallel_loop3A_123, %parallel_loop3A_102 : i32
        %parallel_loop3A_125 = arith.constant 128 : i32
        %parallel_loop3A_126 = arith.constant 0 : i32
        %parallel_loop3A_127 = arith.cmpi eq, %parallel_loop3A_125, %parallel_loop3A_126 : i32
        %parallel_loop3A_128 = arith.constant 1 : i32
        %parallel_loop3A_129 = arith.select %parallel_loop3A_127, %parallel_loop3A_128, %parallel_loop3A_125 : i32
        %parallel_loop3A_130 = arith.remsi %parallel_loop3A_100, %parallel_loop3A_129 : i32
        %parallel_loop3A_131 = arith.constant 0 : i32
        %parallel_loop3A_132 = arith.cmpi ne, %parallel_loop3A_130, %parallel_loop3A_131 : i32
        %parallel_loop3A_133 = arith.constant 0 : i32
        %parallel_loop3A_134 = arith.cmpi slt, %parallel_loop3A_130, %parallel_loop3A_133 : i32
        %parallel_loop3A_135 = arith.constant 0 : i32
        %parallel_loop3A_136 = arith.cmpi slt, %parallel_loop3A_129, %parallel_loop3A_135 : i32
        %parallel_loop3A_137 = arith.xori %parallel_loop3A_134, %parallel_loop3A_136 : i1
        %parallel_loop3A_138 = arith.andi %parallel_loop3A_137, %parallel_loop3A_132 : i1
        %parallel_loop3A_139 = arith.addi %parallel_loop3A_130, %parallel_loop3A_129 : i32
        %parallel_loop3A_140 = arith.select %parallel_loop3A_138, %parallel_loop3A_139, %parallel_loop3A_130 : i32
        %parallel_loop3A_141 = arith.constant 16 : i32
        %parallel_loop3A_142 = arith.muli %parallel_loop3A_140, %parallel_loop3A_141 : i32
        %parallel_loop3A_143 = arith.index_cast %parallel_loop3A_124 : i32 to index
        %parallel_loop3A_144 = arith.index_cast %parallel_loop3A_142 : i32 to index
        %parallel_loop3A_145 = tpu.vector_load %arg8[%parallel_loop3A_143, %parallel_loop3A_144] {strides = array<i32>} : memref<8x2048xf32, #tpu.memory_space<vmem>>, vector<16xf32>,
        tpu.vector_store %arg8[%parallel_loop3A_143, %parallel_loop3A_144], %broadcast_in_dim3A_3 {strides = array<i32>} : memref<8x2048xf32, #tpu.memory_space<vmem>>, vector<16xf32>,
      } {sc.loop_unroll_factor = 16 : i64, sc.parallel_access}
      %add3A_90 = arith.constant 8 : i32
      %add3A_91 = arith.addi %mul3A_62, %add3A_90 : i32
      %parallel_loop3A_92 = arith.constant 0 : i32
      %parallel_loop3A_93 = arith.constant 8 : i32
      %parallel_loop3A_94 = arith.constant 1 : i32
      scf.for %parallel_loop3A_100 = %parallel_loop3A_92 to %parallel_loop3A_93 step %parallel_loop3A_94  : i32 {
        %parallel_loop3A_101 = arith.addi %add3A_91, %parallel_loop3A_100 : i32
        %parallel_loop3A_102 = arith.constant 0 : i32
        %parallel_loop3A_103 = vector.broadcast %parallel_loop3A_102 : i32 to vector<16xi32>
        %parallel_loop3A_104 = vector.broadcast %parallel_loop3A_100 : i32 to vector<16xi32>
        %parallel_loop3A_105 = arith.addi %parallel_loop3A_103, %parallel_loop3A_104 : vector<16xi32>
        %parallel_loop3A_106 = arith.index_cast %parallel_loop3A_101 : i32 to index
        %parallel_loop3A_107 = arith.constant 0 : index
        %parallel_loop3A_108 = tpu.vector_load %arg5[%parallel_loop3A_106, %parallel_loop3A_107] {strides = array<i32>} : memref<128x256xi32, #tpu.memory_space<vmem>>, vector<16xi32>,
        %parallel_loop3A_109 = arith.index_cast %parallel_loop3A_101 : i32 to index
        %parallel_loop3A_110 = arith.constant 0 : index
        %parallel_loop3A_111 = tpu.vector_load %arg6[%parallel_loop3A_109, %parallel_loop3A_110] {strides = array<i32>} : memref<128x256xf32, #tpu.memory_space<vmem>>, vector<16xf32>,
        tpu.vector_store_idx %arg8[%parallel_loop3A_105, %parallel_loop3A_108], %parallel_loop3A_111 {add = true} : memref<8x2048xf32, #tpu.memory_space<vmem>>[vector<16xi32>, vector<16xi32>], vector<16xf32>,
        %parallel_loop3A_112 = arith.index_cast %parallel_loop3A_101 : i32 to index
        %parallel_loop3A_113 = arith.constant 16 : index
        %parallel_loop3A_114 = tpu.vector_load %arg5[%parallel_loop3A_112, %parallel_loop3A_113] {strides = array<i32>} : memref<128x256xi32, #tpu.memory_space<vmem>>, vector<16xi32>,
        %parallel_loop3A_115 = arith.index_cast %parallel_loop3A_101 : i32 to index
        %parallel_loop3A_116 = arith.constant 16 : index
        %parallel_loop3A_117 = tpu.vector_load %arg6[%parallel_loop3A_115, %parallel_loop3A_116] {strides = array<i32>} : memref<128x256xf32, #tpu.memory_space<vmem>>, vector<16xf32>,
        tpu.vector_store_idx %arg8[%parallel_loop3A_105, %parallel_loop3A_114], %parallel_loop3A_117 {add = true} : memref<8x2048xf32, #tpu.memory_space<vmem>>[vector<16xi32>, vector<16xi32>], vector<16xf32>,
        %parallel_loop3A_118 = arith.index_cast %parallel_loop3A_101 : i32 to index
        %parallel_loop3A_119 = arith.constant 32 : index
        %parallel_loop3A_120 = tpu.vector_load %arg5[%parallel_loop3A_118, %parallel_loop3A_119] {strides = array<i32>} : memref<128x256xi32, #tpu.memory_space<vmem>>, vector<16xi32>,
        %parallel_loop3A_121 = arith.index_cast %parallel_loop3A_101 : i32 to index
        %parallel_loop3A_122 = arith.constant 32 : index
        %parallel_loop3A_123 = tpu.vector_load %arg6[%parallel_loop3A_121, %parallel_loop3A_122] {strides = array<i32>} : memref<128x256xf32, #tpu.memory_space<vmem>>, vector<16xf32>,
        tpu.vector_store_idx %arg8[%parallel_loop3A_105, %parallel_loop3A_120], %parallel_loop3A_123 {add = true} : memref<8x2048xf32, #tpu.memory_space<vmem>>[vector<16xi32>, vector<16xi32>], vector<16xf32>,
        %parallel_loop3A_124 = arith.index_cast %parallel_loop3A_101 : i32 to index
        %parallel_loop3A_125 = arith.constant 48 : index
        %parallel_loop3A_126 = tpu.vector_load %arg5[%parallel_loop3A_124, %parallel_loop3A_125] {strides = array<i32>} : memref<128x256xi32, #tpu.memory_space<vmem>>, vector<16xi32>,
        %parallel_loop3A_127 = arith.index_cast %parallel_loop3A_101 : i32 to index
        %parallel_loop3A_128 = arith.constant 48 : index
        %parallel_loop3A_129 = tpu.vector_load %arg6[%parallel_loop3A_127, %parallel_loop3A_128] {strides = array<i32>} : memref<128x256xf32, #tpu.memory_space<vmem>>, vector<16xf32>,
        tpu.vector_store_idx %arg8[%parallel_loop3A_105, %parallel_loop3A_126], %parallel_loop3A_129 {add = true} : memref<8x2048xf32, #tpu.memory_space<vmem>>[vector<16xi32>, vector<16xi32>], vector<16xf32>,
        %parallel_loop3A_130 = arith.index_cast %parallel_loop3A_101 : i32 to index
        %parallel_loop3A_131 = arith.constant 64 : index
        %parallel_loop3A_132 = tpu.vector_load %arg5[%parallel_loop3A_130, %parallel_loop3A_131] {strides = array<i32>} : memref<128x256xi32, #tpu.memory_space<vmem>>, vector<16xi32>,
        %parallel_loop3A_133 = arith.index_cast %parallel_loop3A_101 : i32 to index
        %parallel_loop3A_134 = arith.constant 64 : index
        %parallel_loop3A_135 = tpu.vector_load %arg6[%parallel_loop3A_133, %parallel_loop3A_134] {strides = array<i32>} : memref<128x256xf32, #tpu.memory_space<vmem>>, vector<16xf32>,
        tpu.vector_store_idx %arg8[%parallel_loop3A_105, %parallel_loop3A_132], %parallel_loop3A_135 {add = true} : memref<8x2048xf32, #tpu.memory_space<vmem>>[vector<16xi32>, vector<16xi32>], vector<16xf32>,
        %parallel_loop3A_136 = arith.index_cast %parallel_loop3A_101 : i32 to index
        %parallel_loop3A_137 = arith.constant 80 : index
        %parallel_loop3A_138 = tpu.vector_load %arg5[%parallel_loop3A_136, %parallel_loop3A_137] {strides = array<i32>} : memref<128x256xi32, #tpu.memory_space<vmem>>, vector<16xi32>,
        %parallel_loop3A_139 = arith.index_cast %parallel_loop3A_101 : i32 to index
        %parallel_loop3A_140 = arith.constant 80 : index
        %parallel_loop3A_141 = tpu.vector_load %arg6[%parallel_loop3A_139, %parallel_loop3A_140] {strides = array<i32>} : memref<128x256xf32, #tpu.memory_space<vmem>>, vector<16xf32>,
        tpu.vector_store_idx %arg8[%parallel_loop3A_105, %parallel_loop3A_138], %parallel_loop3A_141 {add = true} : memref<8x2048xf32, #tpu.memory_space<vmem>>[vector<16xi32>, vector<16xi32>], vector<16xf32>,
        %parallel_loop3A_142 = arith.index_cast %parallel_loop3A_101 : i32 to index
        %parallel_loop3A_143 = arith.constant 96 : index
        %parallel_loop3A_144 = tpu.vector_load %arg5[%parallel_loop3A_142, %parallel_loop3A_143] {strides = array<i32>} : memref<128x256xi32, #tpu.memory_space<vmem>>, vector<16xi32>,
        %parallel_loop3A_145 = arith.index_cast %parallel_loop3A_101 : i32 to index
        %parallel_loop3A_146 = arith.constant 96 : index
        %parallel_loop3A_147 = tpu.vector_load %arg6[%parallel_loop3A_145, %parallel_loop3A_146] {strides = array<i32>} : memref<128x256xf32, #tpu.memory_space<vmem>>, vector<16xf32>,
        tpu.vector_store_idx %arg8[%parallel_loop3A_105, %parallel_loop3A_144], %parallel_loop3A_147 {add = true} : memref<8x2048xf32, #tpu.memory_space<vmem>>[vector<16xi32>, vector<16xi32>], vector<16xf32>,
        %parallel_loop3A_148 = arith.index_cast %parallel_loop3A_101 : i32 to index
        %parallel_loop3A_149 = arith.constant 112 : index
        %parallel_loop3A_150 = tpu.vector_load %arg5[%parallel_loop3A_148, %parallel_loop3A_149] {strides = array<i32>} : memref<128x256xi32, #tpu.memory_space<vmem>>, vector<16xi32>,
        %parallel_loop3A_151 = arith.index_cast %parallel_loop3A_101 : i32 to index
        %parallel_loop3A_152 = arith.constant 112 : index
        %parallel_loop3A_153 = tpu.vector_load %arg6[%parallel_loop3A_151, %parallel_loop3A_152] {strides = array<i32>} : memref<128x256xf32, #tpu.memory_space<vmem>>, vector<16xf32>,
        tpu.vector_store_idx %arg8[%parallel_loop3A_105, %parallel_loop3A_150], %parallel_loop3A_153 {add = true} : memref<8x2048xf32, #tpu.memory_space<vmem>>[vector<16xi32>, vector<16xi32>], vector<16xf32>,
        %parallel_loop3A_154 = arith.index_cast %parallel_loop3A_101 : i32 to index
        %parallel_loop3A_155 = arith.constant 128 : index
        %parallel_loop3A_156 = tpu.vector_load %arg5[%parallel_loop3A_154, %parallel_loop3A_155] {strides = array<i32>} : memref<128x256xi32, #tpu.memory_space<vmem>>, vector<16xi32>,
        %parallel_loop3A_157 = arith.index_cast %parallel_loop3A_101 : i32 to index
        %parallel_loop3A_158 = arith.constant 128 : index
        %parallel_loop3A_159 = tpu.vector_load %arg6[%parallel_loop3A_157, %parallel_loop3A_158] {strides = array<i32>} : memref<128x256xf32, #tpu.memory_space<vmem>>, vector<16xf32>,
        tpu.vector_store_idx %arg8[%parallel_loop3A_105, %parallel_loop3A_156], %parallel_loop3A_159 {add = true} : memref<8x2048xf32, #tpu.memory_space<vmem>>[vector<16xi32>, vector<16xi32>], vector<16xf32>,
        %parallel_loop3A_160 = arith.index_cast %parallel_loop3A_101 : i32 to index
        %parallel_loop3A_161 = arith.constant 144 : index
        %parallel_loop3A_162 = tpu.vector_load %arg5[%parallel_loop3A_160, %parallel_loop3A_161] {strides = array<i32>} : memref<128x256xi32, #tpu.memory_space<vmem>>, vector<16xi32>,
        %parallel_loop3A_163 = arith.index_cast %parallel_loop3A_101 : i32 to index
        %parallel_loop3A_164 = arith.constant 144 : index
        %parallel_loop3A_165 = tpu.vector_load %arg6[%parallel_loop3A_163, %parallel_loop3A_164] {strides = array<i32>} : memref<128x256xf32, #tpu.memory_space<vmem>>, vector<16xf32>,
        tpu.vector_store_idx %arg8[%parallel_loop3A_105, %parallel_loop3A_162], %parallel_loop3A_165 {add = true} : memref<8x2048xf32, #tpu.memory_space<vmem>>[vector<16xi32>, vector<16xi32>], vector<16xf32>,
        %parallel_loop3A_166 = arith.index_cast %parallel_loop3A_101 : i32 to index
        %parallel_loop3A_167 = arith.constant 160 : index
        %parallel_loop3A_168 = tpu.vector_load %arg5[%parallel_loop3A_166, %parallel_loop3A_167] {strides = array<i32>} : memref<128x256xi32, #tpu.memory_space<vmem>>, vector<16xi32>,
        %parallel_loop3A_169 = arith.index_cast %parallel_loop3A_101 : i32 to index
        %parallel_loop3A_170 = arith.constant 160 : index
        %parallel_loop3A_171 = tpu.vector_load %arg6[%parallel_loop3A_169, %parallel_loop3A_170] {strides = array<i32>} : memref<128x256xf32, #tpu.memory_space<vmem>>, vector<16xf32>,
        tpu.vector_store_idx %arg8[%parallel_loop3A_105, %parallel_loop3A_168], %parallel_loop3A_171 {add = true} : memref<8x2048xf32, #tpu.memory_space<vmem>>[vector<16xi32>, vector<16xi32>], vector<16xf32>,
        %parallel_loop3A_172 = arith.index_cast %parallel_loop3A_101 : i32 to index
        %parallel_loop3A_173 = arith.constant 176 : index
        %parallel_loop3A_174 = tpu.vector_load %arg5[%parallel_loop3A_172, %parallel_loop3A_173] {strides = array<i32>} : memref<128x256xi32, #tpu.memory_space<vmem>>, vector<16xi32>,
        %parallel_loop3A_175 = arith.index_cast %parallel_loop3A_101 : i32 to index
        %parallel_loop3A_176 = arith.constant 176 : index
        %parallel_loop3A_177 = tpu.vector_load %arg6[%parallel_loop3A_175, %parallel_loop3A_176] {strides = array<i32>} : memref<128x256xf32, #tpu.memory_space<vmem>>, vector<16xf32>,
        tpu.vector_store_idx %arg8[%parallel_loop3A_105, %parallel_loop3A_174], %parallel_loop3A_177 {add = true} : memref<8x2048xf32, #tpu.memory_space<vmem>>[vector<16xi32>, vector<16xi32>], vector<16xf32>,
        %parallel_loop3A_178 = arith.index_cast %parallel_loop3A_101 : i32 to index
        %parallel_loop3A_179 = arith.constant 192 : index
        %parallel_loop3A_180 = tpu.vector_load %arg5[%parallel_loop3A_178, %parallel_loop3A_179] {strides = array<i32>} : memref<128x256xi32, #tpu.memory_space<vmem>>, vector<16xi32>,
        %parallel_loop3A_181 = arith.index_cast %parallel_loop3A_101 : i32 to index
        %parallel_loop3A_182 = arith.constant 192 : index
        %parallel_loop3A_183 = tpu.vector_load %arg6[%parallel_loop3A_181, %parallel_loop3A_182] {strides = array<i32>} : memref<128x256xf32, #tpu.memory_space<vmem>>, vector<16xf32>,
        tpu.vector_store_idx %arg8[%parallel_loop3A_105, %parallel_loop3A_180], %parallel_loop3A_183 {add = true} : memref<8x2048xf32, #tpu.memory_space<vmem>>[vector<16xi32>, vector<16xi32>], vector<16xf32>,
        %parallel_loop3A_184 = arith.index_cast %parallel_loop3A_101 : i32 to index
        %parallel_loop3A_185 = arith.constant 208 : index
        %parallel_loop3A_186 = tpu.vector_load %arg5[%parallel_loop3A_184, %parallel_loop3A_185] {strides = array<i32>} : memref<128x256xi32, #tpu.memory_space<vmem>>, vector<16xi32>,
        %parallel_loop3A_187 = arith.index_cast %parallel_loop3A_101 : i32 to index
        %parallel_loop3A_188 = arith.constant 208 : index
        %parallel_loop3A_189 = tpu.vector_load %arg6[%parallel_loop3A_187, %parallel_loop3A_188] {strides = array<i32>} : memref<128x256xf32, #tpu.memory_space<vmem>>, vector<16xf32>,
        tpu.vector_store_idx %arg8[%parallel_loop3A_105, %parallel_loop3A_186], %parallel_loop3A_189 {add = true} : memref<8x2048xf32, #tpu.memory_space<vmem>>[vector<16xi32>, vector<16xi32>], vector<16xf32>,
        %parallel_loop3A_190 = arith.index_cast %parallel_loop3A_101 : i32 to index
        %parallel_loop3A_191 = arith.constant 224 : index
        %parallel_loop3A_192 = tpu.vector_load %arg5[%parallel_loop3A_190, %parallel_loop3A_191] {strides = array<i32>} : memref<128x256xi32, #tpu.memory_space<vmem>>, vector<16xi32>,
        %parallel_loop3A_193 = arith.index_cast %parallel_loop3A_101 : i32 to index
        %parallel_loop3A_194 = arith.constant 224 : index
        %parallel_loop3A_195 = tpu.vector_load %arg6[%parallel_loop3A_193, %parallel_loop3A_194] {strides = array<i32>} : memref<128x256xf32, #tpu.memory_space<vmem>>, vector<16xf32>,
        tpu.vector_store_idx %arg8[%parallel_loop3A_105, %parallel_loop3A_192], %parallel_loop3A_195 {add = true} : memref<8x2048xf32, #tpu.memory_space<vmem>>[vector<16xi32>, vector<16xi32>], vector<16xf32>,
        %parallel_loop3A_196 = arith.index_cast %parallel_loop3A_101 : i32 to index
        %parallel_loop3A_197 = arith.constant 240 : index
        %parallel_loop3A_198 = tpu.vector_load %arg5[%parallel_loop3A_196, %parallel_loop3A_197] {strides = array<i32>} : memref<128x256xi32, #tpu.memory_space<vmem>>, vector<16xi32>,
        %parallel_loop3A_199 = arith.index_cast %parallel_loop3A_101 : i32 to index
        %parallel_loop3A_200 = arith.constant 240 : index
        %parallel_loop3A_201 = tpu.vector_load %arg6[%parallel_loop3A_199, %parallel_loop3A_200] {strides = array<i32>} : memref<128x256xf32, #tpu.memory_space<vmem>>, vector<16xf32>,
        tpu.vector_store_idx %arg8[%parallel_loop3A_105, %parallel_loop3A_198], %parallel_loop3A_201 {add = true} : memref<8x2048xf32, #tpu.memory_space<vmem>>[vector<16xi32>, vector<16xi32>], vector<16xf32>,
      } {sc.loop_unroll_factor = 4 : i64, sc.parallel_access}
      %add3A_95 = arith.addi %mul3A_2, %add3A_91 : i32
      %dma_start3A_96 = arith.constant 0 : i32
      %dma_start3A_97 = tpu.memref_slice %arg4[%add3A_95, %dma_start3A_96] : memref<4096x2048xf32, #tpu.memory_space<hbm>> -> memref<8x2048xf32, #tpu.memory_space<hbm>>
      %dma_start3A_98 = arith.constant 0 : i32
      %dma_start3A_99 = tpu.memref_slice %arg4[%add3A_95, %dma_start3A_98] : memref<4096x2048xf32, #tpu.memory_space<hbm>> -> memref<8x2048xf32, #tpu.memory_space<hbm>>
      tpu.enqueue_dma source(%arg8 : memref<8x2048xf32, #tpu.memory_space<vmem>>) target(%dma_start3A_99 : memref<8x2048xf32, #tpu.memory_space<hbm>>) target_semaphore(%arg11 : memref<!tpu.dma_semaphore, #tpu.memory_space<semaphore_mem>>)
    }
    %scan3A_45 = arith.constant 7 : i32
    %add3A_46 = arith.constant 112 : i32
    %add3A_47 = arith.addi %mul3A_2, %add3A_46 : i32
    %dma_wait3A_48 = arith.constant 0 : i32
    %dma_wait3A_49 = tpu.memref_slice %arg4[%add3A_47, %dma_wait3A_48] : memref<4096x2048xf32, #tpu.memory_space<hbm>> -> memref<8x2048xf32, #tpu.memory_space<hbm>>
    %dma_wait3A_50 = arith.constant 0 : i32
    %dma_wait3A_51 = tpu.memref_slice %arg4[%add3A_47, %dma_wait3A_50] : memref<4096x2048xf32, #tpu.memory_space<hbm>> -> memref<8x2048xf32, #tpu.memory_space<hbm>>
    tpu.wait_dma2 semaphore(%arg10 : memref<!tpu.dma_semaphore, #tpu.memory_space<semaphore_mem>>) src(%arg7 : memref<8x2048xf32, #tpu.memory_space<vmem>>) dst(%dma_wait3A_51 : memref<8x2048xf32, #tpu.memory_space<hbm>>)
    %add3A_52 = arith.constant 120 : i32
    %add3A_53 = arith.addi %mul3A_2, %add3A_52 : i32
    %dma_wait3A_54 = arith.constant 0 : i32
    %dma_wait3A_55 = tpu.memref_slice %arg4[%add3A_53, %dma_wait3A_54] : memref<4096x2048xf32, #tpu.memory_space<hbm>> -> memref<8x2048xf32, #tpu.memory_space<hbm>>
    %dma_wait3A_56 = arith.constant 0 : i32
    %dma_wait3A_57 = tpu.memref_slice %arg4[%add3A_53, %dma_wait3A_56] : memref<4096x2048xf32, #tpu.memory_space<hbm>> -> memref<8x2048xf32, #tpu.memory_space<hbm>>
    tpu.wait_dma2 semaphore(%arg11 : memref<!tpu.dma_semaphore, #tpu.memory_space<semaphore_mem>>) src(%arg8 : memref<8x2048xf32, #tpu.memory_space<vmem>>) dst(%dma_wait3A_57 : memref<8x2048xf32, #tpu.memory_space<hbm>>)
    return
  }
}

</mosaic_0001>

<sc_bundles>
// kernel: kernel.3.cloned.1.call-start
scs
__scs_entry_jumppad:
0x0: {  	(pc) =	sbr.rel $0x88, $3  }
0x1: {  	(tag) =	ssettag $0x0;
	lr =	simm.s32 $0x1  }
0x2: {  	[smem:$0x3F9F] =	sst lr;
	_ =	strace $0xD0000000  }
0x3: {  	_ = 	snop  }
0x4: {  	_ = 	snop  }
0x5: {  	_ = 	snop  }
0x6: {  	_ = 	snop  }
0x7: {  	_ = 	snop  }
__scs_overlays_trampoline_lowered:
0x8: {  	[smem:$0x3FAE] =	sst s0  }
0x9: {  	[smem:$0x3FAF] =	sst s1  }
0xa: {  	[smem:$0x3FB0] =	sst s2  }
0xb: {  	[smem:$0x3FB1] =	sst s3  }
0xc: {  	[smem:$0x3FB2] =	sst s4  }
0xd: {  	[smem:$0x3FB3] =	sst s5  }
0xe: {  	[smem:$0x3FB4] =	sst s6  }
0xf: {  	[smem:$0x3FB5] =	sst s7  }
0x10: {  	[smem:$0x3FB6] =	sst s8  }
0x11: {  	[smem:$0x3FB7] =	sst s9;
	s0 =	simm.s32 @!p0 $0x0  }
0x12: {  	s1 =	sld [smem:$0x3F9D];
	s0 =	simm.s32 @p0 $0x1  }
0x13: {  	[smem:$0x3FB8] =	sst s0;
	s0 =	simm.s32 @!p1 $0x0  }
0x14: {  	s2 =	sld [smem:$0x3F9C];
	s0 =	simm.s32 @p1 $0x1  }
0x15: {  	[smem:$0x3FB9] =	sst s0;
	s0 =	simm.s32 @!p2 $0x0  }
0x16: {  	s3 =	sld [smem:$0x3FDB];
	s0 =	simm.s32 @p2 $0x1  }
0x17: {  	s4 =	simm.s32 $0x1BF5;
	[smem:$0x3FBB] =	sst s0  }
0x18: {  	s0 =	sld [smem:$0x3F9E];
	_ =	swait.ge [sflag:s4], $0x0  }
0x19: {  	s7 =	sld [smem:$0x3F9F]  }
0x1a: {  	s8 =	sadd.s32 $0xFFFFE003, lr  }
0x1b: {  	s9 =	sadd.s32 $0xFFFFFEF7, lr;
	s5 =	simm.s32 $0xFFFFFFFF;
	p2 =	slt.u32 s8, $0xFFFFF086  }
0x1c: {  	p1 =	slt.u32 s9, $0xF7A;
	s5 =	simm.s32 @!p2 $0x0  }
0x1d: {  	s5 =	simm.s32 @p1 $0x1;
	p0 =	seq.s32 s7, s2  }
0x1e: {  	s7 =	smul.u32 @!p0 $0xF7A, s2;
	p2 =	seq.s32 @!p0 s5, $0x0  }
0x1f: {  	s9 =	smul.u32 $0xF7A, s1;
	s8 =	simm.s32 @!p0 $0x1BF5;
	p2 =	por !p2, p0  }
0x20: {  	[sflag:s8] =	ssyncset.s32 @!p0 $0xFFFFF086;
	s6 =	sadd.s32 @!p0 s3, s7;
	s7 =	simm.s32 @!p0 $0x108  }
0x21: {  	s3 =	sadd.s32 s3, s9;
	s6 =	sadd.s32 @!p0 $0x88, s6;
	s7 =	simm.s32 @p2 $0x1082  }
0x22: {  	[simem:s7], [sflag:s8] =	dma.local @!p0 [hbm:s6], $0xF7A  }
0x23: {  	s9 =	sor.u32 $0xD0000000, s2;
	s6 =	simm.s32 $0x108;
	_ =	swait.ge @!p0 [sflag:s8], $0x0  }
0x24: {  	s3 =	sadd.s32 $0x88, s3;
	s6 =	simm.s32 @!p1 $0x1082;
	[sflag:s4] =	ssyncset.s32 $0xFFFFF086  }
0x25: {  	[simem:s6], [sflag:s4] =	dma.local [hbm:s3], $0xF7A  }
0x26: {  	[smem:$0x3F9F] =	sst s1;
	(tag) =	ssettag s2;
	_ =	strace s9  }
0x27: {  	s1 =	sld [smem:$0x3FAF]  }
0x28: {  	s2 =	sld [smem:$0x3FB0]  }
0x29: {  	s4 =	sld [smem:$0x3FB2]  }
0x2a: {  	p0 =	seq.s32 s5, $0x0;
	s5 =	sld [smem:$0x3FB3]  }
0x2b: {  	s6 =	sld [smem:$0x3FB4]  }
0x2c: {  	s7 =	sld [smem:$0x3FB5]  }
0x2d: {  	s3 =	simm.s32 $0x108;
	s8 =	sld [smem:$0x3FB6]  }
0x2e: {  	s3 =	simm.s32 @!p0 $0x1082;
	s9 =	sld [smem:$0x3FB7]  }
0x2f: {  	lr =	sadd.s32 s0, s3;
	s0 =	sld [smem:$0x3FAE]  }
0x30: {  	s3 =	sld [smem:$0x3FB1]  }
0x31: {  	[smem:$0x3FBA] =	sst s10  }
0x32: {  	s10 =	sld [smem:$0x3FB8];
	_ =	sdelay $0x3  }
0x33: {  	p0 =	seq.s32 s10, $0x1;
	s10 =	sld [smem:$0x3FBA];
	_ =	sdelay $0x3  }
0x34: {  	[smem:$0x3FBA] =	sst s10  }
0x35: {  	s10 =	sld [smem:$0x3FB9];
	_ =	sdelay $0x3  }
0x36: {  	p1 =	seq.s32 s10, $0x1;
	s10 =	sld [smem:$0x3FBA];
	_ =	sdelay $0x3  }
0x37: {  	[smem:$0x3FBA] =	sst s10  }
0x38: {  	s10 =	sld [smem:$0x3FBB]  }
0x39: {  	_ = 	snop;
	(pc) =	sbr.ind lr, $3  }
0x3a: {  	_ = 	snop  }
0x3b: {  	_ = 	snop  }
0x3c: {  	p2 =	seq.s32 s10, $0x1;
	s10 =	sld [smem:$0x3FBA]  }
0x3d: {  	_ =	shalt  }
0x3e: {  	_ =	shalt  }
0x3f: {  	_ =	shalt  }
0x40: {  	_ =	shalt  }
0x41: {  	_ =	shalt  }
0x42: {  	_ =	shalt  }
0x43: {  	_ =	shalt  }
0x44: {  	_ =	shalt  }
0x45: {  	_ =	shalt  }
0x46: {  	_ =	shalt  }
0x47: {  	_ =	shalt  }
0x48: {  	_ =	shalt  }
0x49: {  	_ =	shalt  }
0x4a: {  	_ =	shalt  }
0x4b: {  	_ =	shalt  }
0x4c: {  	_ =	shalt  }
0x4d: {  	_ =	shalt  }
0x4e: {  	_ =	shalt  }
0x4f: {  	_ =	shalt  }
0x50: {  	_ =	shalt  }
0x51: {  	_ =	shalt  }
0x52: {  	_ =	shalt  }
0x53: {  	_ =	shalt  }
0x54: {  	_ =	shalt  }
0x55: {  	_ =	shalt  }
0x56: {  	_ =	shalt  }
0x57: {  	_ =	shalt  }
0x58: {  	_ =	shalt  }
0x59: {  	_ =	shalt  }
0x5a: {  	_ =	shalt  }
0x5b: {  	_ =	shalt  }
0x5c: {  	_ =	shalt  }
0x5d: {  	_ =	shalt  }
0x5e: {  	_ =	shalt  }
0x5f: {  	_ =	shalt  }
0x60: {  	_ =	shalt  }
0x61: {  	_ =	shalt  }
0x62: {  	_ =	shalt  }
0x63: {  	_ =	shalt  }
0x64: {  	_ =	shalt  }
0x65: {  	_ =	shalt  }
0x66: {  	_ =	shalt  }
0x67: {  	_ =	shalt  }
0x68: {  	_ =	shalt  }
0x69: {  	_ =	shalt  }
0x6a: {  	_ =	shalt  }
0x6b: {  	_ =	shalt  }
0x6c: {  	_ =	shalt  }
0x6d: {  	_ =	shalt  }
0x6e: {  	_ =	shalt  }
0x6f: {  	_ =	shalt  }
0x70: {  	_ =	shalt  }
0x71: {  	_ =	shalt  }
0x72: {  	_ =	shalt  }
0x73: {  	_ =	shalt  }
0x74: {  	_ =	shalt  }
0x75: {  	_ =	shalt  }
0x76: {  	_ =	shalt  }
0x77: {  	_ =	shalt  }
0x78: {  	_ =	shalt  }
0x79: {  	_ =	shalt  }
0x7a: {  	_ =	shalt  }
0x7b: {  	_ =	shalt  }
0x7c: {  	_ =	shalt  }
0x7d: {  	_ =	shalt  }
0x7e: {  	_ =	shalt  }
0x7f: {  	_ =	shalt  }
0x80: {  	_ =	shalt  }
0x81: {  	_ =	shalt  }
0x82: {  	_ =	shalt  }
0x83: {  	_ =	shalt  }
0x84: {  	_ =	shalt  }
0x85: {  	_ =	shalt  }
0x86: {  	_ =	shalt  }
0x87: {  	_ =	shalt  }
.Lfunc_end0:
.L_simem_size_0:
called_computation_lowered:
.L_overlay_start_0:
0x88: {  	s2 =	sld [smem:$0x3FD9]  }
0x89: {  	s3 =	sld [smem:$0x3FFE];
	_ =	sdelay $0x1  }
0x8a: {  	s1 =	srdreg.scid  }
0x8b: {  	s0 =	sand.u32 $0x1, s1  }
0x8c: {  	s18 =	sshll.u32 s0, $0xA;
	s2 =	sadd.s32 s3, s2  }
0x8d: {  	s2 =	sadd.s32 s2, s18  }
0x8e: {  	[smem:$0x3FC6] =	sst s2  }
0x8f: {  	_ = 	snop  }
0x90: {  	s2 =	sld [smem:$0x3FC9]  }
0x91: {  	s19 =	sld [smem:$0x3FC8]  }
0x92: {  	s4 =	sld [smem:$0x3FD0];
	(tm) =	ssettm $0x1  }
0x93: {  	s5 =	sld [smem:$0x3FFB];
	_ =	sdelay $0x3  }
0x94: {  	_ =	strace s5  }
0x95: {  	s5 =	sld [smem:$0x3FFC];
	_ =	sdelay $0x3  }
0x96: {  	_ =	strace s5  }
0x97: {  	s5 =	sld [smem:$0x3FFD];
	_ =	sdelay $0x3  }
0x98: {  	_ =	strace s5  }
0x99: {  	_ =	strace $0x8FFFFFFF  }
0x9a: {  	s20 =	sld [smem:$0x3FDB];
	_ =	sdelay $0x1  }
0x9b: {  	s6 =	simm.s32 $_scs_section_size  }
0x9c: {  	s7 =	simm.s32 $_size__tile_overlayer_lowered;
	s8 =	simm.s32 $_tile_overlayer_lowered  }
0x9d: {  	s23 =	simm.s32 $0x1BFF;
	s22 =	sshll.u32 s8, $0x1;
	s5 =	sadd.s32 s6, s20  }
0x9e: {  	s9 =	simm.s32 $0x0;
	s21 =	sshll.u32 s7, $0x1;
	s7 =	sadd.s32 s22, s5  }
0x9f: {  	[timem:s9], [sflag:s23] =	dma.local [hbm:s7], s21  }
0xa0: {  	_ =	swait.ge [sflag:s23], s21  }
0xa1: {  	s6 =	ssub.s32 $0x0, s21;
	[sflag:s23] =	ssyncset.done $0x0  }
0xa2: {  	[sflag:s23] =	ssyncadd.s32 s6;
	_ =	sdelay $0x1  }
0xa3: {  	s24 =	simm.s32 $0x1B8B  }
0xa4: {  	_ =	swait.ge [sflag:s24], $0x1  }
0xa5: {  	[sflag:s24] =	ssyncset.done $0x0  }
0xa6: {  	s25 =	simm.s32 $0x1B8E;
	[sflag:s24] =	ssyncadd.s32 $0xFFFFFFFF  }
0xa7: {  	s26 =	simm.s32 $execute0_lowered;
	[smem:$0x3FD2] =	sst s25  }
0xa8: {  	s6 =	sshll.u32 s26, $0x1;
	_ =	strace $0x80000046;
	[dreg:$0x1] =	wrdreg $0xFFFFFFFF  }
0xa9: {  	s28 =	simm.s32 $_size_execute0_lowered;
	s5 =	sadd.s32 s5, s6;
	[dreg:$0x0] =	wrdreg $0x0  }
0xaa: {  	s6 =	sshll.u32 s28, $0x1;
	[dreg:$0x2] =	wrdreg s5  }
0xab: {  	[dreg:$0x3] =	wrdreg s6  }
0xac: {  	[dreg:$0x4] =	wrdreg $0xC0  }
0xad: {  	_ =	task [dreg:s9], $0x5FFFF  }
0xae: {  	[dreg:$0x1] =	wrdreg $0xFFFFFFFF  }
0xaf: {  	[dreg:$0x0] =	wrdreg $0x60  }
0xb0: {  	[dreg:$0x2] =	wrdreg s2  }
0xb1: {  	[dreg:$0x3] =	wrdreg s19  }
0xb2: {  	[dreg:$0x4] =	wrdreg s4  }
0xb3: {  	[dreg:$0x5] =	wrdreg $0x9  }
0xb4: {  	_ =	task.clear_ibuf [dreg:s9], $0x6FFFF;
	_ =	strace $0x90000046  }
0xb5: {  	s29 =	simm.s32 $0x9;
	_ =	strace $0x80000048  }
0xb6: {  	_ =	swait.ge [sflag:s29], $0x1  }
0xb7: {  	[sflag:s29] =	ssyncadd.s32 $0xFFFFFFFF  }
0xb8: {  	_ =	strace $0x90000048  }
0xb9: {  	_ =	sfence  }
0xba: {  	s30 =	sld [smem:$0x0];
	_ =	sdelay $0x2  }
0xbb: {  	s31 =	sshll.u32 s1, $0xD;
	s1 =	sshrl.u32 s1, $0x2  }
0xbc: {  	s3 =	sand.u32 $0x4000, s31;
	s1 =	sadd.s32 s1, s30  }
0xbd: {  	s0 =	sor.u32 s3, s0;
	s1 =	sshll.u32 s1, $0x11  }
0xbe: {  	s0 =	sor.u32 s1, s0  }
0xbf: {  	s0 =	sadd.s32 $0x8F2B, s0  }
0xc0: {  	[sflag:s0] =	ssyncadd.remote.s32 $0x1  }
0xc1: {  	_ =	sfence.sel $0xFFFF  }
0xc2: {  	[dreg:$0x0] =	wrdreg $0xFFFFFFFF;
	(pc) =	sbr.abs _section_cstart, $3  }
0xc3: {  	[dreg:$0x1] =	wrdreg $0xFFFFFFFF  }
0xc4: {  	_ =	task.clear_ibuf [dreg:s9], $0x2FFFF;
	_ =	strace $0x9FFFFFFF  }
0xc5: {  	(tm) =	ssettm $0x7FFFFFFF  }
tec
execute0_lowered:
.L_overlay_start_1:
0x0: {  	(tag) =	ssettag $0x1  }
0x1: {  	s5 =	rddreg [dreg:$0x0]  }
0x2: {  	s6 =	rddreg [dreg:$0x1]  }
0x3: {  	s1 =	rddreg [dreg:$0x2]  }
0x4: {  	s0 =	rddreg [dreg:$0x3];
	s3 =	simm.s32 $0x0;
	s4 =	srdreg.scid  }
0x5: {  	s2 =	stileid.u32;
	s10 =	simm.s32 $0x8000;
	s11 =	simm.s32 $0x1  }
0x6: {  	s12 =	simm.s32 $0x10000;
	s13 =	simm.s32 $0x14000;
	s14 =	simm.s32 $0x2  }
0x7: {  	s15 =	simm.s32 $0x3;
	[smem:$0x7FF] =	sst s3;
	s4 =	sand.u32 $0x1, s4  }
0x8: {  	s8 =	sshll.u32 s2, $0x8;
	s7 =	ssub.s32 $0x2, s4;
	s4 =	sshll.u32 s4, $0x7  }
0x9: {  	s16 =	simm.s32 $0x0;
	_ =	strace $0x80000047;
	s4 =	sor.u32 s4, s8  }
0xa: {  	s9 =	sshrl.u32 s7, $0x1;
	s31 =	sshll.u32 s4, $0x5;
	s8 =	sshll.u32 s4, $0x8  }
0xb: {  	s9 =	ssub.s32 s7, s9;
	s5 =	sadd.s32 s5, s31;
	s7 =	sadd.s32 s1, s8  }
0xc: {  	v0 =	vimm.f32 $0.0e+00;
	s6 =	sadd.s32 s6, s31;
	s9 =	smax.u32 s9, $0x1;
	s8 =	sadd.s32 $0x800, s7  }
.LBB2_1:
0xd: {  	[tilespmem:s3], [sflag:$0x1] =	stream.linear.gather [hbm4b:s5+s3], $0x8000, $0x38;
	[tilespmem:$0x18000] =	vst v63  }
0xe: {  	s19 =	simm.s32 $0x0  }
0xf: {  	s18 =	sand.u32 $0x3800, s3;
	s17 =	sand.u32 $0x380, s19  }
0x10: {  	[tilespmem:s10], [sflag:$0x1] =	stream.linear.gather [hbm4b:s6+s3], $0x8000, $0x38;
	[tilespmem:$0x18000] =	vst v63  }
0x11: {  	s18 =	sor.u32 s17, s18  }
0x12: {  	[tilespmem:s18+$0x10470] =	vst v0  }
0x13: {  	[tilespmem:s18+$0x10000] =	vst v0  }
0x14: {  	[tilespmem:s18+$0x10010] =	vst v0  }
0x15: {  	[tilespmem:s18+$0x10020] =	vst v0  }
0x16: {  	[tilespmem:s18+$0x10030] =	vst v0  }
0x17: {  	[tilespmem:s18+$0x10040] =	vst v0  }
0x18: {  	[tilespmem:s18+$0x10050] =	vst v0  }
0x19: {  	[tilespmem:s18+$0x10060] =	vst v0  }
0x1a: {  	[tilespmem:s18+$0x10070] =	vst v0  }
0x1b: {  	[tilespmem:s18+$0x10400] =	vst v0  }
0x1c: {  	[tilespmem:s18+$0x10410] =	vst v0  }
0x1d: {  	[tilespmem:s18+$0x10420] =	vst v0  }
0x1e: {  	s20 =	simm.s32 $0x0;
	[tilespmem:s18+$0x10430] =	vst v0  }
.LBB2_2:
0x1f: {  	s19 =	sadd.s32 $0x10, s19;
	[tilespmem:s18+$0x10440] =	vst v0;
	s20 =	sadd.s32 $0x800, s20  }
0x20: {  	s17 =	sand.u32 $0x380, s19;
	s21 =	sand.u32 $0x3800, s20;
	p0 =	slt.u32 s19, $0x3F0;
	[tilespmem:s18+$0x10450] =	vst v0  }
0x21: {  	[tilespmem:s18+$0x10460] =	vst v0;
	s18 =	sor.u32 s17, s21  }
0x22: {  	s17 =	simm.s32 $0x0;
	[tilespmem:s18+$0x10470] =	vst v0  }
0x23: {  	[tilespmem:s18+$0x10000] =	vst v0  }
0x24: {  	[tilespmem:s18+$0x10010] =	vst v0  }
0x25: {  	[tilespmem:s18+$0x10020] =	vst v0  }
0x26: {  	[tilespmem:s18+$0x10030] =	vst v0  }
0x27: {  	[tilespmem:s18+$0x10040] =	vst v0  }
0x28: {  	[tilespmem:s18+$0x10050] =	vst v0  }
0x29: {  	[tilespmem:s18+$0x10060] =	vst v0  }
.Ltmp0:
0x2a: {  	[tilespmem:s18+$0x10070] =	vst v0;
	(pc) =	sbr.rel @p0 .LBB2_2-.Ltmp0, $4  }
0x2b: {  	[tilespmem:s18+$0x10400] =	vst v0  }
0x2c: {  	[tilespmem:s18+$0x10410] =	vst v0  }
0x2d: {  	[tilespmem:s18+$0x10420] =	vst v0  }
0x2e: {  	[tilespmem:s18+$0x10430] =	vst v0  }
0x2f: {  	[tilespmem:s18+$0x10440] =	vst v0;
	s19 =	simm.s32 $0x0  }
0x30: {  	[tilespmem:s18+$0x10450] =	vst v0;
	s21 =	sand.u32 $0x3800, s17;
	s20 =	sand.u32 $0x380, s19  }
0x31: {  	[tilespmem:s18+$0x10460] =	vst v0;
	s18 =	sor.u32 s20, s21  }
0x32: {  	[tilespmem:s18+$0x14470] =	vst v0  }
0x33: {  	[tilespmem:s18+$0x14000] =	vst v0  }
0x34: {  	[tilespmem:s18+$0x14010] =	vst v0  }
0x35: {  	[tilespmem:s18+$0x14020] =	vst v0  }
0x36: {  	[tilespmem:s18+$0x14030] =	vst v0  }
0x37: {  	[tilespmem:s18+$0x14040] =	vst v0  }
0x38: {  	[tilespmem:s18+$0x14050] =	vst v0  }
0x39: {  	[tilespmem:s18+$0x14060] =	vst v0  }
0x3a: {  	[tilespmem:s18+$0x14070] =	vst v0  }
0x3b: {  	[tilespmem:s18+$0x14400] =	vst v0  }
0x3c: {  	[tilespmem:s18+$0x14410] =	vst v0  }
0x3d: {  	[tilespmem:s18+$0x14420] =	vst v0  }
0x3e: {  	[tilespmem:s18+$0x14430] =	vst v0  }
.LBB2_4:
0x3f: {  	s19 =	sadd.s32 $0x10, s19;
	[tilespmem:s18+$0x14440] =	vst v0;
	s17 =	sadd.s32 $0x800, s17  }
0x40: {  	s20 =	sand.u32 $0x380, s19;
	s21 =	sand.u32 $0x3800, s17;
	p0 =	slt.u32 s19, $0x3F0;
	[tilespmem:s18+$0x14450] =	vst v0  }
0x41: {  	[tilespmem:s18+$0x14460] =	vst v0;
	s18 =	sor.u32 s20, s21  }
0x42: {  	[tilespmem:s18+$0x14470] =	vst v0  }
0x43: {  	[tilespmem:s18+$0x14000] =	vst v0  }
0x44: {  	[tilespmem:s18+$0x14010] =	vst v0  }
0x45: {  	[tilespmem:s18+$0x14020] =	vst v0  }
0x46: {  	[tilespmem:s18+$0x14030] =	vst v0  }
0x47: {  	[tilespmem:s18+$0x14040] =	vst v0  }
0x48: {  	[tilespmem:s18+$0x14050] =	vst v0  }
0x49: {  	[tilespmem:s18+$0x14060] =	vst v0  }
.Ltmp1:
0x4a: {  	[tilespmem:s18+$0x14070] =	vst v0;
	(pc) =	sbr.rel @p0 .LBB2_4-.Ltmp1, $4  }
0x4b: {  	[tilespmem:s18+$0x14400] =	vst v0  }
0x4c: {  	[tilespmem:s18+$0x14410] =	vst v0  }
0x4d: {  	[tilespmem:s18+$0x14420] =	vst v0  }
0x4e: {  	[tilespmem:s18+$0x14430] =	vst v0  }
0x4f: {  	[tilespmem:s18+$0x14440] =	vst v0  }
0x50: {  	[tilespmem:s18+$0x14450] =	vst v0  }
0x51: {  	[tilespmem:s18+$0x14460] =	vst v0  }
0x52: {  	_ =	swait.ge [sflag:s11], $0x8000  }
0x53: {  	[sflag:s11] =	ssyncset.done $0x0  }
0x54: {  	[sflag:s11] =	ssyncadd.s32 $0xFFFF8000  }
0x55: {  	_ =	swait.ge [sflag:s11], $0x8000  }
0x56: {  	[sflag:s11] =	ssyncset.done $0x0  }
0x57: {  	s20 =	simm.s32 $0x0;
	p0 =	por $0x1, $0x1;
	[sflag:s11] =	ssyncadd.s32 $0xFFFF8000  }
.LBB2_6:
0x58: {  	s18 =	sshll.u32 s20, $0x7  }
0x59: {  	s19 =	sor.u32 $0x1, s20;
	v1 =	vld [tilespmem:s18+$0x0]  }
0x5a: {  	s17 =	sshll.u32 s19, $0x7  }
0x5b: {  	v3 =	vld [tilespmem:s17+$0x0]  }
0x5c: {  	v2 =	vmov s20  }
0x5d: {  	v2 =	vshll.u32 v2, $0x7  }
0x5e: {  	v2 =	vand.u32 $0x200, v2;
	v4 =	vand.u32 $0x7F, v1;
	v1 =	vshll.u32 v1, $0x3  }
0x5f: {  	s22 =	sor.u32 $0x3, s20;
	v5 =	vand.u32 $0xFFFFFC00, v1;
	v1 =	vbroadcast v2, $0x0;
	v2 =	vmov s19  }
0x60: {  	s21 =	sor.u32 $0x2, s20;
	v32 =	vld [tilespmem:s18+$0x8000];
	s20 =	sshll.u32 s22, $0x7;
	v6 =	vshll.u32 v3, $0x3;
	v2 =	vshll.u32 v2, $0x7  }
0x61: {  	v9 =	vld [tilespmem:s20+$0x0];
	s19 =	sshll.u32 s21, $0x7;
	v3 =	vand.u32 $0x7F, v3;
	v4 =	vor.u32 v5, v4;
	v2 =	vand.u32 $0x280, v2  }
0x62: {  	v6 =	vand.u32 $0xFFFFFC00, v6;
	v7 =	vld [tilespmem:s19+$0x0];
	v4 =	vor.u32 v1, v4;
	v2 =	vbroadcast v2, $0x0  }
0x63: {  	v3 =	vor.u32 v6, v3  }
0x64: {  	v33 =	vld [tilespmem:s17+$0x8000];
	v8 =	vor.u32 v2, v3  }
0x65: {  	v10 =	vmov s22;
	v3 =	vmov s21  }
0x66: {  	v37 =	vshll.u32 v10, $0x7;
	v40 =	vld [tilespmem:s19+$0x8000];
	v3 =	vshll.u32 v3, $0x7  }
0x67: {  	v39 =	vshll.u32 v9, $0x3;
	v35 =	vshll.u32 v7, $0x3;
	[tilespmem:v4+s12+$0x0] =	vst.idx.add.f32.msk $0xffff, v32;
	v3 =	vand.u32 $0x300, v3  }
0x68: {  	v34 =	vand.u32 $0x7F, v7;
	v5 =	vand.u32 $0xFFFFFC00, v35;
	v36 =	vld [tilespmem:s18+$0x10];
	v3 =	vbroadcast v3, $0x0  }
0x69: {  	v9 =	vand.u32 $0x7F, v9;
	v4 =	vor.u32 v5, v34;
	v5 =	vand.u32 $0x380, v37;
	[tilespmem:v8+s12+$0x0] =	vst.idx.add.f32.msk $0xffff, v33  }
0x6a: {  	v11 =	vand.u32 $0xFFFFFC00, v39;
	v38 =	vor.u32 v3, v4;
	v4 =	vbroadcast v5, $0x0;
	v6 =	vld [tilespmem:s17+$0x10]  }
0x6b: {  	v41 =	vor.u32 v11, v9  }
0x6c: {  	v43 =	vld [tilespmem:s20+$0x8000];
	v5 =	vor.u32 v4, v41  }
0x6d: {  	v12 =	vld [tilespmem:s18+$0x8010];
	v42 =	vshll.u32 v36, $0x3  }
0x6e: {  	v44 =	vld [tilespmem:s17+$0x8010];
	v7 =	vand.u32 $0x7F, v36;
	v9 =	vand.u32 $0xFFFFFC00, v42  }
0x6f: {  	v7 =	vor.u32 v9, v7;
	[tilespmem:v38+s12+$0x0] =	vst.idx.add.f32.msk $0xffff, v40;
	v13 =	vshll.u32 v6, $0x3  }
0x70: {  	v7 =	vor.u32 v1, v7;
	v6 =	vand.u32 $0x7F, v6;
	v8 =	vld [tilespmem:s19+$0x10];
	v13 =	vand.u32 $0xFFFFFC00, v13  }
0x71: {  	[tilespmem:v5+s12+$0x0] =	vst.idx.add.f32.msk $0xffff, v43;
	v6 =	vor.u32 v13, v6  }
0x72: {  	v5 =	vld [tilespmem:s20+$0x10];
	v6 =	vor.u32 v2, v6;
	_ =	sdelay $0x1  }
0x73: {  	v49 =	vld [tilespmem:s19+$0x8010]  }
0x74: {  	[tilespmem:v7+s12+$0x0] =	vst.idx.add.f32.msk $0xffff, v12;
	v45 =	vshll.u32 v8, $0x3  }
0x75: {  	v46 =	vand.u32 $0x7F, v8;
	v7 =	vld [tilespmem:s18+$0x20];
	v47 =	vand.u32 $0xFFFFFC00, v45  }
0x76: {  	v48 =	vshll.u32 v5, $0x3;
	[tilespmem:v6+s12+$0x0] =	vst.idx.add.f32.msk $0xffff, v44;
	v6 =	vor.u32 v47, v46  }
0x77: {  	v5 =	vand.u32 $0x7F, v5;
	v8 =	vand.u32 $0xFFFFFC00, v48;
	v9 =	vld [tilespmem:s17+$0x20];
	v6 =	vor.u32 v3, v6  }
0x78: {  	v5 =	vor.u32 v8, v5  }
0x79: {  	v11 =	vld [tilespmem:s20+$0x8010];
	v5 =	vor.u32 v4, v5  }
0x7a: {  	v12 =	vld [tilespmem:s18+$0x8020];
	v50 =	vshll.u32 v7, $0x3  }
0x7b: {  	v51 =	vld [tilespmem:s17+$0x8020];
	v7 =	vand.u32 $0x7F, v7;
	v8 =	vand.u32 $0xFFFFFC00, v50  }
0x7c: {  	v7 =	vor.u32 v8, v7;
	v52 =	vshll.u32 v9, $0x3;
	[tilespmem:v6+s12+$0x0] =	vst.idx.add.f32.msk $0xffff, v49  }
0x7d: {  	v7 =	vor.u32 v1, v7;
	v9 =	vand.u32 $0x7F, v9;
	v13 =	vand.u32 $0xFFFFFC00, v52;
	v54 =	vld [tilespmem:s19+$0x20]  }
0x7e: {  	[tilespmem:v5+s12+$0x0] =	vst.idx.add.f32.msk $0xffff, v11;
	v53 =	vor.u32 v13, v9  }
0x7f: {  	v5 =	vld [tilespmem:s20+$0x20];
	v6 =	vor.u32 v2, v53;
	_ =	sdelay $0x1  }
0x80: {  	v60 =	vld [tilespmem:s19+$0x8020]  }
0x81: {  	[tilespmem:v7+s12+$0x0] =	vst.idx.add.f32.msk $0xffff, v12;
	v55 =	vshll.u32 v54, $0x3  }
0x82: {  	v7 =	vld [tilespmem:s18+$0x30];
	v56 =	vand.u32 $0x7F, v54;
	v57 =	vand.u32 $0xFFFFFC00, v55  }
0x83: {  	v59 =	vshll.u32 v5, $0x3;
	[tilespmem:v6+s12+$0x0] =	vst.idx.add.f32.msk $0xffff, v51;
	v6 =	vor.u32 v57, v56  }
0x84: {  	v5 =	vand.u32 $0x7F, v5;
	v8 =	vand.u32 $0xFFFFFC00, v59;
	v58 =	vld [tilespmem:s17+$0x30];
	v6 =	vor.u32 v3, v6  }
0x85: {  	v5 =	vor.u32 v8, v5  }
0x86: {  	v11 =	vld [tilespmem:s20+$0x8020];
	v5 =	vor.u32 v4, v5  }
0x87: {  	v12 =	vld [tilespmem:s18+$0x8030];
	v61 =	vshll.u32 v7, $0x3  }
0x88: {  	v62 =	vld [tilespmem:s17+$0x8030];
	v7 =	vand.u32 $0x7F, v7;
	v8 =	vand.u32 $0xFFFFFC00, v61  }
0x89: {  	v7 =	vor.u32 v8, v7;
	v63 =	vshll.u32 v58, $0x3;
	[tilespmem:v6+s12+$0x0] =	vst.idx.add.f32.msk $0xffff, v60  }
0x8a: {  	v7 =	vor.u32 v1, v7;
	v9 =	vand.u32 $0x7F, v58;
	v13 =	vand.u32 $0xFFFFFC00, v63;
	v15 =	vld [tilespmem:s19+$0x30]  }
0x8b: {  	[tilespmem:v5+s12+$0x0] =	vst.idx.add.f32.msk $0xffff, v11;
	v14 =	vor.u32 v13, v9  }
0x8c: {  	v5 =	vld [tilespmem:s20+$0x30];
	v6 =	vor.u32 v2, v14;
	_ =	sdelay $0x1  }
0x8d: {  	v21 =	vld [tilespmem:s19+$0x8030]  }
0x8e: {  	[tilespmem:v7+s12+$0x0] =	vst.idx.add.f32.msk $0xffff, v12;
	v16 =	vshll.u32 v15, $0x3  }
0x8f: {  	v7 =	vld [tilespmem:s18+$0x40];
	v17 =	vand.u32 $0x7F, v15;
	v18 =	vand.u32 $0xFFFFFC00, v16  }
0x90: {  	v20 =	vshll.u32 v5, $0x3;
	[tilespmem:v6+s12+$0x0] =	vst.idx.add.f32.msk $0xffff, v62;
	v6 =	vor.u32 v18, v17  }
0x91: {  	v5 =	vand.u32 $0x7F, v5;
	v8 =	vand.u32 $0xFFFFFC00, v20;
	v19 =	vld [tilespmem:s17+$0x40];
	v6 =	vor.u32 v3, v6  }
0x92: {  	v5 =	vor.u32 v8, v5  }
0x93: {  	v11 =	vld [tilespmem:s20+$0x8030];
	v5 =	vor.u32 v4, v5  }
0x94: {  	v12 =	vld [tilespmem:s18+$0x8040];
	v22 =	vshll.u32 v7, $0x3  }
0x95: {  	v23 =	vld [tilespmem:s17+$0x8040];
	v7 =	vand.u32 $0x7F, v7;
	v8 =	vand.u32 $0xFFFFFC00, v22  }
0x96: {  	v7 =	vor.u32 v8, v7;
	v24 =	vshll.u32 v19, $0x3;
	[tilespmem:v6+s12+$0x0] =	vst.idx.add.f32.msk $0xffff, v21  }
0x97: {  	v7 =	vor.u32 v1, v7;
	v9 =	vand.u32 $0x7F, v19;
	v13 =	vand.u32 $0xFFFFFC00, v24;
	v26 =	vld [tilespmem:s19+$0x40]  }
0x98: {  	[tilespmem:v5+s12+$0x0] =	vst.idx.add.f32.msk $0xffff, v11;
	v25 =	vor.u32 v13, v9  }
0x99: {  	v5 =	vld [tilespmem:s20+$0x40];
	v6 =	vor.u32 v2, v25;
	_ =	sdelay $0x1  }
0x9a: {  	v32 =	vld [tilespmem:s19+$0x8040]  }
0x9b: {  	[tilespmem:v7+s12+$0x0] =	vst.idx.add.f32.msk $0xffff, v12;
	v27 =	vshll.u32 v26, $0x3  }
0x9c: {  	v7 =	vld [tilespmem:s18+$0x50];
	v28 =	vand.u32 $0x7F, v26;
	v29 =	vand.u32 $0xFFFFFC00, v27  }
0x9d: {  	v31 =	vshll.u32 v5, $0x3;
	[tilespmem:v6+s12+$0x0] =	vst.idx.add.f32.msk $0xffff, v23;
	v6 =	vor.u32 v29, v28  }
0x9e: {  	v5 =	vand.u32 $0x7F, v5;
	v8 =	vand.u32 $0xFFFFFC00, v31;
	v30 =	vld [tilespmem:s17+$0x50];
	v6 =	vor.u32 v3, v6  }
0x9f: {  	v5 =	vor.u32 v8, v5  }
0xa0: {  	v11 =	vld [tilespmem:s20+$0x8040];
	v5 =	vor.u32 v4, v5  }
0xa1: {  	v12 =	vld [tilespmem:s18+$0x8050];
	v33 =	vshll.u32 v7, $0x3  }
0xa2: {  	v34 =	vld [tilespmem:s17+$0x8050];
	v7 =	vand.u32 $0x7F, v7;
	v8 =	vand.u32 $0xFFFFFC00, v33  }
0xa3: {  	v7 =	vor.u32 v8, v7;
	v35 =	vshll.u32 v30, $0x3;
	[tilespmem:v6+s12+$0x0] =	vst.idx.add.f32.msk $0xffff, v32  }
0xa4: {  	v7 =	vor.u32 v1, v7;
	v9 =	vand.u32 $0x7F, v30;
	v13 =	vand.u32 $0xFFFFFC00, v35;
	v37 =	vld [tilespmem:s19+$0x50]  }
0xa5: {  	[tilespmem:v5+s12+$0x0] =	vst.idx.add.f32.msk $0xffff, v11;
	v36 =	vor.u32 v13, v9  }
0xa6: {  	v5 =	vld [tilespmem:s20+$0x50];
	v6 =	vor.u32 v2, v36;
	_ =	sdelay $0x1  }
0xa7: {  	v43 =	vld [tilespmem:s19+$0x8050]  }
0xa8: {  	[tilespmem:v7+s12+$0x0] =	vst.idx.add.f32.msk $0xffff, v12;
	v38 =	vshll.u32 v37, $0x3  }
0xa9: {  	v7 =	vld [tilespmem:s18+$0x60];
	v39 =	vand.u32 $0x7F, v37;
	v40 =	vand.u32 $0xFFFFFC00, v38  }
0xaa: {  	v42 =	vshll.u32 v5, $0x3;
	[tilespmem:v6+s12+$0x0] =	vst.idx.add.f32.msk $0xffff, v34;
	v6 =	vor.u32 v40, v39  }
0xab: {  	v5 =	vand.u32 $0x7F, v5;
	v8 =	vand.u32 $0xFFFFFC00, v42;
	v41 =	vld [tilespmem:s17+$0x60];
	v6 =	vor.u32 v3, v6  }
0xac: {  	v5 =	vor.u32 v8, v5  }
0xad: {  	v11 =	vld [tilespmem:s20+$0x8050];
	v5 =	vor.u32 v4, v5  }
0xae: {  	v12 =	vld [tilespmem:s18+$0x8060];
	v44 =	vshll.u32 v7, $0x3  }
0xaf: {  	v45 =	vld [tilespmem:s17+$0x8060];
	v7 =	vand.u32 $0x7F, v7;
	v8 =	vand.u32 $0xFFFFFC00, v44  }
0xb0: {  	v7 =	vor.u32 v8, v7;
	v46 =	vshll.u32 v41, $0x3;
	[tilespmem:v6+s12+$0x0] =	vst.idx.add.f32.msk $0xffff, v43  }
0xb1: {  	v7 =	vor.u32 v1, v7;
	v9 =	vand.u32 $0x7F, v41;
	v13 =	vand.u32 $0xFFFFFC00, v46;
	v48 =	vld [tilespmem:s19+$0x60]  }
0xb2: {  	[tilespmem:v5+s12+$0x0] =	vst.idx.add.f32.msk $0xffff, v11;
	v47 =	vor.u32 v13, v9  }
0xb3: {  	v5 =	vld [tilespmem:s20+$0x60];
	v6 =	vor.u32 v2, v47;
	_ =	sdelay $0x1  }
0xb4: {  	v54 =	vld [tilespmem:s19+$0x8060]  }
0xb5: {  	[tilespmem:v7+s12+$0x0] =	vst.idx.add.f32.msk $0xffff, v12;
	v49 =	vshll.u32 v48, $0x3  }
0xb6: {  	v7 =	vld [tilespmem:s18+$0x70];
	v50 =	vand.u32 $0x7F, v48;
	v51 =	vand.u32 $0xFFFFFC00, v49  }
0xb7: {  	v53 =	vshll.u32 v5, $0x3;
	[tilespmem:v6+s12+$0x0] =	vst.idx.add.f32.msk $0xffff, v45;
	v6 =	vor.u32 v51, v50  }
0xb8: {  	v5 =	vand.u32 $0x7F, v5;
	v8 =	vand.u32 $0xFFFFFC00, v53;
	v52 =	vld [tilespmem:s17+$0x70];
	v6 =	vor.u32 v3, v6  }
0xb9: {  	v5 =	vor.u32 v8, v5  }
0xba: {  	v11 =	vld [tilespmem:s20+$0x8060];
	v5 =	vor.u32 v4, v5  }
0xbb: {  	v12 =	vld [tilespmem:s18+$0x8070];
	v55 =	vshll.u32 v7, $0x3  }
0xbc: {  	v56 =	vld [tilespmem:s17+$0x8070];
	v7 =	vand.u32 $0x7F, v7;
	v8 =	vand.u32 $0xFFFFFC00, v55  }
0xbd: {  	v7 =	vor.u32 v8, v7;
	v57 =	vshll.u32 v52, $0x3;
	[tilespmem:v6+s12+$0x0] =	vst.idx.add.f32.msk $0xffff, v54  }
0xbe: {  	v7 =	vor.u32 v1, v7;
	v9 =	vand.u32 $0x7F, v52;
	v13 =	vand.u32 $0xFFFFFC00, v57;
	v59 =	vld [tilespmem:s19+$0x70]  }
0xbf: {  	[tilespmem:v5+s12+$0x0] =	vst.idx.add.f32.msk $0xffff, v11;
	v58 =	vor.u32 v13, v9  }
0xc0: {  	v5 =	vld [tilespmem:s20+$0x70];
	v6 =	vor.u32 v2, v58;
	_ =	sdelay $0x1  }
0xc1: {  	v17 =	vld [tilespmem:s19+$0x8070]  }
0xc2: {  	s26 =	sor.u32 $0x400, s18;
	[tilespmem:v7+s12+$0x0] =	vst.idx.add.f32.msk $0xffff, v12;
	v60 =	vshll.u32 v59, $0x3  }
0xc3: {  	v7 =	vld [tilespmem:s26+$0x0];
	v61 =	vand.u32 $0x7F, v59;
	v62 =	vand.u32 $0xFFFFFC00, v60  }
0xc4: {  	s28 =	sor.u32 $0x400, s17;
	v16 =	vshll.u32 v5, $0x3;
	[tilespmem:v6+s12+$0x0] =	vst.idx.add.f32.msk $0xffff, v56;
	v6 =	vor.u32 v62, v61  }
0xc5: {  	v5 =	vand.u32 $0x7F, v5;
	v8 =	vand.u32 $0xFFFFFC00, v16;
	v63 =	vld [tilespmem:s28+$0x0];
	v6 =	vor.u32 v3, v6  }
0xc6: {  	v5 =	vor.u32 v8, v5  }
0xc7: {  	v11 =	vld [tilespmem:s20+$0x8070];
	v5 =	vor.u32 v4, v5  }
0xc8: {  	v12 =	vld [tilespmem:s18+$0x8400];
	v18 =	vshll.u32 v7, $0x3  }
0xc9: {  	v19 =	vld [tilespmem:s17+$0x8400];
	v7 =	vand.u32 $0x7F, v7;
	v8 =	vand.u32 $0xFFFFFC00, v18  }
0xca: {  	s29 =	sor.u32 $0x400, s19;
	v7 =	vor.u32 v8, v7;
	v20 =	vshll.u32 v63, $0x3;
	[tilespmem:v6+s12+$0x0] =	vst.idx.add.f32.msk $0xffff, v17  }
0xcb: {  	v7 =	vor.u32 v1, v7;
	v9 =	vand.u32 $0x7F, v63;
	v13 =	vand.u32 $0xFFFFFC00, v20;
	v22 =	vld [tilespmem:s29+$0x0]  }
0xcc: {  	s30 =	sor.u32 $0x400, s20;
	[tilespmem:v5+s12+$0x0] =	vst.idx.add.f32.msk $0xffff, v11;
	v21 =	vor.u32 v13, v9  }
0xcd: {  	v5 =	vld [tilespmem:s30+$0x0];
	v6 =	vor.u32 v2, v21;
	_ =	sdelay $0x1  }
0xce: {  	v28 =	vld [tilespmem:s19+$0x8400]  }
0xcf: {  	s31 =	sor.u32 $0x410, s18;
	[tilespmem:v7+s12+$0x0] =	vst.idx.add.f32.msk $0xffff, v12;
	v23 =	vshll.u32 v22, $0x3  }
0xd0: {  	v7 =	vld [tilespmem:s31+$0x0];
	v24 =	vand.u32 $0x7F, v22;
	v25 =	vand.u32 $0xFFFFFC00, v23  }
0xd1: {  	s22 =	sor.u32 $0x410, s17;
	v27 =	vshll.u32 v5, $0x3;
	[tilespmem:v6+s12+$0x0] =	vst.idx.add.f32.msk $0xffff, v19;
	v6 =	vor.u32 v25, v24  }
0xd2: {  	v5 =	vand.u32 $0x7F, v5;
	v8 =	vand.u32 $0xFFFFFC00, v27;
	v26 =	vld [tilespmem:s22+$0x0];
	v6 =	vor.u32 v3, v6  }
0xd3: {  	v5 =	vor.u32 v8, v5  }
0xd4: {  	v11 =	vld [tilespmem:s20+$0x8400];
	v5 =	vor.u32 v4, v5  }
0xd5: {  	v12 =	vld [tilespmem:s18+$0x8410];
	v29 =	vshll.u32 v7, $0x3  }
0xd6: {  	v30 =	vld [tilespmem:s17+$0x8410];
	v7 =	vand.u32 $0x7F, v7;
	v8 =	vand.u32 $0xFFFFFC00, v29  }
0xd7: {  	s23 =	sor.u32 $0x410, s19;
	v7 =	vor.u32 v8, v7;
	v31 =	vshll.u32 v26, $0x3;
	[tilespmem:v6+s12+$0x0] =	vst.idx.add.f32.msk $0xffff, v28  }
0xd8: {  	v7 =	vor.u32 v1, v7;
	v9 =	vand.u32 $0x7F, v26;
	v13 =	vand.u32 $0xFFFFFC00, v31;
	v33 =	vld [tilespmem:s23+$0x0]  }
0xd9: {  	s24 =	sor.u32 $0x410, s20;
	[tilespmem:v5+s12+$0x0] =	vst.idx.add.f32.msk $0xffff, v11;
	v32 =	vor.u32 v13, v9  }
0xda: {  	v5 =	vld [tilespmem:s24+$0x0];
	v6 =	vor.u32 v2, v32;
	_ =	sdelay $0x1  }
0xdb: {  	v39 =	vld [tilespmem:s19+$0x8410]  }
0xdc: {  	s25 =	sor.u32 $0x420, s18;
	[tilespmem:v7+s12+$0x0] =	vst.idx.add.f32.msk $0xffff, v12;
	v34 =	vshll.u32 v33, $0x3  }
0xdd: {  	v7 =	vld [tilespmem:s25+$0x0];
	v35 =	vand.u32 $0x7F, v33;
	v36 =	vand.u32 $0xFFFFFC00, v34  }
0xde: {  	s26 =	sor.u32 $0x420, s17;
	v38 =	vshll.u32 v5, $0x3;
	[tilespmem:v6+s12+$0x0] =	vst.idx.add.f32.msk $0xffff, v30;
	v6 =	vor.u32 v36, v35  }
0xdf: {  	v5 =	vand.u32 $0x7F, v5;
	v8 =	vand.u32 $0xFFFFFC00, v38;
	v37 =	vld [tilespmem:s26+$0x0];
	v6 =	vor.u32 v3, v6  }
0xe0: {  	v5 =	vor.u32 v8, v5  }
0xe1: {  	v11 =	vld [tilespmem:s20+$0x8410];
	v5 =	vor.u32 v4, v5  }
0xe2: {  	v12 =	vld [tilespmem:s18+$0x8420];
	v40 =	vshll.u32 v7, $0x3  }
0xe3: {  	v41 =	vld [tilespmem:s17+$0x8420];
	v7 =	vand.u32 $0x7F, v7;
	v8 =	vand.u32 $0xFFFFFC00, v40  }
0xe4: {  	s28 =	sor.u32 $0x420, s19;
	v7 =	vor.u32 v8, v7;
	v42 =	vshll.u32 v37, $0x3;
	[tilespmem:v6+s12+$0x0] =	vst.idx.add.f32.msk $0xffff, v39  }
0xe5: {  	v7 =	vor.u32 v1, v7;
	v9 =	vand.u32 $0x7F, v37;
	v13 =	vand.u32 $0xFFFFFC00, v42;
	v44 =	vld [tilespmem:s28+$0x0]  }
0xe6: {  	s29 =	sor.u32 $0x420, s20;
	[tilespmem:v5+s12+$0x0] =	vst.idx.add.f32.msk $0xffff, v11;
	v43 =	vor.u32 v13, v9  }
0xe7: {  	v5 =	vld [tilespmem:s29+$0x0];
	v6 =	vor.u32 v2, v43;
	_ =	sdelay $0x1  }
0xe8: {  	v50 =	vld [tilespmem:s19+$0x8420]  }
0xe9: {  	s30 =	sor.u32 $0x430, s18;
	[tilespmem:v7+s12+$0x0] =	vst.idx.add.f32.msk $0xffff, v12;
	v45 =	vshll.u32 v44, $0x3  }
0xea: {  	v7 =	vld [tilespmem:s30+$0x0];
	v46 =	vand.u32 $0x7F, v44;
	v47 =	vand.u32 $0xFFFFFC00, v45  }
0xeb: {  	s31 =	sor.u32 $0x430, s17;
	v49 =	vshll.u32 v5, $0x3;
	[tilespmem:v6+s12+$0x0] =	vst.idx.add.f32.msk $0xffff, v41;
	v6 =	vor.u32 v47, v46  }
0xec: {  	v5 =	vand.u32 $0x7F, v5;
	v8 =	vand.u32 $0xFFFFFC00, v49;
	v48 =	vld [tilespmem:s31+$0x0];
	v6 =	vor.u32 v3, v6  }
0xed: {  	v5 =	vor.u32 v8, v5  }
0xee: {  	v11 =	vld [tilespmem:s20+$0x8420];
	v5 =	vor.u32 v4, v5  }
0xef: {  	v12 =	vld [tilespmem:s18+$0x8430];
	v51 =	vshll.u32 v7, $0x3  }
0xf0: {  	v52 =	vld [tilespmem:s17+$0x8430];
	v7 =	vand.u32 $0x7F, v7;
	v8 =	vand.u32 $0xFFFFFC00, v51  }
0xf1: {  	s22 =	sor.u32 $0x430, s19;
	v7 =	vor.u32 v8, v7;
	v53 =	vshll.u32 v48, $0x3;
	[tilespmem:v6+s12+$0x0] =	vst.idx.add.f32.msk $0xffff, v50  }
0xf2: {  	v7 =	vor.u32 v1, v7;
	v9 =	vand.u32 $0x7F, v48;
	v13 =	vand.u32 $0xFFFFFC00, v53;
	v55 =	vld [tilespmem:s22+$0x0]  }
0xf3: {  	s23 =	sor.u32 $0x430, s20;
	[tilespmem:v5+s12+$0x0] =	vst.idx.add.f32.msk $0xffff, v11;
	v54 =	vor.u32 v13, v9  }
0xf4: {  	v5 =	vld [tilespmem:s23+$0x0];
	v6 =	vor.u32 v2, v54;
	_ =	sdelay $0x1  }
0xf5: {  	v61 =	vld [tilespmem:s19+$0x8430]  }
0xf6: {  	s24 =	sor.u32 $0x440, s18;
	[tilespmem:v7+s12+$0x0] =	vst.idx.add.f32.msk $0xffff, v12;
	v56 =	vshll.u32 v55, $0x3  }
0xf7: {  	v7 =	vld [tilespmem:s24+$0x0];
	v57 =	vand.u32 $0x7F, v55;
	v58 =	vand.u32 $0xFFFFFC00, v56  }
0xf8: {  	s25 =	sor.u32 $0x440, s17;
	v60 =	vshll.u32 v5, $0x3;
	[tilespmem:v6+s12+$0x0] =	vst.idx.add.f32.msk $0xffff, v52;
	v6 =	vor.u32 v58, v57  }
0xf9: {  	v5 =	vand.u32 $0x7F, v5;
	v8 =	vand.u32 $0xFFFFFC00, v60;
	v59 =	vld [tilespmem:s25+$0x0];
	v6 =	vor.u32 v3, v6  }
0xfa: {  	v5 =	vor.u32 v8, v5  }
0xfb: {  	v11 =	vld [tilespmem:s20+$0x8430];
	v5 =	vor.u32 v4, v5  }
0xfc: {  	v12 =	vld [tilespmem:s18+$0x8440];
	v62 =	vshll.u32 v7, $0x3  }
0xfd: {  	v63 =	vld [tilespmem:s17+$0x8440];
	v7 =	vand.u32 $0x7F, v7;
	v8 =	vand.u32 $0xFFFFFC00, v62  }
0xfe: {  	s26 =	sor.u32 $0x440, s19;
	v7 =	vor.u32 v8, v7;
	v16 =	vshll.u32 v59, $0x3;
	[tilespmem:v6+s12+$0x0] =	vst.idx.add.f32.msk $0xffff, v61  }
0xff: {  	v7 =	vor.u32 v1, v7;
	v9 =	vand.u32 $0x7F, v59;
	v13 =	vand.u32 $0xFFFFFC00, v16;
	v18 =	vld [tilespmem:s26+$0x0]  }
0x100: {  	s28 =	sor.u32 $0x440, s20;
	[tilespmem:v5+s12+$0x0] =	vst.idx.add.f32.msk $0xffff, v11;
	v17 =	vor.u32 v13, v9  }
0x101: {  	v5 =	vld [tilespmem:s28+$0x0];
	v6 =	vor.u32 v2, v17;
	_ =	sdelay $0x2  }
0x102: {  	s29 =	sor.u32 $0x450, s18;
	[tilespmem:v7+s12+$0x0] =	vst.idx.add.f32.msk $0xffff, v12;
	v19 =	vshll.u32 v18, $0x3  }
0x103: {  	v7 =	vld [tilespmem:s29+$0x0];
	v20 =	vand.u32 $0x7F, v18;
	v21 =	vand.u32 $0xFFFFFC00, v19  }
0x104: {  	v23 =	vshll.u32 v5, $0x3;
	[tilespmem:v6+s12+$0x0] =	vst.idx.add.f32.msk $0xffff, v63;
	v6 =	vor.u32 v21, v20  }
0x105: {  	v24 =	vld [tilespmem:s19+$0x8440];
	v5 =	vand.u32 $0x7F, v5;
	v8 =	vand.u32 $0xFFFFFC00, v23;
	v6 =	vor.u32 v3, v6  }
0x106: {  	v5 =	vor.u32 v8, v5  }
0x107: {  	s30 =	sor.u32 $0x450, s17;
	v25 =	vld [tilespmem:s20+$0x8440];
	v5 =	vor.u32 v4, v5  }
0x108: {  	v22 =	vld [tilespmem:s30+$0x0]  }
0x109: {  	v26 =	vld [tilespmem:s18+$0x8450];
	v27 =	vshll.u32 v7, $0x3  }
0x10a: {  	s31 =	sor.u32 $0x450, s19;
	v7 =	vand.u32 $0x7F, v7;
	v12 =	vand.u32 $0xFFFFFC00, v27;
	[tilespmem:v6+s12+$0x0] =	vst.idx.add.f32.msk $0xffff, v24  }
0x10b: {  	v7 =	vor.u32 v12, v7;
	v10 =	vld [tilespmem:s31+$0x0]  }
0x10c: {  	s22 =	sor.u32 $0x450, s20;
	v7 =	vor.u32 v1, v7;
	[tilespmem:v5+s12+$0x0] =	vst.idx.add.f32.msk $0xffff, v25  }
0x10d: {  	v29 =	vshll.u32 v22, $0x3;
	v31 =	vld [tilespmem:s22+$0x0]  }
0x10e: {  	v9 =	vand.u32 $0x7F, v22;
	v6 =	vand.u32 $0xFFFFFC00, v29  }
0x10f: {  	v6 =	vor.u32 v6, v9  }
0x110: {  	v28 =	vld [tilespmem:s17+$0x8450];
	v30 =	vor.u32 v2, v6;
	v32 =	vshll.u32 v10, $0x3  }
0x111: {  	[tilespmem:v7+s12+$0x0] =	vst.idx.add.f32.msk $0xffff, v26;
	v34 =	vand.u32 $0x7F, v10;
	v7 =	vand.u32 $0xFFFFFC00, v32  }
0x112: {  	v37 =	vld [tilespmem:s19+$0x8450];
	v36 =	vshll.u32 v31, $0x3;
	v35 =	vor.u32 v7, v34  }
0x113: {  	s23 =	sor.u32 $0x460, s18;
	v39 =	vld [tilespmem:s20+$0x8450];
	v6 =	vand.u32 $0x7F, v31;
	v7 =	vand.u32 $0xFFFFFC00, v36;
	v5 =	vor.u32 v3, v35  }
0x114: {  	v33 =	vld [tilespmem:s23+$0x0];
	v6 =	vor.u32 v7, v6  }
0x115: {  	s24 =	sor.u32 $0x460, s17;
	[tilespmem:v30+s12+$0x0] =	vst.idx.add.f32.msk $0xffff, v28;
	v6 =	vor.u32 v4, v6  }
0x116: {  	v38 =	vld [tilespmem:s24+$0x0];
	_ =	sdelay $0x1  }
0x117: {  	s25 =	sor.u32 $0x460, s19;
	[tilespmem:v5+s12+$0x0] =	vst.idx.add.f32.msk $0xffff, v37  }
0x118: {  	v40 =	vshll.u32 v33, $0x3;
	v9 =	vld [tilespmem:s25+$0x0]  }
0x119: {  	s26 =	sor.u32 $0x460, s20;
	v8 =	vand.u32 $0x7F, v33;
	v5 =	vand.u32 $0xFFFFFC00, v40;
	[tilespmem:v6+s12+$0x0] =	vst.idx.add.f32.msk $0xffff, v39  }
0x11a: {  	v41 =	vshll.u32 v38, $0x3;
	v5 =	vor.u32 v5, v8;
	v44 =	vld [tilespmem:s26+$0x0]  }
0x11b: {  	v11 =	vld [tilespmem:s18+$0x8460];
	v42 =	vand.u32 $0x7F, v38;
	v43 =	vand.u32 $0xFFFFFC00, v41;
	v5 =	vor.u32 v1, v5  }
0x11c: {  	v6 =	vor.u32 v43, v42  }
0x11d: {  	v45 =	vld [tilespmem:s17+$0x8460];
	v6 =	vor.u32 v2, v6;
	v46 =	vshll.u32 v9, $0x3  }
0x11e: {  	v9 =	vand.u32 $0x7F, v9;
	v10 =	vand.u32 $0xFFFFFC00, v46  }
0x11f: {  	v49 =	vld [tilespmem:s19+$0x8460];
	v48 =	vshll.u32 v44, $0x3;
	v47 =	vor.u32 v10, v9  }
0x120: {  	[tilespmem:v5+s12+$0x0] =	vst.idx.add.f32.msk $0xffff, v11;
	v8 =	vand.u32 $0x7F, v44;
	v9 =	vand.u32 $0xFFFFFC00, v48;
	v5 =	vor.u32 v3, v47  }
0x121: {  	v51 =	vld [tilespmem:s20+$0x8460];
	v50 =	vor.u32 v9, v8  }
0x122: {  	s28 =	sor.u32 $0x470, s18;
	[tilespmem:v6+s12+$0x0] =	vst.idx.add.f32.msk $0xffff, v45;
	v6 =	vor.u32 v4, v50  }
0x123: {  	s29 =	sor.u32 $0x470, s17;
	v52 =	vld [tilespmem:s28+$0x0]  }
0x124: {  	v53 =	vld [tilespmem:s29+$0x0]  }
0x125: {  	s30 =	sor.u32 $0x470, s19;
	[tilespmem:v5+s12+$0x0] =	vst.idx.add.f32.msk $0xffff, v49  }
0x126: {  	v5 =	vld [tilespmem:s30+$0x0]  }
0x127: {  	s31 =	sor.u32 $0x470, s20;
	[tilespmem:v6+s12+$0x0] =	vst.idx.add.f32.msk $0xffff, v51  }
0x128: {  	v6 =	vld [tilespmem:s31+$0x0]  }
0x129: {  	v54 =	vand.u32 $0x7F, v52;
	v8 =	vshll.u32 v52, $0x3;
	v55 =	vshll.u32 v53, $0x3  }
0x12a: {  	v8 =	vand.u32 $0xFFFFFC00, v8;
	v9 =	vand.u32 $0x7F, v53;
	v10 =	vand.u32 $0xFFFFFC00, v55  }
0x12b: {  	v7 =	vor.u32 v8, v54;
	v56 =	vor.u32 v10, v9  }
0x12c: {  	v1 =	vor.u32 v1, v7;
	v2 =	vor.u32 v2, v56;
	v57 =	vshll.u32 v5, $0x3  }
0x12d: {  	v58 =	vld [tilespmem:s18+$0x8470];
	v5 =	vand.u32 $0x7F, v5;
	v7 =	vand.u32 $0xFFFFFC00, v57;
	v59 =	vshll.u32 v6, $0x3  }
0x12e: {  	v60 =	vld [tilespmem:s17+$0x8470];
	v6 =	vand.u32 $0x7F, v6;
	v5 =	vor.u32 v7, v5;
	v9 =	vand.u32 $0xFFFFFC00, v59  }
0x12f: {  	v62 =	vld [tilespmem:s19+$0x8470];
	v3 =	vor.u32 v3, v5;
	v61 =	vor.u32 v9, v6  }
0x130: {  	p1 =	por p0, p0;
	v63 =	vld [tilespmem:s20+$0x8470];
	v4 =	vor.u32 v4, v61  }
.Ltmp2:
0x131: {  	_ = 	snop;
	(pc) =	sbr.rel @p1 .LBB2_6-.Ltmp2, $4  }
0x132: {  	[tilespmem:v1+s12+$0x0] =	vst.idx.add.f32.msk $0xffff, v58  }
0x133: {  	[tilespmem:v2+s12+$0x0] =	vst.idx.add.f32.msk $0xffff, v60  }
0x134: {  	[tilespmem:v3+s12+$0x0] =	vst.idx.add.f32.msk $0xffff, v62  }
0x135: {  	p0 =	por $0x0, $0x0;
	s20 =	simm.s32 $0x4;
	[tilespmem:v4+s12+$0x0] =	vst.idx.add.f32.msk $0xffff, v63  }
0x136: {  	s18 =	simm.s32 $0x0;
	p0 =	por $0x1, $0x1  }
0x137: {  	[hbm4b:s7+s18] =	stream.linear.scatter [tilespmem:s12], [sflag:$0x2], $0x4000, $0x38;
	[tilespmem:$0x18000] =	vst v63  }
.LBB2_8:
0x138: {  	s17 =	sshll.u32 s18, $0x7  }
0x139: {  	s19 =	sor.u32 $0x800, s17  }
0x13a: {  	v1 =	vld [tilespmem:s19+$0x0]  }
0x13b: {  	s25 =	sor.u32 $0x880, s17  }
0x13c: {  	v3 =	vld [tilespmem:s25+$0x0]  }
0x13d: {  	v2 =	vmov s18  }
0x13e: {  	v2 =	vshll.u32 v2, $0x7  }
0x13f: {  	s26 =	sor.u32 $0x1, s18;
	v2 =	vand.u32 $0x200, v2;
	v4 =	vand.u32 $0x7F, v1;
	v1 =	vshll.u32 v1, $0x3  }
0x140: {  	v5 =	vand.u32 $0xFFFFFC00, v1;
	v1 =	vbroadcast v2, $0x0;
	v2 =	vmov s26  }
0x141: {  	v6 =	vshll.u32 v3, $0x3;
	v2 =	vshll.u32 v2, $0x7  }
0x142: {  	v32 =	vld [tilespmem:s17+$0x8800];
	s28 =	sor.u32 $0x900, s17;
	v3 =	vand.u32 $0x7F, v3;
	v4 =	vor.u32 v5, v4;
	v2 =	vand.u32 $0x280, v2  }
0x143: {  	s20 =	sor.u32 $0x980, s17;
	v7 =	vld [tilespmem:s28+$0x0];
	v6 =	vand.u32 $0xFFFFFC00, v6;
	v4 =	vor.u32 v1, v4;
	v2 =	vbroadcast v2, $0x0  }
0x144: {  	v9 =	vld [tilespmem:s20+$0x0];
	v3 =	vor.u32 v6, v3  }
0x145: {  	s29 =	sor.u32 $0x2, s18;
	s31 =	sor.u32 $0x3, s18;
	v33 =	vld [tilespmem:s17+$0x8880];
	v8 =	vor.u32 v2, v3  }
0x146: {  	v10 =	vmov s31;
	v3 =	vmov s29  }
0x147: {  	v40 =	vld [tilespmem:s17+$0x8900];
	v37 =	vshll.u32 v10, $0x7;
	v3 =	vshll.u32 v3, $0x7  }
0x148: {  	s30 =	sor.u32 $0x810, s17;
	v34 =	vand.u32 $0x7F, v7;
	v35 =	vshll.u32 v7, $0x3;
	[tilespmem:v4+s13+$0x0] =	vst.idx.add.f32.msk $0xffff, v32;
	v3 =	vand.u32 $0x300, v3  }
0x149: {  	v39 =	vshll.u32 v9, $0x3;
	v5 =	vand.u32 $0xFFFFFC00, v35;
	v36 =	vld [tilespmem:s30+$0x0];
	v3 =	vbroadcast v3, $0x0  }
0x14a: {  	s20 =	sor.u32 $0x890, s17;
	v9 =	vand.u32 $0x7F, v9;
	v4 =	vor.u32 v5, v34;
	v5 =	vand.u32 $0x380, v37;
	[tilespmem:v8+s13+$0x0] =	vst.idx.add.f32.msk $0xffff, v33  }
0x14b: {  	v11 =	vand.u32 $0xFFFFFC00, v39;
	v38 =	vor.u32 v3, v4;
	v4 =	vbroadcast v5, $0x0;
	v6 =	vld [tilespmem:s20+$0x0]  }
0x14c: {  	v41 =	vor.u32 v11, v9  }
0x14d: {  	v43 =	vld [tilespmem:s17+$0x8980];
	v5 =	vor.u32 v4, v41  }
0x14e: {  	v12 =	vld [tilespmem:s17+$0x8810];
	v42 =	vshll.u32 v36, $0x3  }
0x14f: {  	v44 =	vld [tilespmem:s17+$0x8890];
	v7 =	vand.u32 $0x7F, v36;
	v9 =	vand.u32 $0xFFFFFC00, v42  }
0x150: {  	s21 =	sor.u32 $0x910, s17;
	v7 =	vor.u32 v9, v7;
	[tilespmem:v38+s13+$0x0] =	vst.idx.add.f32.msk $0xffff, v40;
	v13 =	vshll.u32 v6, $0x3  }
0x151: {  	v7 =	vor.u32 v1, v7;
	v6 =	vand.u32 $0x7F, v6;
	v8 =	vld [tilespmem:s21+$0x0];
	v13 =	vand.u32 $0xFFFFFC00, v13  }
0x152: {  	s22 =	sor.u32 $0x990, s17;
	[tilespmem:v5+s13+$0x0] =	vst.idx.add.f32.msk $0xffff, v43;
	v6 =	vor.u32 v13, v6  }
0x153: {  	v5 =	vld [tilespmem:s22+$0x0];
	v6 =	vor.u32 v2, v6;
	_ =	sdelay $0x1  }
0x154: {  	v49 =	vld [tilespmem:s17+$0x8910]  }
0x155: {  	s23 =	sor.u32 $0x820, s17;
	[tilespmem:v7+s13+$0x0] =	vst.idx.add.f32.msk $0xffff, v12;
	v45 =	vshll.u32 v8, $0x3  }
0x156: {  	v46 =	vand.u32 $0x7F, v8;
	v7 =	vld [tilespmem:s23+$0x0];
	v47 =	vand.u32 $0xFFFFFC00, v45  }
0x157: {  	s24 =	sor.u32 $0x8A0, s17;
	v48 =	vshll.u32 v5, $0x3;
	[tilespmem:v6+s13+$0x0] =	vst.idx.add.f32.msk $0xffff, v44;
	v6 =	vor.u32 v47, v46  }
0x158: {  	v5 =	vand.u32 $0x7F, v5;
	v8 =	vand.u32 $0xFFFFFC00, v48;
	v9 =	vld [tilespmem:s24+$0x0];
	v6 =	vor.u32 v3, v6  }
0x159: {  	v5 =	vor.u32 v8, v5  }
0x15a: {  	v11 =	vld [tilespmem:s17+$0x8990];
	v5 =	vor.u32 v4, v5  }
0x15b: {  	v12 =	vld [tilespmem:s17+$0x8820];
	v50 =	vshll.u32 v7, $0x3  }
0x15c: {  	v51 =	vld [tilespmem:s17+$0x88A0];
	v7 =	vand.u32 $0x7F, v7;
	v8 =	vand.u32 $0xFFFFFC00, v50  }
0x15d: {  	s25 =	sor.u32 $0x920, s17;
	v7 =	vor.u32 v8, v7;
	v52 =	vshll.u32 v9, $0x3;
	[tilespmem:v6+s13+$0x0] =	vst.idx.add.f32.msk $0xffff, v49  }
0x15e: {  	v7 =	vor.u32 v1, v7;
	v9 =	vand.u32 $0x7F, v9;
	v13 =	vand.u32 $0xFFFFFC00, v52;
	v54 =	vld [tilespmem:s25+$0x0]  }
0x15f: {  	s26 =	sor.u32 $0x9A0, s17;
	[tilespmem:v5+s13+$0x0] =	vst.idx.add.f32.msk $0xffff, v11;
	v53 =	vor.u32 v13, v9  }
0x160: {  	v5 =	vld [tilespmem:s26+$0x0];
	v6 =	vor.u32 v2, v53;
	_ =	sdelay $0x1  }
0x161: {  	v60 =	vld [tilespmem:s17+$0x8920]  }
0x162: {  	s28 =	sor.u32 $0x830, s17;
	[tilespmem:v7+s13+$0x0] =	vst.idx.add.f32.msk $0xffff, v12;
	v55 =	vshll.u32 v54, $0x3  }
0x163: {  	v7 =	vld [tilespmem:s28+$0x0];
	v56 =	vand.u32 $0x7F, v54;
	v57 =	vand.u32 $0xFFFFFC00, v55  }
0x164: {  	s29 =	sor.u32 $0x8B0, s17;
	v59 =	vshll.u32 v5, $0x3;
	[tilespmem:v6+s13+$0x0] =	vst.idx.add.f32.msk $0xffff, v51;
	v6 =	vor.u32 v57, v56  }
0x165: {  	v5 =	vand.u32 $0x7F, v5;
	v8 =	vand.u32 $0xFFFFFC00, v59;
	v58 =	vld [tilespmem:s29+$0x0];
	v6 =	vor.u32 v3, v6  }
0x166: {  	v5 =	vor.u32 v8, v5  }
0x167: {  	v11 =	vld [tilespmem:s17+$0x89A0];
	v5 =	vor.u32 v4, v5  }
0x168: {  	v12 =	vld [tilespmem:s17+$0x8830];
	v61 =	vshll.u32 v7, $0x3  }
0x169: {  	v62 =	vld [tilespmem:s17+$0x88B0];
	v7 =	vand.u32 $0x7F, v7;
	v8 =	vand.u32 $0xFFFFFC00, v61  }
0x16a: {  	s30 =	sor.u32 $0x930, s17;
	v7 =	vor.u32 v8, v7;
	v63 =	vshll.u32 v58, $0x3;
	[tilespmem:v6+s13+$0x0] =	vst.idx.add.f32.msk $0xffff, v60  }
0x16b: {  	v7 =	vor.u32 v1, v7;
	v9 =	vand.u32 $0x7F, v58;
	v13 =	vand.u32 $0xFFFFFC00, v63;
	v15 =	vld [tilespmem:s30+$0x0]  }
0x16c: {  	s31 =	sor.u32 $0x9B0, s17;
	[tilespmem:v5+s13+$0x0] =	vst.idx.add.f32.msk $0xffff, v11;
	v14 =	vor.u32 v13, v9  }
0x16d: {  	v5 =	vld [tilespmem:s31+$0x0];
	v6 =	vor.u32 v2, v14;
	_ =	sdelay $0x1  }
0x16e: {  	v21 =	vld [tilespmem:s17+$0x8930]  }
0x16f: {  	s19 =	sor.u32 $0x840, s17;
	[tilespmem:v7+s13+$0x0] =	vst.idx.add.f32.msk $0xffff, v12;
	v16 =	vshll.u32 v15, $0x3  }
0x170: {  	v7 =	vld [tilespmem:s19+$0x0];
	v17 =	vand.u32 $0x7F, v15;
	v18 =	vand.u32 $0xFFFFFC00, v16  }
0x171: {  	s20 =	sor.u32 $0x8C0, s17;
	v20 =	vshll.u32 v5, $0x3;
	[tilespmem:v6+s13+$0x0] =	vst.idx.add.f32.msk $0xffff, v62;
	v6 =	vor.u32 v18, v17  }
0x172: {  	v5 =	vand.u32 $0x7F, v5;
	v8 =	vand.u32 $0xFFFFFC00, v20;
	v19 =	vld [tilespmem:s20+$0x0];
	v6 =	vor.u32 v3, v6  }
0x173: {  	v5 =	vor.u32 v8, v5  }
0x174: {  	v11 =	vld [tilespmem:s17+$0x89B0];
	v5 =	vor.u32 v4, v5  }
0x175: {  	v12 =	vld [tilespmem:s17+$0x8840];
	v22 =	vshll.u32 v7, $0x3  }
0x176: {  	v23 =	vld [tilespmem:s17+$0x88C0];
	v7 =	vand.u32 $0x7F, v7;
	v8 =	vand.u32 $0xFFFFFC00, v22  }
0x177: {  	s21 =	sor.u32 $0x940, s17;
	v7 =	vor.u32 v8, v7;
	v24 =	vshll.u32 v19, $0x3;
	[tilespmem:v6+s13+$0x0] =	vst.idx.add.f32.msk $0xffff, v21  }
0x178: {  	v7 =	vor.u32 v1, v7;
	v9 =	vand.u32 $0x7F, v19;
	v13 =	vand.u32 $0xFFFFFC00, v24;
	v26 =	vld [tilespmem:s21+$0x0]  }
0x179: {  	s22 =	sor.u32 $0x9C0, s17;
	[tilespmem:v5+s13+$0x0] =	vst.idx.add.f32.msk $0xffff, v11;
	v25 =	vor.u32 v13, v9  }
0x17a: {  	v5 =	vld [tilespmem:s22+$0x0];
	v6 =	vor.u32 v2, v25;
	_ =	sdelay $0x1  }
0x17b: {  	v32 =	vld [tilespmem:s17+$0x8940]  }
0x17c: {  	s23 =	sor.u32 $0x850, s17;
	[tilespmem:v7+s13+$0x0] =	vst.idx.add.f32.msk $0xffff, v12;
	v27 =	vshll.u32 v26, $0x3  }
0x17d: {  	v7 =	vld [tilespmem:s23+$0x0];
	v28 =	vand.u32 $0x7F, v26;
	v29 =	vand.u32 $0xFFFFFC00, v27  }
0x17e: {  	s24 =	sor.u32 $0x8D0, s17;
	v31 =	vshll.u32 v5, $0x3;
	[tilespmem:v6+s13+$0x0] =	vst.idx.add.f32.msk $0xffff, v23;
	v6 =	vor.u32 v29, v28  }
0x17f: {  	v5 =	vand.u32 $0x7F, v5;
	v8 =	vand.u32 $0xFFFFFC00, v31;
	v30 =	vld [tilespmem:s24+$0x0];
	v6 =	vor.u32 v3, v6  }
0x180: {  	v5 =	vor.u32 v8, v5  }
0x181: {  	v11 =	vld [tilespmem:s17+$0x89C0];
	v5 =	vor.u32 v4, v5  }
0x182: {  	v12 =	vld [tilespmem:s17+$0x8850];
	v33 =	vshll.u32 v7, $0x3  }
0x183: {  	v34 =	vld [tilespmem:s17+$0x88D0];
	v7 =	vand.u32 $0x7F, v7;
	v8 =	vand.u32 $0xFFFFFC00, v33  }
0x184: {  	s25 =	sor.u32 $0x950, s17;
	v7 =	vor.u32 v8, v7;
	v35 =	vshll.u32 v30, $0x3;
	[tilespmem:v6+s13+$0x0] =	vst.idx.add.f32.msk $0xffff, v32  }
0x185: {  	v7 =	vor.u32 v1, v7;
	v9 =	vand.u32 $0x7F, v30;
	v13 =	vand.u32 $0xFFFFFC00, v35;
	v37 =	vld [tilespmem:s25+$0x0]  }
0x186: {  	s26 =	sor.u32 $0x9D0, s17;
	[tilespmem:v5+s13+$0x0] =	vst.idx.add.f32.msk $0xffff, v11;
	v36 =	vor.u32 v13, v9  }
0x187: {  	v5 =	vld [tilespmem:s26+$0x0];
	v6 =	vor.u32 v2, v36;
	_ =	sdelay $0x1  }
0x188: {  	v43 =	vld [tilespmem:s17+$0x8950]  }
0x189: {  	s28 =	sor.u32 $0x860, s17;
	[tilespmem:v7+s13+$0x0] =	vst.idx.add.f32.msk $0xffff, v12;
	v38 =	vshll.u32 v37, $0x3  }
0x18a: {  	v7 =	vld [tilespmem:s28+$0x0];
	v39 =	vand.u32 $0x7F, v37;
	v40 =	vand.u32 $0xFFFFFC00, v38  }
0x18b: {  	s29 =	sor.u32 $0x8E0, s17;
	v42 =	vshll.u32 v5, $0x3;
	[tilespmem:v6+s13+$0x0] =	vst.idx.add.f32.msk $0xffff, v34;
	v6 =	vor.u32 v40, v39  }
0x18c: {  	v5 =	vand.u32 $0x7F, v5;
	v8 =	vand.u32 $0xFFFFFC00, v42;
	v41 =	vld [tilespmem:s29+$0x0];
	v6 =	vor.u32 v3, v6  }
0x18d: {  	v5 =	vor.u32 v8, v5  }
0x18e: {  	v11 =	vld [tilespmem:s17+$0x89D0];
	v5 =	vor.u32 v4, v5  }
0x18f: {  	v12 =	vld [tilespmem:s17+$0x8860];
	v44 =	vshll.u32 v7, $0x3  }
0x190: {  	v45 =	vld [tilespmem:s17+$0x88E0];
	v7 =	vand.u32 $0x7F, v7;
	v8 =	vand.u32 $0xFFFFFC00, v44  }
0x191: {  	s30 =	sor.u32 $0x960, s17;
	v7 =	vor.u32 v8, v7;
	v46 =	vshll.u32 v41, $0x3;
	[tilespmem:v6+s13+$0x0] =	vst.idx.add.f32.msk $0xffff, v43  }
0x192: {  	v7 =	vor.u32 v1, v7;
	v9 =	vand.u32 $0x7F, v41;
	v13 =	vand.u32 $0xFFFFFC00, v46;
	v48 =	vld [tilespmem:s30+$0x0]  }
0x193: {  	s31 =	sor.u32 $0x9E0, s17;
	[tilespmem:v5+s13+$0x0] =	vst.idx.add.f32.msk $0xffff, v11;
	v47 =	vor.u32 v13, v9  }
0x194: {  	v5 =	vld [tilespmem:s31+$0x0];
	v6 =	vor.u32 v2, v47;
	_ =	sdelay $0x1  }
0x195: {  	v54 =	vld [tilespmem:s17+$0x8960]  }
0x196: {  	s19 =	sor.u32 $0x870, s17;
	[tilespmem:v7+s13+$0x0] =	vst.idx.add.f32.msk $0xffff, v12;
	v49 =	vshll.u32 v48, $0x3  }
0x197: {  	v7 =	vld [tilespmem:s19+$0x0];
	v50 =	vand.u32 $0x7F, v48;
	v51 =	vand.u32 $0xFFFFFC00, v49  }
0x198: {  	s20 =	sor.u32 $0x8F0, s17;
	v53 =	vshll.u32 v5, $0x3;
	[tilespmem:v6+s13+$0x0] =	vst.idx.add.f32.msk $0xffff, v45;
	v6 =	vor.u32 v51, v50  }
0x199: {  	v5 =	vand.u32 $0x7F, v5;
	v8 =	vand.u32 $0xFFFFFC00, v53;
	v52 =	vld [tilespmem:s20+$0x0];
	v6 =	vor.u32 v3, v6  }
0x19a: {  	v5 =	vor.u32 v8, v5  }
0x19b: {  	v11 =	vld [tilespmem:s17+$0x89E0];
	v5 =	vor.u32 v4, v5  }
0x19c: {  	v12 =	vld [tilespmem:s17+$0x8870];
	v55 =	vshll.u32 v7, $0x3  }
0x19d: {  	v56 =	vld [tilespmem:s17+$0x88F0];
	v7 =	vand.u32 $0x7F, v7;
	v8 =	vand.u32 $0xFFFFFC00, v55  }
0x19e: {  	s21 =	sor.u32 $0x970, s17;
	v7 =	vor.u32 v8, v7;
	v57 =	vshll.u32 v52, $0x3;
	[tilespmem:v6+s13+$0x0] =	vst.idx.add.f32.msk $0xffff, v54  }
0x19f: {  	v7 =	vor.u32 v1, v7;
	v9 =	vand.u32 $0x7F, v52;
	v13 =	vand.u32 $0xFFFFFC00, v57;
	v59 =	vld [tilespmem:s21+$0x0]  }
0x1a0: {  	s22 =	sor.u32 $0x9F0, s17;
	[tilespmem:v5+s13+$0x0] =	vst.idx.add.f32.msk $0xffff, v11;
	v58 =	vor.u32 v13, v9  }
0x1a1: {  	v5 =	vld [tilespmem:s22+$0x0];
	v6 =	vor.u32 v2, v58;
	_ =	sdelay $0x1  }
0x1a2: {  	v17 =	vld [tilespmem:s17+$0x8970]  }
0x1a3: {  	s23 =	sor.u32 $0xC00, s17;
	[tilespmem:v7+s13+$0x0] =	vst.idx.add.f32.msk $0xffff, v12;
	v60 =	vshll.u32 v59, $0x3  }
0x1a4: {  	v7 =	vld [tilespmem:s23+$0x0];
	v61 =	vand.u32 $0x7F, v59;
	v62 =	vand.u32 $0xFFFFFC00, v60  }
0x1a5: {  	s24 =	sor.u32 $0xC80, s17;
	v16 =	vshll.u32 v5, $0x3;
	[tilespmem:v6+s13+$0x0] =	vst.idx.add.f32.msk $0xffff, v56;
	v6 =	vor.u32 v62, v61  }
0x1a6: {  	v5 =	vand.u32 $0x7F, v5;
	v8 =	vand.u32 $0xFFFFFC00, v16;
	v63 =	vld [tilespmem:s24+$0x0];
	v6 =	vor.u32 v3, v6  }
0x1a7: {  	v5 =	vor.u32 v8, v5  }
0x1a8: {  	v11 =	vld [tilespmem:s17+$0x89F0];
	v5 =	vor.u32 v4, v5  }
0x1a9: {  	v12 =	vld [tilespmem:s17+$0x8C00];
	v18 =	vshll.u32 v7, $0x3  }
0x1aa: {  	v19 =	vld [tilespmem:s17+$0x8C80];
	v7 =	vand.u32 $0x7F, v7;
	v8 =	vand.u32 $0xFFFFFC00, v18  }
0x1ab: {  	s25 =	sor.u32 $0xD00, s17;
	v7 =	vor.u32 v8, v7;
	v20 =	vshll.u32 v63, $0x3;
	[tilespmem:v6+s13+$0x0] =	vst.idx.add.f32.msk $0xffff, v17  }
0x1ac: {  	v7 =	vor.u32 v1, v7;
	v9 =	vand.u32 $0x7F, v63;
	v13 =	vand.u32 $0xFFFFFC00, v20;
	v22 =	vld [tilespmem:s25+$0x0]  }
0x1ad: {  	s26 =	sor.u32 $0xD80, s17;
	[tilespmem:v5+s13+$0x0] =	vst.idx.add.f32.msk $0xffff, v11;
	v21 =	vor.u32 v13, v9  }
0x1ae: {  	v5 =	vld [tilespmem:s26+$0x0];
	v6 =	vor.u32 v2, v21;
	_ =	sdelay $0x1  }
0x1af: {  	v28 =	vld [tilespmem:s17+$0x8D00]  }
0x1b0: {  	s28 =	sor.u32 $0xC10, s17;
	[tilespmem:v7+s13+$0x0] =	vst.idx.add.f32.msk $0xffff, v12;
	v23 =	vshll.u32 v22, $0x3  }
0x1b1: {  	v7 =	vld [tilespmem:s28+$0x0];
	v24 =	vand.u32 $0x7F, v22;
	v25 =	vand.u32 $0xFFFFFC00, v23  }
0x1b2: {  	s29 =	sor.u32 $0xC90, s17;
	v27 =	vshll.u32 v5, $0x3;
	[tilespmem:v6+s13+$0x0] =	vst.idx.add.f32.msk $0xffff, v19;
	v6 =	vor.u32 v25, v24  }
0x1b3: {  	v5 =	vand.u32 $0x7F, v5;
	v8 =	vand.u32 $0xFFFFFC00, v27;
	v26 =	vld [tilespmem:s29+$0x0];
	v6 =	vor.u32 v3, v6  }
0x1b4: {  	v5 =	vor.u32 v8, v5  }
0x1b5: {  	v11 =	vld [tilespmem:s17+$0x8D80];
	v5 =	vor.u32 v4, v5  }
0x1b6: {  	v12 =	vld [tilespmem:s17+$0x8C10];
	v29 =	vshll.u32 v7, $0x3  }
0x1b7: {  	v30 =	vld [tilespmem:s17+$0x8C90];
	v7 =	vand.u32 $0x7F, v7;
	v8 =	vand.u32 $0xFFFFFC00, v29  }
0x1b8: {  	s30 =	sor.u32 $0xD10, s17;
	v7 =	vor.u32 v8, v7;
	v31 =	vshll.u32 v26, $0x3;
	[tilespmem:v6+s13+$0x0] =	vst.idx.add.f32.msk $0xffff, v28  }
0x1b9: {  	v7 =	vor.u32 v1, v7;
	v9 =	vand.u32 $0x7F, v26;
	v13 =	vand.u32 $0xFFFFFC00, v31;
	v33 =	vld [tilespmem:s30+$0x0]  }
0x1ba: {  	s31 =	sor.u32 $0xD90, s17;
	[tilespmem:v5+s13+$0x0] =	vst.idx.add.f32.msk $0xffff, v11;
	v32 =	vor.u32 v13, v9  }
0x1bb: {  	v5 =	vld [tilespmem:s31+$0x0];
	v6 =	vor.u32 v2, v32;
	_ =	sdelay $0x1  }
0x1bc: {  	v39 =	vld [tilespmem:s17+$0x8D10]  }
0x1bd: {  	s19 =	sor.u32 $0xC20, s17;
	[tilespmem:v7+s13+$0x0] =	vst.idx.add.f32.msk $0xffff, v12;
	v34 =	vshll.u32 v33, $0x3  }
0x1be: {  	v7 =	vld [tilespmem:s19+$0x0];
	v35 =	vand.u32 $0x7F, v33;
	v36 =	vand.u32 $0xFFFFFC00, v34  }
0x1bf: {  	s20 =	sor.u32 $0xCA0, s17;
	v38 =	vshll.u32 v5, $0x3;
	[tilespmem:v6+s13+$0x0] =	vst.idx.add.f32.msk $0xffff, v30;
	v6 =	vor.u32 v36, v35  }
0x1c0: {  	v5 =	vand.u32 $0x7F, v5;
	v8 =	vand.u32 $0xFFFFFC00, v38;
	v37 =	vld [tilespmem:s20+$0x0];
	v6 =	vor.u32 v3, v6  }
0x1c1: {  	v5 =	vor.u32 v8, v5  }
0x1c2: {  	v11 =	vld [tilespmem:s17+$0x8D90];
	v5 =	vor.u32 v4, v5  }
0x1c3: {  	v12 =	vld [tilespmem:s17+$0x8C20];
	v40 =	vshll.u32 v7, $0x3  }
0x1c4: {  	v41 =	vld [tilespmem:s17+$0x8CA0];
	v7 =	vand.u32 $0x7F, v7;
	v8 =	vand.u32 $0xFFFFFC00, v40  }
0x1c5: {  	s21 =	sor.u32 $0xD20, s17;
	v7 =	vor.u32 v8, v7;
	v42 =	vshll.u32 v37, $0x3;
	[tilespmem:v6+s13+$0x0] =	vst.idx.add.f32.msk $0xffff, v39  }
0x1c6: {  	v7 =	vor.u32 v1, v7;
	v9 =	vand.u32 $0x7F, v37;
	v13 =	vand.u32 $0xFFFFFC00, v42;
	v44 =	vld [tilespmem:s21+$0x0]  }
0x1c7: {  	s22 =	sor.u32 $0xDA0, s17;
	[tilespmem:v5+s13+$0x0] =	vst.idx.add.f32.msk $0xffff, v11;
	v43 =	vor.u32 v13, v9  }
0x1c8: {  	v5 =	vld [tilespmem:s22+$0x0];
	v6 =	vor.u32 v2, v43;
	_ =	sdelay $0x1  }
0x1c9: {  	v50 =	vld [tilespmem:s17+$0x8D20]  }
0x1ca: {  	s23 =	sor.u32 $0xC30, s17;
	[tilespmem:v7+s13+$0x0] =	vst.idx.add.f32.msk $0xffff, v12;
	v45 =	vshll.u32 v44, $0x3  }
0x1cb: {  	v7 =	vld [tilespmem:s23+$0x0];
	v46 =	vand.u32 $0x7F, v44;
	v47 =	vand.u32 $0xFFFFFC00, v45  }
0x1cc: {  	s24 =	sor.u32 $0xCB0, s17;
	v49 =	vshll.u32 v5, $0x3;
	[tilespmem:v6+s13+$0x0] =	vst.idx.add.f32.msk $0xffff, v41;
	v6 =	vor.u32 v47, v46  }
0x1cd: {  	v5 =	vand.u32 $0x7F, v5;
	v8 =	vand.u32 $0xFFFFFC00, v49;
	v48 =	vld [tilespmem:s24+$0x0];
	v6 =	vor.u32 v3, v6  }
0x1ce: {  	v5 =	vor.u32 v8, v5  }
0x1cf: {  	v11 =	vld [tilespmem:s17+$0x8DA0];
	v5 =	vor.u32 v4, v5  }
0x1d0: {  	v12 =	vld [tilespmem:s17+$0x8C30];
	v51 =	vshll.u32 v7, $0x3  }
0x1d1: {  	v52 =	vld [tilespmem:s17+$0x8CB0];
	v7 =	vand.u32 $0x7F, v7;
	v8 =	vand.u32 $0xFFFFFC00, v51  }
0x1d2: {  	s25 =	sor.u32 $0xD30, s17;
	v7 =	vor.u32 v8, v7;
	v53 =	vshll.u32 v48, $0x3;
	[tilespmem:v6+s13+$0x0] =	vst.idx.add.f32.msk $0xffff, v50  }
0x1d3: {  	v7 =	vor.u32 v1, v7;
	v9 =	vand.u32 $0x7F, v48;
	v13 =	vand.u32 $0xFFFFFC00, v53;
	v55 =	vld [tilespmem:s25+$0x0]  }
0x1d4: {  	s26 =	sor.u32 $0xDB0, s17;
	[tilespmem:v5+s13+$0x0] =	vst.idx.add.f32.msk $0xffff, v11;
	v54 =	vor.u32 v13, v9  }
0x1d5: {  	v5 =	vld [tilespmem:s26+$0x0];
	v6 =	vor.u32 v2, v54;
	_ =	sdelay $0x1  }
0x1d6: {  	v61 =	vld [tilespmem:s17+$0x8D30]  }
0x1d7: {  	s28 =	sor.u32 $0xC40, s17;
	[tilespmem:v7+s13+$0x0] =	vst.idx.add.f32.msk $0xffff, v12;
	v56 =	vshll.u32 v55, $0x3  }
0x1d8: {  	v7 =	vld [tilespmem:s28+$0x0];
	v57 =	vand.u32 $0x7F, v55;
	v58 =	vand.u32 $0xFFFFFC00, v56  }
0x1d9: {  	s29 =	sor.u32 $0xCC0, s17;
	v60 =	vshll.u32 v5, $0x3;
	[tilespmem:v6+s13+$0x0] =	vst.idx.add.f32.msk $0xffff, v52;
	v6 =	vor.u32 v58, v57  }
0x1da: {  	v5 =	vand.u32 $0x7F, v5;
	v8 =	vand.u32 $0xFFFFFC00, v60;
	v59 =	vld [tilespmem:s29+$0x0];
	v6 =	vor.u32 v3, v6  }
0x1db: {  	v5 =	vor.u32 v8, v5  }
0x1dc: {  	v11 =	vld [tilespmem:s17+$0x8DB0];
	v5 =	vor.u32 v4, v5  }
0x1dd: {  	v12 =	vld [tilespmem:s17+$0x8C40];
	v62 =	vshll.u32 v7, $0x3  }
0x1de: {  	v63 =	vld [tilespmem:s17+$0x8CC0];
	v7 =	vand.u32 $0x7F, v7;
	v8 =	vand.u32 $0xFFFFFC00, v62  }
0x1df: {  	s30 =	sor.u32 $0xD40, s17;
	v7 =	vor.u32 v8, v7;
	v16 =	vshll.u32 v59, $0x3;
	[tilespmem:v6+s13+$0x0] =	vst.idx.add.f32.msk $0xffff, v61  }
0x1e0: {  	v7 =	vor.u32 v1, v7;
	v9 =	vand.u32 $0x7F, v59;
	v13 =	vand.u32 $0xFFFFFC00, v16;
	v18 =	vld [tilespmem:s30+$0x0]  }
0x1e1: {  	s31 =	sor.u32 $0xDC0, s17;
	[tilespmem:v5+s13+$0x0] =	vst.idx.add.f32.msk $0xffff, v11;
	v17 =	vor.u32 v13, v9  }
0x1e2: {  	v5 =	vld [tilespmem:s31+$0x0];
	v6 =	vor.u32 v2, v17;
	_ =	sdelay $0x2  }
0x1e3: {  	s19 =	sor.u32 $0xC50, s17;
	[tilespmem:v7+s13+$0x0] =	vst.idx.add.f32.msk $0xffff, v12;
	v19 =	vshll.u32 v18, $0x3  }
0x1e4: {  	v7 =	vld [tilespmem:s19+$0x0];
	v20 =	vand.u32 $0x7F, v18;
	v21 =	vand.u32 $0xFFFFFC00, v19  }
0x1e5: {  	v23 =	vshll.u32 v5, $0x3;
	[tilespmem:v6+s13+$0x0] =	vst.idx.add.f32.msk $0xffff, v63;
	v6 =	vor.u32 v21, v20  }
0x1e6: {  	v24 =	vld [tilespmem:s17+$0x8D40];
	v5 =	vand.u32 $0x7F, v5;
	v8 =	vand.u32 $0xFFFFFC00, v23;
	v6 =	vor.u32 v3, v6  }
0x1e7: {  	v5 =	vor.u32 v8, v5  }
0x1e8: {  	s20 =	sor.u32 $0xCD0, s17;
	v25 =	vld [tilespmem:s17+$0x8DC0];
	v5 =	vor.u32 v4, v5  }
0x1e9: {  	v22 =	vld [tilespmem:s20+$0x0]  }
0x1ea: {  	v26 =	vld [tilespmem:s17+$0x8C50];
	v27 =	vshll.u32 v7, $0x3  }
0x1eb: {  	s21 =	sor.u32 $0xD50, s17;
	v7 =	vand.u32 $0x7F, v7;
	v12 =	vand.u32 $0xFFFFFC00, v27;
	[tilespmem:v6+s13+$0x0] =	vst.idx.add.f32.msk $0xffff, v24  }
0x1ec: {  	v7 =	vor.u32 v12, v7;
	v10 =	vld [tilespmem:s21+$0x0]  }
0x1ed: {  	s22 =	sor.u32 $0xDD0, s17;
	v7 =	vor.u32 v1, v7;
	[tilespmem:v5+s13+$0x0] =	vst.idx.add.f32.msk $0xffff, v25  }
0x1ee: {  	v29 =	vshll.u32 v22, $0x3;
	v31 =	vld [tilespmem:s22+$0x0]  }
0x1ef: {  	v9 =	vand.u32 $0x7F, v22;
	v6 =	vand.u32 $0xFFFFFC00, v29  }
0x1f0: {  	v6 =	vor.u32 v6, v9  }
0x1f1: {  	v28 =	vld [tilespmem:s17+$0x8CD0];
	v30 =	vor.u32 v2, v6;
	v32 =	vshll.u32 v10, $0x3  }
0x1f2: {  	[tilespmem:v7+s13+$0x0] =	vst.idx.add.f32.msk $0xffff, v26;
	v34 =	vand.u32 $0x7F, v10;
	v7 =	vand.u32 $0xFFFFFC00, v32  }
0x1f3: {  	v37 =	vld [tilespmem:s17+$0x8D50];
	v36 =	vshll.u32 v31, $0x3;
	v35 =	vor.u32 v7, v34  }
0x1f4: {  	s23 =	sor.u32 $0xC60, s17;
	v39 =	vld [tilespmem:s17+$0x8DD0];
	v6 =	vand.u32 $0x7F, v31;
	v7 =	vand.u32 $0xFFFFFC00, v36;
	v5 =	vor.u32 v3, v35  }
0x1f5: {  	v33 =	vld [tilespmem:s23+$0x0];
	v6 =	vor.u32 v7, v6  }
0x1f6: {  	s24 =	sor.u32 $0xCE0, s17;
	[tilespmem:v30+s13+$0x0] =	vst.idx.add.f32.msk $0xffff, v28;
	v6 =	vor.u32 v4, v6  }
0x1f7: {  	v38 =	vld [tilespmem:s24+$0x0];
	_ =	sdelay $0x1  }
0x1f8: {  	s25 =	sor.u32 $0xD60, s17;
	[tilespmem:v5+s13+$0x0] =	vst.idx.add.f32.msk $0xffff, v37  }
0x1f9: {  	v40 =	vshll.u32 v33, $0x3;
	v9 =	vld [tilespmem:s25+$0x0]  }
0x1fa: {  	s26 =	sor.u32 $0xDE0, s17;
	v8 =	vand.u32 $0x7F, v33;
	v5 =	vand.u32 $0xFFFFFC00, v40;
	[tilespmem:v6+s13+$0x0] =	vst.idx.add.f32.msk $0xffff, v39  }
0x1fb: {  	v41 =	vshll.u32 v38, $0x3;
	v5 =	vor.u32 v5, v8;
	v44 =	vld [tilespmem:s26+$0x0]  }
0x1fc: {  	v11 =	vld [tilespmem:s17+$0x8C60];
	v42 =	vand.u32 $0x7F, v38;
	v43 =	vand.u32 $0xFFFFFC00, v41;
	v5 =	vor.u32 v1, v5  }
0x1fd: {  	v6 =	vor.u32 v43, v42  }
0x1fe: {  	v45 =	vld [tilespmem:s17+$0x8CE0];
	v6 =	vor.u32 v2, v6;
	v46 =	vshll.u32 v9, $0x3  }
0x1ff: {  	v9 =	vand.u32 $0x7F, v9;
	v10 =	vand.u32 $0xFFFFFC00, v46  }
0x200: {  	v49 =	vld [tilespmem:s17+$0x8D60];
	v48 =	vshll.u32 v44, $0x3;
	v47 =	vor.u32 v10, v9  }
0x201: {  	[tilespmem:v5+s13+$0x0] =	vst.idx.add.f32.msk $0xffff, v11;
	v8 =	vand.u32 $0x7F, v44;
	v9 =	vand.u32 $0xFFFFFC00, v48;
	v5 =	vor.u32 v3, v47  }
0x202: {  	v51 =	vld [tilespmem:s17+$0x8DE0];
	v50 =	vor.u32 v9, v8  }
0x203: {  	s28 =	sor.u32 $0xC70, s17;
	[tilespmem:v6+s13+$0x0] =	vst.idx.add.f32.msk $0xffff, v45;
	v6 =	vor.u32 v4, v50  }
0x204: {  	s29 =	sor.u32 $0xCF0, s17;
	v52 =	vld [tilespmem:s28+$0x0]  }
0x205: {  	v53 =	vld [tilespmem:s29+$0x0]  }
0x206: {  	s30 =	sor.u32 $0xD70, s17;
	[tilespmem:v5+s13+$0x0] =	vst.idx.add.f32.msk $0xffff, v49  }
0x207: {  	v5 =	vld [tilespmem:s30+$0x0]  }
0x208: {  	s31 =	sor.u32 $0xDF0, s17;
	[tilespmem:v6+s13+$0x0] =	vst.idx.add.f32.msk $0xffff, v51  }
0x209: {  	v6 =	vld [tilespmem:s31+$0x0]  }
0x20a: {  	v54 =	vand.u32 $0x7F, v52;
	v8 =	vshll.u32 v52, $0x3;
	v55 =	vshll.u32 v53, $0x3  }
0x20b: {  	v8 =	vand.u32 $0xFFFFFC00, v8;
	v9 =	vand.u32 $0x7F, v53;
	v10 =	vand.u32 $0xFFFFFC00, v55  }
0x20c: {  	v7 =	vor.u32 v8, v54;
	v56 =	vor.u32 v10, v9  }
0x20d: {  	v1 =	vor.u32 v1, v7;
	v2 =	vor.u32 v2, v56;
	v57 =	vshll.u32 v5, $0x3  }
0x20e: {  	v58 =	vld [tilespmem:s17+$0x8C70];
	v5 =	vand.u32 $0x7F, v5;
	v7 =	vand.u32 $0xFFFFFC00, v57;
	v59 =	vshll.u32 v6, $0x3  }
0x20f: {  	v60 =	vld [tilespmem:s17+$0x8CF0];
	v6 =	vand.u32 $0x7F, v6;
	v5 =	vor.u32 v7, v5;
	v9 =	vand.u32 $0xFFFFFC00, v59  }
0x210: {  	v62 =	vld [tilespmem:s17+$0x8D70];
	v3 =	vor.u32 v3, v5;
	v61 =	vor.u32 v9, v6  }
0x211: {  	p1 =	por p0, p0;
	v63 =	vld [tilespmem:s17+$0x8DF0];
	v4 =	vor.u32 v4, v61  }
.Ltmp3:
0x212: {  	_ = 	snop;
	(pc) =	sbr.rel @p1 .LBB2_8-.Ltmp3, $4  }
0x213: {  	[tilespmem:v1+s13+$0x0] =	vst.idx.add.f32.msk $0xffff, v58  }
0x214: {  	[tilespmem:v2+s13+$0x0] =	vst.idx.add.f32.msk $0xffff, v60  }
0x215: {  	[tilespmem:v3+s13+$0x0] =	vst.idx.add.f32.msk $0xffff, v62  }
0x216: {  	s18 =	simm.s32 $0x4;
	p0 =	por $0x0, $0x0;
	[tilespmem:v4+s13+$0x0] =	vst.idx.add.f32.msk $0xffff, v63  }
0x217: {  	[hbm4b:s8+s3] =	stream.linear.scatter [tilespmem:s13], [sflag:$0x3], $0x4000, $0x38;
	[tilespmem:$0x18000] =	vst v63  }
0x218: {  	s17 =	simm.s32 $0x1  }
.LBB2_10:
0x219: {  	_ =	swait.ge [sflag:s14], $0x4000;
	s18 =	simm.s32 $0x0;
	s19 =	simm.s32 $0x0  }
0x21a: {  	[sflag:s14] =	ssyncset.done $0x0;
	s20 =	sand.u32 $0x380, s19;
	s21 =	sand.u32 $0x3800, s18  }
0x21b: {  	[sflag:s14] =	ssyncadd.s32 $0xFFFFC000;
	s20 =	sor.u32 s20, s21  }
0x21c: {  	[tilespmem:s20+$0x10470] =	vst v0  }
0x21d: {  	[tilespmem:s20+$0x10000] =	vst v0  }
0x21e: {  	[tilespmem:s20+$0x10010] =	vst v0  }
0x21f: {  	[tilespmem:s20+$0x10020] =	vst v0  }
0x220: {  	[tilespmem:s20+$0x10030] =	vst v0  }
0x221: {  	[tilespmem:s20+$0x10040] =	vst v0  }
0x222: {  	[tilespmem:s20+$0x10050] =	vst v0  }
0x223: {  	[tilespmem:s20+$0x10060] =	vst v0  }
0x224: {  	[tilespmem:s20+$0x10070] =	vst v0  }
0x225: {  	[tilespmem:s20+$0x10400] =	vst v0  }
0x226: {  	[tilespmem:s20+$0x10410] =	vst v0  }
0x227: {  	[tilespmem:s20+$0x10420] =	vst v0  }
0x228: {  	[tilespmem:s20+$0x10430] =	vst v0  }
.LBB2_11:
0x229: {  	s19 =	sadd.s32 $0x10, s19;
	[tilespmem:s20+$0x10440] =	vst v0;
	s18 =	sadd.s32 $0x800, s18  }
0x22a: {  	s21 =	sand.u32 $0x380, s19;
	s22 =	sand.u32 $0x3800, s18;
	p0 =	slt.u32 s19, $0x3F0;
	[tilespmem:s20+$0x10450] =	vst v0  }
0x22b: {  	[tilespmem:s20+$0x10460] =	vst v0;
	s20 =	sor.u32 s21, s22  }
0x22c: {  	[tilespmem:s20+$0x10470] =	vst v0  }
0x22d: {  	[tilespmem:s20+$0x10000] =	vst v0  }
0x22e: {  	[tilespmem:s20+$0x10010] =	vst v0  }
0x22f: {  	[tilespmem:s20+$0x10020] =	vst v0  }
0x230: {  	[tilespmem:s20+$0x10030] =	vst v0  }
0x231: {  	[tilespmem:s20+$0x10040] =	vst v0  }
0x232: {  	[tilespmem:s20+$0x10050] =	vst v0  }
0x233: {  	[tilespmem:s20+$0x10060] =	vst v0  }
.Ltmp4:
0x234: {  	[tilespmem:s20+$0x10070] =	vst v0;
	(pc) =	sbr.rel @p0 .LBB2_11-.Ltmp4, $4  }
0x235: {  	[tilespmem:s20+$0x10400] =	vst v0  }
0x236: {  	[tilespmem:s20+$0x10410] =	vst v0  }
0x237: {  	[tilespmem:s20+$0x10420] =	vst v0  }
0x238: {  	[tilespmem:s20+$0x10430] =	vst v0  }
0x239: {  	[tilespmem:s20+$0x10440] =	vst v0  }
0x23a: {  	[tilespmem:s20+$0x10450] =	vst v0;
	s19 =	sshll.u32 s17, $0x4  }
0x23b: {  	[tilespmem:s20+$0x10460] =	vst v0;
	s18 =	sshll.u32 s17, $0xC;
	s22 =	simm.s32 $0x0;
	p0 =	por $0x1, $0x1  }
.LBB2_13:
0x23c: {  	s20 =	sor.u32 s19, s22  }
0x23d: {  	s23 =	sshll.u32 s20, $0x8  }
0x23e: {  	s24 =	sshll.u32 s22, $0x7;
	s20 =	sand.u32 $0x7000, s23  }
0x23f: {  	s21 =	sor.u32 $0x1, s22;
	s25 =	sor.u32 s24, s20  }
0x240: {  	s30 =	sshll.u32 s21, $0x7;
	v1 =	vld [tilespmem:s25+$0x0]  }
0x241: {  	s20 =	sor.u32 s18, s30  }
0x242: {  	v3 =	vld [tilespmem:s20+$0x0]  }
0x243: {  	v2 =	vmov s22  }
0x244: {  	s28 =	sor.u32 $0x3, s22;
	v2 =	vshll.u32 v2, $0x7  }
0x245: {  	s26 =	sor.u32 $0x2, s22;
	s22 =	sshll.u32 s28, $0x7;
	v2 =	vand.u32 $0x200, v2;
	v4 =	vand.u32 $0x7F, v1;
	v1 =	vshll.u32 v1, $0x3  }
0x246: {  	s22 =	sor.u32 s18, s22;
	v5 =	vand.u32 $0xFFFFFC00, v1;
	v1 =	vbroadcast v2, $0x0;
	v2 =	vmov s21  }
0x247: {  	s31 =	sshll.u32 s26, $0x7;
	v9 =	vld [tilespmem:s22+$0x0];
	v6 =	vshll.u32 v3, $0x3;
	v2 =	vshll.u32 v2, $0x7  }
0x248: {  	v32 =	vld [tilespmem:s25+$0x8000];
	v3 =	vand.u32 $0x7F, v3;
	s21 =	sor.u32 s18, s31;
	v4 =	vor.u32 v5, v4;
	v2 =	vand.u32 $0x280, v2  }
0x249: {  	v6 =	vand.u32 $0xFFFFFC00, v6;
	v7 =	vld [tilespmem:s21+$0x0];
	v4 =	vor.u32 v1, v4;
	v2 =	vbroadcast v2, $0x0  }
0x24a: {  	v3 =	vor.u32 v6, v3  }
0x24b: {  	v33 =	vld [tilespmem:s20+$0x8000];
	v8 =	vor.u32 v2, v3  }
0x24c: {  	v10 =	vmov s28;
	v3 =	vmov s26  }
0x24d: {  	v37 =	vshll.u32 v10, $0x7;
	v40 =	vld [tilespmem:s21+$0x8000];
	v3 =	vshll.u32 v3, $0x7  }
0x24e: {  	v39 =	vshll.u32 v9, $0x3;
	v35 =	vshll.u32 v7, $0x3;
	[tilespmem:v4+s12+$0x0] =	vst.idx.add.f32.msk $0xffff, v32;
	v3 =	vand.u32 $0x300, v3  }
0x24f: {  	v34 =	vand.u32 $0x7F, v7;
	v5 =	vand.u32 $0xFFFFFC00, v35;
	v36 =	vld [tilespmem:s25+$0x10];
	v3 =	vbroadcast v3, $0x0  }
0x250: {  	s28 =	sor.u32 $0x10, s20;
	v9 =	vand.u32 $0x7F, v9;
	v4 =	vor.u32 v5, v34;
	v5 =	vand.u32 $0x380, v37;
	[tilespmem:v8+s12+$0x0] =	vst.idx.add.f32.msk $0xffff, v33  }
0x251: {  	v11 =	vand.u32 $0xFFFFFC00, v39;
	v38 =	vor.u32 v3, v4;
	v4 =	vbroadcast v5, $0x0;
	v6 =	vld [tilespmem:s28+$0x0]  }
0x252: {  	v41 =	vor.u32 v11, v9  }
0x253: {  	v43 =	vld [tilespmem:s22+$0x8000];
	v5 =	vor.u32 v4, v41  }
0x254: {  	v12 =	vld [tilespmem:s25+$0x8010];
	v42 =	vshll.u32 v36, $0x3  }
0x255: {  	v44 =	vld [tilespmem:s20+$0x8010];
	v7 =	vand.u32 $0x7F, v36;
	v9 =	vand.u32 $0xFFFFFC00, v42  }
0x256: {  	s29 =	sor.u32 $0x10, s21;
	v7 =	vor.u32 v9, v7;
	[tilespmem:v38+s12+$0x0] =	vst.idx.add.f32.msk $0xffff, v40;
	v13 =	vshll.u32 v6, $0x3  }
0x257: {  	v7 =	vor.u32 v1, v7;
	v6 =	vand.u32 $0x7F, v6;
	v8 =	vld [tilespmem:s29+$0x0];
	v13 =	vand.u32 $0xFFFFFC00, v13  }
0x258: {  	s30 =	sor.u32 $0x10, s22;
	[tilespmem:v5+s12+$0x0] =	vst.idx.add.f32.msk $0xffff, v43;
	v6 =	vor.u32 v13, v6  }
0x259: {  	v5 =	vld [tilespmem:s30+$0x0];
	v6 =	vor.u32 v2, v6;
	_ =	sdelay $0x1  }
0x25a: {  	v49 =	vld [tilespmem:s21+$0x8010]  }
0x25b: {  	[tilespmem:v7+s12+$0x0] =	vst.idx.add.f32.msk $0xffff, v12;
	v45 =	vshll.u32 v8, $0x3  }
0x25c: {  	v46 =	vand.u32 $0x7F, v8;
	v7 =	vld [tilespmem:s25+$0x20];
	v47 =	vand.u32 $0xFFFFFC00, v45  }
0x25d: {  	s31 =	sor.u32 $0x20, s20;
	v48 =	vshll.u32 v5, $0x3;
	[tilespmem:v6+s12+$0x0] =	vst.idx.add.f32.msk $0xffff, v44;
	v6 =	vor.u32 v47, v46  }
0x25e: {  	v5 =	vand.u32 $0x7F, v5;
	v8 =	vand.u32 $0xFFFFFC00, v48;
	v9 =	vld [tilespmem:s31+$0x0];
	v6 =	vor.u32 v3, v6  }
0x25f: {  	v5 =	vor.u32 v8, v5  }
0x260: {  	v11 =	vld [tilespmem:s22+$0x8010];
	v5 =	vor.u32 v4, v5  }
0x261: {  	v12 =	vld [tilespmem:s25+$0x8020];
	v50 =	vshll.u32 v7, $0x3  }
0x262: {  	v51 =	vld [tilespmem:s20+$0x8020];
	v7 =	vand.u32 $0x7F, v7;
	v8 =	vand.u32 $0xFFFFFC00, v50  }
0x263: {  	s28 =	sor.u32 $0x20, s21;
	v7 =	vor.u32 v8, v7;
	v52 =	vshll.u32 v9, $0x3;
	[tilespmem:v6+s12+$0x0] =	vst.idx.add.f32.msk $0xffff, v49  }
0x264: {  	v7 =	vor.u32 v1, v7;
	v9 =	vand.u32 $0x7F, v9;
	v13 =	vand.u32 $0xFFFFFC00, v52;
	v54 =	vld [tilespmem:s28+$0x0]  }
0x265: {  	s29 =	sor.u32 $0x20, s22;
	[tilespmem:v5+s12+$0x0] =	vst.idx.add.f32.msk $0xffff, v11;
	v53 =	vor.u32 v13, v9  }
0x266: {  	v5 =	vld [tilespmem:s29+$0x0];
	v6 =	vor.u32 v2, v53;
	_ =	sdelay $0x1  }
0x267: {  	v60 =	vld [tilespmem:s21+$0x8020]  }
0x268: {  	[tilespmem:v7+s12+$0x0] =	vst.idx.add.f32.msk $0xffff, v12;
	v55 =	vshll.u32 v54, $0x3  }
0x269: {  	v7 =	vld [tilespmem:s25+$0x30];
	v56 =	vand.u32 $0x7F, v54;
	v57 =	vand.u32 $0xFFFFFC00, v55  }
0x26a: {  	s30 =	sor.u32 $0x30, s20;
	v59 =	vshll.u32 v5, $0x3;
	[tilespmem:v6+s12+$0x0] =	vst.idx.add.f32.msk $0xffff, v51;
	v6 =	vor.u32 v57, v56  }
0x26b: {  	v5 =	vand.u32 $0x7F, v5;
	v8 =	vand.u32 $0xFFFFFC00, v59;
	v58 =	vld [tilespmem:s30+$0x0];
	v6 =	vor.u32 v3, v6  }
0x26c: {  	v5 =	vor.u32 v8, v5  }
0x26d: {  	v11 =	vld [tilespmem:s22+$0x8020];
	v5 =	vor.u32 v4, v5  }
0x26e: {  	v12 =	vld [tilespmem:s25+$0x8030];
	v61 =	vshll.u32 v7, $0x3  }
0x26f: {  	v62 =	vld [tilespmem:s20+$0x8030];
	v7 =	vand.u32 $0x7F, v7;
	v8 =	vand.u32 $0xFFFFFC00, v61  }
0x270: {  	s31 =	sor.u32 $0x30, s21;
	v7 =	vor.u32 v8, v7;
	v63 =	vshll.u32 v58, $0x3;
	[tilespmem:v6+s12+$0x0] =	vst.idx.add.f32.msk $0xffff, v60  }
0x271: {  	v7 =	vor.u32 v1, v7;
	v9 =	vand.u32 $0x7F, v58;
	v13 =	vand.u32 $0xFFFFFC00, v63;
	v15 =	vld [tilespmem:s31+$0x0]  }
0x272: {  	s28 =	sor.u32 $0x30, s22;
	[tilespmem:v5+s12+$0x0] =	vst.idx.add.f32.msk $0xffff, v11;
	v14 =	vor.u32 v13, v9  }
0x273: {  	v5 =	vld [tilespmem:s28+$0x0];
	v6 =	vor.u32 v2, v14;
	_ =	sdelay $0x1  }
0x274: {  	v21 =	vld [tilespmem:s21+$0x8030]  }
0x275: {  	[tilespmem:v7+s12+$0x0] =	vst.idx.add.f32.msk $0xffff, v12;
	v16 =	vshll.u32 v15, $0x3  }
0x276: {  	v7 =	vld [tilespmem:s25+$0x40];
	v17 =	vand.u32 $0x7F, v15;
	v18 =	vand.u32 $0xFFFFFC00, v16  }
0x277: {  	s29 =	sor.u32 $0x40, s20;
	v20 =	vshll.u32 v5, $0x3;
	[tilespmem:v6+s12+$0x0] =	vst.idx.add.f32.msk $0xffff, v62;
	v6 =	vor.u32 v18, v17  }
0x278: {  	v5 =	vand.u32 $0x7F, v5;
	v8 =	vand.u32 $0xFFFFFC00, v20;
	v19 =	vld [tilespmem:s29+$0x0];
	v6 =	vor.u32 v3, v6  }
0x279: {  	v5 =	vor.u32 v8, v5  }
0x27a: {  	v11 =	vld [tilespmem:s22+$0x8030];
	v5 =	vor.u32 v4, v5  }
0x27b: {  	v12 =	vld [tilespmem:s25+$0x8040];
	v22 =	vshll.u32 v7, $0x3  }
0x27c: {  	v23 =	vld [tilespmem:s20+$0x8040];
	v7 =	vand.u32 $0x7F, v7;
	v8 =	vand.u32 $0xFFFFFC00, v22  }
0x27d: {  	s30 =	sor.u32 $0x40, s21;
	v7 =	vor.u32 v8, v7;
	v24 =	vshll.u32 v19, $0x3;
	[tilespmem:v6+s12+$0x0] =	vst.idx.add.f32.msk $0xffff, v21  }
0x27e: {  	v7 =	vor.u32 v1, v7;
	v9 =	vand.u32 $0x7F, v19;
	v13 =	vand.u32 $0xFFFFFC00, v24;
	v26 =	vld [tilespmem:s30+$0x0]  }
0x27f: {  	s31 =	sor.u32 $0x40, s22;
	[tilespmem:v5+s12+$0x0] =	vst.idx.add.f32.msk $0xffff, v11;
	v25 =	vor.u32 v13, v9  }
0x280: {  	v5 =	vld [tilespmem:s31+$0x0];
	v6 =	vor.u32 v2, v25;
	_ =	sdelay $0x1  }
0x281: {  	v32 =	vld [tilespmem:s21+$0x8040]  }
0x282: {  	[tilespmem:v7+s12+$0x0] =	vst.idx.add.f32.msk $0xffff, v12;
	v27 =	vshll.u32 v26, $0x3  }
0x283: {  	v7 =	vld [tilespmem:s25+$0x50];
	v28 =	vand.u32 $0x7F, v26;
	v29 =	vand.u32 $0xFFFFFC00, v27  }
0x284: {  	s28 =	sor.u32 $0x50, s20;
	v31 =	vshll.u32 v5, $0x3;
	[tilespmem:v6+s12+$0x0] =	vst.idx.add.f32.msk $0xffff, v23;
	v6 =	vor.u32 v29, v28  }
0x285: {  	v5 =	vand.u32 $0x7F, v5;
	v8 =	vand.u32 $0xFFFFFC00, v31;
	v30 =	vld [tilespmem:s28+$0x0];
	v6 =	vor.u32 v3, v6  }
0x286: {  	v5 =	vor.u32 v8, v5  }
0x287: {  	v11 =	vld [tilespmem:s22+$0x8040];
	v5 =	vor.u32 v4, v5  }
0x288: {  	v12 =	vld [tilespmem:s25+$0x8050];
	v33 =	vshll.u32 v7, $0x3  }
0x289: {  	v34 =	vld [tilespmem:s20+$0x8050];
	v7 =	vand.u32 $0x7F, v7;
	v8 =	vand.u32 $0xFFFFFC00, v33  }
0x28a: {  	s29 =	sor.u32 $0x50, s21;
	v7 =	vor.u32 v8, v7;
	v35 =	vshll.u32 v30, $0x3;
	[tilespmem:v6+s12+$0x0] =	vst.idx.add.f32.msk $0xffff, v32  }
0x28b: {  	v7 =	vor.u32 v1, v7;
	v9 =	vand.u32 $0x7F, v30;
	v13 =	vand.u32 $0xFFFFFC00, v35;
	v37 =	vld [tilespmem:s29+$0x0]  }
0x28c: {  	s30 =	sor.u32 $0x50, s22;
	[tilespmem:v5+s12+$0x0] =	vst.idx.add.f32.msk $0xffff, v11;
	v36 =	vor.u32 v13, v9  }
0x28d: {  	v5 =	vld [tilespmem:s30+$0x0];
	v6 =	vor.u32 v2, v36;
	_ =	sdelay $0x1  }
0x28e: {  	v43 =	vld [tilespmem:s21+$0x8050]  }
0x28f: {  	[tilespmem:v7+s12+$0x0] =	vst.idx.add.f32.msk $0xffff, v12;
	v38 =	vshll.u32 v37, $0x3  }
0x290: {  	v7 =	vld [tilespmem:s25+$0x60];
	v39 =	vand.u32 $0x7F, v37;
	v40 =	vand.u32 $0xFFFFFC00, v38  }
0x291: {  	s31 =	sor.u32 $0x60, s20;
	v42 =	vshll.u32 v5, $0x3;
	[tilespmem:v6+s12+$0x0] =	vst.idx.add.f32.msk $0xffff, v34;
	v6 =	vor.u32 v40, v39  }
0x292: {  	v5 =	vand.u32 $0x7F, v5;
	v8 =	vand.u32 $0xFFFFFC00, v42;
	v41 =	vld [tilespmem:s31+$0x0];
	v6 =	vor.u32 v3, v6  }
0x293: {  	v5 =	vor.u32 v8, v5  }
0x294: {  	v11 =	vld [tilespmem:s22+$0x8050];
	v5 =	vor.u32 v4, v5  }
0x295: {  	v12 =	vld [tilespmem:s25+$0x8060];
	v44 =	vshll.u32 v7, $0x3  }
0x296: {  	v45 =	vld [tilespmem:s20+$0x8060];
	v7 =	vand.u32 $0x7F, v7;
	v8 =	vand.u32 $0xFFFFFC00, v44  }
0x297: {  	s28 =	sor.u32 $0x60, s21;
	v7 =	vor.u32 v8, v7;
	v46 =	vshll.u32 v41, $0x3;
	[tilespmem:v6+s12+$0x0] =	vst.idx.add.f32.msk $0xffff, v43  }
0x298: {  	v7 =	vor.u32 v1, v7;
	v9 =	vand.u32 $0x7F, v41;
	v13 =	vand.u32 $0xFFFFFC00, v46;
	v48 =	vld [tilespmem:s28+$0x0]  }
0x299: {  	s29 =	sor.u32 $0x60, s22;
	[tilespmem:v5+s12+$0x0] =	vst.idx.add.f32.msk $0xffff, v11;
	v47 =	vor.u32 v13, v9  }
0x29a: {  	v5 =	vld [tilespmem:s29+$0x0];
	v6 =	vor.u32 v2, v47;
	_ =	sdelay $0x1  }
0x29b: {  	v54 =	vld [tilespmem:s21+$0x8060]  }
0x29c: {  	[tilespmem:v7+s12+$0x0] =	vst.idx.add.f32.msk $0xffff, v12;
	v49 =	vshll.u32 v48, $0x3  }
0x29d: {  	v7 =	vld [tilespmem:s25+$0x70];
	v50 =	vand.u32 $0x7F, v48;
	v51 =	vand.u32 $0xFFFFFC00, v49  }
0x29e: {  	s30 =	sor.u32 $0x70, s20;
	v53 =	vshll.u32 v5, $0x3;
	[tilespmem:v6+s12+$0x0] =	vst.idx.add.f32.msk $0xffff, v45;
	v6 =	vor.u32 v51, v50  }
0x29f: {  	v5 =	vand.u32 $0x7F, v5;
	v8 =	vand.u32 $0xFFFFFC00, v53;
	v52 =	vld [tilespmem:s30+$0x0];
	v6 =	vor.u32 v3, v6  }
0x2a0: {  	v5 =	vor.u32 v8, v5  }
0x2a1: {  	v11 =	vld [tilespmem:s22+$0x8060];
	v5 =	vor.u32 v4, v5  }
0x2a2: {  	v12 =	vld [tilespmem:s25+$0x8070];
	v55 =	vshll.u32 v7, $0x3  }
0x2a3: {  	v56 =	vld [tilespmem:s20+$0x8070];
	v7 =	vand.u32 $0x7F, v7;
	v8 =	vand.u32 $0xFFFFFC00, v55  }
0x2a4: {  	s31 =	sor.u32 $0x70, s21;
	v7 =	vor.u32 v8, v7;
	v57 =	vshll.u32 v52, $0x3;
	[tilespmem:v6+s12+$0x0] =	vst.idx.add.f32.msk $0xffff, v54  }
0x2a5: {  	v7 =	vor.u32 v1, v7;
	v9 =	vand.u32 $0x7F, v52;
	v13 =	vand.u32 $0xFFFFFC00, v57;
	v59 =	vld [tilespmem:s31+$0x0]  }
0x2a6: {  	s26 =	sor.u32 $0x70, s22;
	[tilespmem:v5+s12+$0x0] =	vst.idx.add.f32.msk $0xffff, v11;
	v58 =	vor.u32 v13, v9  }
0x2a7: {  	v5 =	vld [tilespmem:s26+$0x0];
	v6 =	vor.u32 v2, v58;
	_ =	sdelay $0x1  }
0x2a8: {  	s23 =	sor.u32 s24, s23;
	v17 =	vld [tilespmem:s21+$0x8070]  }
0x2a9: {  	s24 =	sor.u32 $0x400, s23;
	[tilespmem:v7+s12+$0x0] =	vst.idx.add.f32.msk $0xffff, v12;
	v60 =	vshll.u32 v59, $0x3  }
0x2aa: {  	v7 =	vld [tilespmem:s24+$0x0];
	v61 =	vand.u32 $0x7F, v59;
	v62 =	vand.u32 $0xFFFFFC00, v60  }
0x2ab: {  	s28 =	sor.u32 $0x400, s20;
	v16 =	vshll.u32 v5, $0x3;
	[tilespmem:v6+s12+$0x0] =	vst.idx.add.f32.msk $0xffff, v56;
	v6 =	vor.u32 v62, v61  }
0x2ac: {  	v5 =	vand.u32 $0x7F, v5;
	v8 =	vand.u32 $0xFFFFFC00, v16;
	v63 =	vld [tilespmem:s28+$0x0];
	v6 =	vor.u32 v3, v6  }
0x2ad: {  	v5 =	vor.u32 v8, v5  }
0x2ae: {  	v11 =	vld [tilespmem:s22+$0x8070];
	v5 =	vor.u32 v4, v5  }
0x2af: {  	v12 =	vld [tilespmem:s24+$0x8000];
	v18 =	vshll.u32 v7, $0x3  }
0x2b0: {  	v19 =	vld [tilespmem:s20+$0x8400];
	v7 =	vand.u32 $0x7F, v7;
	v8 =	vand.u32 $0xFFFFFC00, v18  }
0x2b1: {  	s29 =	sor.u32 $0x400, s21;
	v7 =	vor.u32 v8, v7;
	v20 =	vshll.u32 v63, $0x3;
	[tilespmem:v6+s12+$0x0] =	vst.idx.add.f32.msk $0xffff, v17  }
0x2b2: {  	v7 =	vor.u32 v1, v7;
	v9 =	vand.u32 $0x7F, v63;
	v13 =	vand.u32 $0xFFFFFC00, v20;
	v22 =	vld [tilespmem:s29+$0x0]  }
0x2b3: {  	s30 =	sor.u32 $0x400, s22;
	[tilespmem:v5+s12+$0x0] =	vst.idx.add.f32.msk $0xffff, v11;
	v21 =	vor.u32 v13, v9  }
0x2b4: {  	v5 =	vld [tilespmem:s30+$0x0];
	v6 =	vor.u32 v2, v21;
	_ =	sdelay $0x1  }
0x2b5: {  	v28 =	vld [tilespmem:s21+$0x8400]  }
0x2b6: {  	s31 =	sor.u32 $0x410, s23;
	[tilespmem:v7+s12+$0x0] =	vst.idx.add.f32.msk $0xffff, v12;
	v23 =	vshll.u32 v22, $0x3  }
0x2b7: {  	v7 =	vld [tilespmem:s31+$0x0];
	v24 =	vand.u32 $0x7F, v22;
	v25 =	vand.u32 $0xFFFFFC00, v23  }
0x2b8: {  	s26 =	sor.u32 $0x410, s20;
	v27 =	vshll.u32 v5, $0x3;
	[tilespmem:v6+s12+$0x0] =	vst.idx.add.f32.msk $0xffff, v19;
	v6 =	vor.u32 v25, v24  }
0x2b9: {  	v5 =	vand.u32 $0x7F, v5;
	v8 =	vand.u32 $0xFFFFFC00, v27;
	v26 =	vld [tilespmem:s26+$0x0];
	v6 =	vor.u32 v3, v6  }
0x2ba: {  	v5 =	vor.u32 v8, v5  }
0x2bb: {  	v11 =	vld [tilespmem:s22+$0x8400];
	v5 =	vor.u32 v4, v5  }
0x2bc: {  	v12 =	vld [tilespmem:s31+$0x8000];
	v29 =	vshll.u32 v7, $0x3  }
0x2bd: {  	v30 =	vld [tilespmem:s20+$0x8410];
	v7 =	vand.u32 $0x7F, v7;
	v8 =	vand.u32 $0xFFFFFC00, v29  }
0x2be: {  	s28 =	sor.u32 $0x410, s21;
	v7 =	vor.u32 v8, v7;
	v31 =	vshll.u32 v26, $0x3;
	[tilespmem:v6+s12+$0x0] =	vst.idx.add.f32.msk $0xffff, v28  }
0x2bf: {  	v7 =	vor.u32 v1, v7;
	v9 =	vand.u32 $0x7F, v26;
	v13 =	vand.u32 $0xFFFFFC00, v31;
	v33 =	vld [tilespmem:s28+$0x0]  }
0x2c0: {  	s29 =	sor.u32 $0x410, s22;
	[tilespmem:v5+s12+$0x0] =	vst.idx.add.f32.msk $0xffff, v11;
	v32 =	vor.u32 v13, v9  }
0x2c1: {  	v5 =	vld [tilespmem:s29+$0x0];
	v6 =	vor.u32 v2, v32;
	_ =	sdelay $0x1  }
0x2c2: {  	v39 =	vld [tilespmem:s21+$0x8410]  }
0x2c3: {  	s30 =	sor.u32 $0x420, s23;
	[tilespmem:v7+s12+$0x0] =	vst.idx.add.f32.msk $0xffff, v12;
	v34 =	vshll.u32 v33, $0x3  }
0x2c4: {  	v7 =	vld [tilespmem:s30+$0x0];
	v35 =	vand.u32 $0x7F, v33;
	v36 =	vand.u32 $0xFFFFFC00, v34  }
0x2c5: {  	s31 =	sor.u32 $0x420, s20;
	v38 =	vshll.u32 v5, $0x3;
	[tilespmem:v6+s12+$0x0] =	vst.idx.add.f32.msk $0xffff, v30;
	v6 =	vor.u32 v36, v35  }
0x2c6: {  	v5 =	vand.u32 $0x7F, v5;
	v8 =	vand.u32 $0xFFFFFC00, v38;
	v37 =	vld [tilespmem:s31+$0x0];
	v6 =	vor.u32 v3, v6  }
0x2c7: {  	v5 =	vor.u32 v8, v5  }
0x2c8: {  	v11 =	vld [tilespmem:s22+$0x8410];
	v5 =	vor.u32 v4, v5  }
0x2c9: {  	v12 =	vld [tilespmem:s30+$0x8000];
	v40 =	vshll.u32 v7, $0x3  }
0x2ca: {  	v41 =	vld [tilespmem:s20+$0x8420];
	v7 =	vand.u32 $0x7F, v7;
	v8 =	vand.u32 $0xFFFFFC00, v40  }
0x2cb: {  	s26 =	sor.u32 $0x420, s21;
	v7 =	vor.u32 v8, v7;
	v42 =	vshll.u32 v37, $0x3;
	[tilespmem:v6+s12+$0x0] =	vst.idx.add.f32.msk $0xffff, v39  }
0x2cc: {  	v7 =	vor.u32 v1, v7;
	v9 =	vand.u32 $0x7F, v37;
	v13 =	vand.u32 $0xFFFFFC00, v42;
	v44 =	vld [tilespmem:s26+$0x0]  }
0x2cd: {  	s28 =	sor.u32 $0x420, s22;
	[tilespmem:v5+s12+$0x0] =	vst.idx.add.f32.msk $0xffff, v11;
	v43 =	vor.u32 v13, v9  }
0x2ce: {  	v5 =	vld [tilespmem:s28+$0x0];
	v6 =	vor.u32 v2, v43;
	_ =	sdelay $0x1  }
0x2cf: {  	v50 =	vld [tilespmem:s21+$0x8420]  }
0x2d0: {  	s29 =	sor.u32 $0x430, s23;
	[tilespmem:v7+s12+$0x0] =	vst.idx.add.f32.msk $0xffff, v12;
	v45 =	vshll.u32 v44, $0x3  }
0x2d1: {  	v7 =	vld [tilespmem:s29+$0x0];
	v46 =	vand.u32 $0x7F, v44;
	v47 =	vand.u32 $0xFFFFFC00, v45  }
0x2d2: {  	s30 =	sor.u32 $0x430, s20;
	v49 =	vshll.u32 v5, $0x3;
	[tilespmem:v6+s12+$0x0] =	vst.idx.add.f32.msk $0xffff, v41;
	v6 =	vor.u32 v47, v46  }
0x2d3: {  	v5 =	vand.u32 $0x7F, v5;
	v8 =	vand.u32 $0xFFFFFC00, v49;
	v48 =	vld [tilespmem:s30+$0x0];
	v6 =	vor.u32 v3, v6  }
0x2d4: {  	v5 =	vor.u32 v8, v5  }
0x2d5: {  	v11 =	vld [tilespmem:s22+$0x8420];
	v5 =	vor.u32 v4, v5  }
0x2d6: {  	v12 =	vld [tilespmem:s29+$0x8000];
	v51 =	vshll.u32 v7, $0x3  }
0x2d7: {  	v52 =	vld [tilespmem:s20+$0x8430];
	v7 =	vand.u32 $0x7F, v7;
	v8 =	vand.u32 $0xFFFFFC00, v51  }
0x2d8: {  	s31 =	sor.u32 $0x430, s21;
	v7 =	vor.u32 v8, v7;
	v53 =	vshll.u32 v48, $0x3;
	[tilespmem:v6+s12+$0x0] =	vst.idx.add.f32.msk $0xffff, v50  }
0x2d9: {  	v7 =	vor.u32 v1, v7;
	v9 =	vand.u32 $0x7F, v48;
	v13 =	vand.u32 $0xFFFFFC00, v53;
	v55 =	vld [tilespmem:s31+$0x0]  }
0x2da: {  	s25 =	sor.u32 $0x430, s22;
	[tilespmem:v5+s12+$0x0] =	vst.idx.add.f32.msk $0xffff, v11;
	v54 =	vor.u32 v13, v9  }
0x2db: {  	v5 =	vld [tilespmem:s25+$0x0];
	v6 =	vor.u32 v2, v54;
	_ =	sdelay $0x1  }
0x2dc: {  	v61 =	vld [tilespmem:s21+$0x8430]  }
0x2dd: {  	s26 =	sor.u32 $0x440, s23;
	[tilespmem:v7+s12+$0x0] =	vst.idx.add.f32.msk $0xffff, v12;
	v56 =	vshll.u32 v55, $0x3  }
0x2de: {  	v7 =	vld [tilespmem:s26+$0x0];
	v57 =	vand.u32 $0x7F, v55;
	v58 =	vand.u32 $0xFFFFFC00, v56  }
0x2df: {  	s28 =	sor.u32 $0x440, s20;
	v60 =	vshll.u32 v5, $0x3;
	[tilespmem:v6+s12+$0x0] =	vst.idx.add.f32.msk $0xffff, v52;
	v6 =	vor.u32 v58, v57  }
0x2e0: {  	v5 =	vand.u32 $0x7F, v5;
	v8 =	vand.u32 $0xFFFFFC00, v60;
	v59 =	vld [tilespmem:s28+$0x0];
	v6 =	vor.u32 v3, v6  }
0x2e1: {  	v5 =	vor.u32 v8, v5  }
0x2e2: {  	v11 =	vld [tilespmem:s22+$0x8430];
	v5 =	vor.u32 v4, v5  }
0x2e3: {  	v12 =	vld [tilespmem:s26+$0x8000];
	v62 =	vshll.u32 v7, $0x3  }
0x2e4: {  	v63 =	vld [tilespmem:s20+$0x8440];
	v7 =	vand.u32 $0x7F, v7;
	v8 =	vand.u32 $0xFFFFFC00, v62  }
0x2e5: {  	s29 =	sor.u32 $0x440, s21;
	v7 =	vor.u32 v8, v7;
	v16 =	vshll.u32 v59, $0x3;
	[tilespmem:v6+s12+$0x0] =	vst.idx.add.f32.msk $0xffff, v61  }
0x2e6: {  	v7 =	vor.u32 v1, v7;
	v9 =	vand.u32 $0x7F, v59;
	v13 =	vand.u32 $0xFFFFFC00, v16;
	v18 =	vld [tilespmem:s29+$0x0]  }
0x2e7: {  	s30 =	sor.u32 $0x440, s22;
	[tilespmem:v5+s12+$0x0] =	vst.idx.add.f32.msk $0xffff, v11;
	v17 =	vor.u32 v13, v9  }
0x2e8: {  	v5 =	vld [tilespmem:s30+$0x0];
	v6 =	vor.u32 v2, v17;
	_ =	sdelay $0x2  }
0x2e9: {  	s31 =	sor.u32 $0x450, s23;
	[tilespmem:v7+s12+$0x0] =	vst.idx.add.f32.msk $0xffff, v12;
	v19 =	vshll.u32 v18, $0x3  }
0x2ea: {  	v7 =	vld [tilespmem:s31+$0x0];
	v20 =	vand.u32 $0x7F, v18;
	v21 =	vand.u32 $0xFFFFFC00, v19  }
0x2eb: {  	v23 =	vshll.u32 v5, $0x3;
	[tilespmem:v6+s12+$0x0] =	vst.idx.add.f32.msk $0xffff, v63;
	v6 =	vor.u32 v21, v20  }
0x2ec: {  	v24 =	vld [tilespmem:s21+$0x8440];
	v5 =	vand.u32 $0x7F, v5;
	v8 =	vand.u32 $0xFFFFFC00, v23;
	v6 =	vor.u32 v3, v6  }
0x2ed: {  	v5 =	vor.u32 v8, v5  }
0x2ee: {  	s26 =	sor.u32 $0x450, s20;
	v25 =	vld [tilespmem:s22+$0x8440];
	v5 =	vor.u32 v4, v5  }
0x2ef: {  	v22 =	vld [tilespmem:s26+$0x0]  }
0x2f0: {  	v26 =	vld [tilespmem:s31+$0x8000];
	v27 =	vshll.u32 v7, $0x3  }
0x2f1: {  	s28 =	sor.u32 $0x450, s21;
	v7 =	vand.u32 $0x7F, v7;
	v12 =	vand.u32 $0xFFFFFC00, v27;
	[tilespmem:v6+s12+$0x0] =	vst.idx.add.f32.msk $0xffff, v24  }
0x2f2: {  	v7 =	vor.u32 v12, v7;
	v10 =	vld [tilespmem:s28+$0x0]  }
0x2f3: {  	s29 =	sor.u32 $0x450, s22;
	v7 =	vor.u32 v1, v7;
	[tilespmem:v5+s12+$0x0] =	vst.idx.add.f32.msk $0xffff, v25  }
0x2f4: {  	v29 =	vshll.u32 v22, $0x3;
	v31 =	vld [tilespmem:s29+$0x0]  }
0x2f5: {  	v9 =	vand.u32 $0x7F, v22;
	v6 =	vand.u32 $0xFFFFFC00, v29  }
0x2f6: {  	v6 =	vor.u32 v6, v9  }
0x2f7: {  	v28 =	vld [tilespmem:s20+$0x8450];
	v30 =	vor.u32 v2, v6;
	v32 =	vshll.u32 v10, $0x3  }
0x2f8: {  	[tilespmem:v7+s12+$0x0] =	vst.idx.add.f32.msk $0xffff, v26;
	v34 =	vand.u32 $0x7F, v10;
	v7 =	vand.u32 $0xFFFFFC00, v32  }
0x2f9: {  	v37 =	vld [tilespmem:s21+$0x8450];
	v36 =	vshll.u32 v31, $0x3;
	v35 =	vor.u32 v7, v34  }
0x2fa: {  	s30 =	sor.u32 $0x460, s23;
	v39 =	vld [tilespmem:s22+$0x8450];
	v6 =	vand.u32 $0x7F, v31;
	v7 =	vand.u32 $0xFFFFFC00, v36;
	v5 =	vor.u32 v3, v35  }
0x2fb: {  	v33 =	vld [tilespmem:s30+$0x0];
	v6 =	vor.u32 v7, v6  }
0x2fc: {  	s31 =	sor.u32 $0x460, s20;
	[tilespmem:v30+s12+$0x0] =	vst.idx.add.f32.msk $0xffff, v28;
	v6 =	vor.u32 v4, v6  }
0x2fd: {  	v38 =	vld [tilespmem:s31+$0x0];
	_ =	sdelay $0x1  }
0x2fe: {  	s26 =	sor.u32 $0x460, s21;
	[tilespmem:v5+s12+$0x0] =	vst.idx.add.f32.msk $0xffff, v37  }
0x2ff: {  	v40 =	vshll.u32 v33, $0x3;
	v9 =	vld [tilespmem:s26+$0x0]  }
0x300: {  	s28 =	sor.u32 $0x460, s22;
	v8 =	vand.u32 $0x7F, v33;
	v5 =	vand.u32 $0xFFFFFC00, v40;
	[tilespmem:v6+s12+$0x0] =	vst.idx.add.f32.msk $0xffff, v39  }
0x301: {  	v41 =	vshll.u32 v38, $0x3;
	v5 =	vor.u32 v5, v8;
	v44 =	vld [tilespmem:s28+$0x0]  }
0x302: {  	v11 =	vld [tilespmem:s30+$0x8000];
	v42 =	vand.u32 $0x7F, v38;
	v43 =	vand.u32 $0xFFFFFC00, v41;
	v5 =	vor.u32 v1, v5  }
0x303: {  	v6 =	vor.u32 v43, v42  }
0x304: {  	v45 =	vld [tilespmem:s20+$0x8460];
	v6 =	vor.u32 v2, v6;
	v46 =	vshll.u32 v9, $0x3  }
0x305: {  	v9 =	vand.u32 $0x7F, v9;
	v10 =	vand.u32 $0xFFFFFC00, v46  }
0x306: {  	v49 =	vld [tilespmem:s21+$0x8460];
	v48 =	vshll.u32 v44, $0x3;
	v47 =	vor.u32 v10, v9  }
0x307: {  	[tilespmem:v5+s12+$0x0] =	vst.idx.add.f32.msk $0xffff, v11;
	v8 =	vand.u32 $0x7F, v44;
	v9 =	vand.u32 $0xFFFFFC00, v48;
	v5 =	vor.u32 v3, v47  }
0x308: {  	v51 =	vld [tilespmem:s22+$0x8460];
	v50 =	vor.u32 v9, v8  }
0x309: {  	s23 =	sor.u32 $0x470, s23;
	[tilespmem:v6+s12+$0x0] =	vst.idx.add.f32.msk $0xffff, v45;
	v6 =	vor.u32 v4, v50  }
0x30a: {  	s29 =	sor.u32 $0x470, s20;
	v52 =	vld [tilespmem:s23+$0x0]  }
0x30b: {  	v53 =	vld [tilespmem:s29+$0x0]  }
0x30c: {  	s30 =	sor.u32 $0x470, s21;
	[tilespmem:v5+s12+$0x0] =	vst.idx.add.f32.msk $0xffff, v49  }
0x30d: {  	v5 =	vld [tilespmem:s30+$0x0]  }
0x30e: {  	s31 =	sor.u32 $0x470, s22;
	[tilespmem:v6+s12+$0x0] =	vst.idx.add.f32.msk $0xffff, v51  }
0x30f: {  	v6 =	vld [tilespmem:s31+$0x0]  }
0x310: {  	v54 =	vand.u32 $0x7F, v52;
	v8 =	vshll.u32 v52, $0x3;
	v55 =	vshll.u32 v53, $0x3  }
0x311: {  	v8 =	vand.u32 $0xFFFFFC00, v8;
	v9 =	vand.u32 $0x7F, v53;
	v10 =	vand.u32 $0xFFFFFC00, v55  }
0x312: {  	v7 =	vor.u32 v8, v54;
	v56 =	vor.u32 v10, v9  }
0x313: {  	v1 =	vor.u32 v1, v7;
	v2 =	vor.u32 v2, v56;
	v57 =	vshll.u32 v5, $0x3  }
0x314: {  	v58 =	vld [tilespmem:s23+$0x8000];
	v5 =	vand.u32 $0x7F, v5;
	v7 =	vand.u32 $0xFFFFFC00, v57;
	v59 =	vshll.u32 v6, $0x3  }
0x315: {  	v60 =	vld [tilespmem:s20+$0x8470];
	v6 =	vand.u32 $0x7F, v6;
	v5 =	vor.u32 v7, v5;
	v9 =	vand.u32 $0xFFFFFC00, v59  }
0x316: {  	v62 =	vld [tilespmem:s21+$0x8470];
	v3 =	vor.u32 v3, v5;
	v61 =	vor.u32 v9, v6  }
0x317: {  	p1 =	por p0, p0;
	v63 =	vld [tilespmem:s22+$0x8470];
	v4 =	vor.u32 v4, v61  }
.Ltmp5:
0x318: {  	_ = 	snop;
	(pc) =	sbr.rel @p1 .LBB2_13-.Ltmp5, $4  }
0x319: {  	[tilespmem:v1+s12+$0x0] =	vst.idx.add.f32.msk $0xffff, v58  }
0x31a: {  	[tilespmem:v2+s12+$0x0] =	vst.idx.add.f32.msk $0xffff, v60  }
0x31b: {  	[tilespmem:v3+s12+$0x0] =	vst.idx.add.f32.msk $0xffff, v62  }
0x31c: {  	p0 =	por $0x0, $0x0;
	s22 =	simm.s32 $0x4;
	[tilespmem:v4+s12+$0x0] =	vst.idx.add.f32.msk $0xffff, v63  }
0x31d: {  	s20 =	sadd.s32 s4, s19  }
0x31e: {  	s20 =	sshll.u32 s20, $0x8  }
0x31f: {  	s21 =	sadd.s32 s1, s20;
	s20 =	simm.s32 $0x0  }
0x320: {  	[hbm4b:s21+s20] =	stream.linear.scatter [tilespmem:s12], [sflag:$0x2], $0x4000, $0x38;
	[tilespmem:$0x18000] =	vst v63  }
0x321: {  	s21 =	simm.s32 $0x0;
	_ =	swait.ge [sflag:s15], $0x4000  }
0x322: {  	s23 =	sand.u32 $0x3800, s20;
	s22 =	sand.u32 $0x380, s21;
	[sflag:s15] =	ssyncset.done $0x0  }
0x323: {  	s22 =	sor.u32 s22, s23;
	[sflag:s15] =	ssyncadd.s32 $0xFFFFC000  }
0x324: {  	[tilespmem:s22+$0x14470] =	vst v0  }
0x325: {  	[tilespmem:s22+$0x14000] =	vst v0  }
0x326: {  	[tilespmem:s22+$0x14010] =	vst v0  }
0x327: {  	[tilespmem:s22+$0x14020] =	vst v0  }
0x328: {  	[tilespmem:s22+$0x14030] =	vst v0  }
0x329: {  	[tilespmem:s22+$0x14040] =	vst v0  }
0x32a: {  	[tilespmem:s22+$0x14050] =	vst v0  }
0x32b: {  	[tilespmem:s22+$0x14060] =	vst v0  }
0x32c: {  	[tilespmem:s22+$0x14070] =	vst v0  }
0x32d: {  	[tilespmem:s22+$0x14400] =	vst v0  }
0x32e: {  	[tilespmem:s22+$0x14410] =	vst v0  }
0x32f: {  	[tilespmem:s22+$0x14420] =	vst v0  }
0x330: {  	[tilespmem:s22+$0x14430] =	vst v0  }
.LBB2_15:
0x331: {  	s21 =	sadd.s32 $0x10, s21;
	[tilespmem:s22+$0x14440] =	vst v0;
	s20 =	sadd.s32 $0x800, s20  }
0x332: {  	s23 =	sand.u32 $0x380, s21;
	s24 =	sand.u32 $0x3800, s20;
	p0 =	slt.u32 s21, $0x3F0;
	[tilespmem:s22+$0x14450] =	vst v0  }
0x333: {  	[tilespmem:s22+$0x14460] =	vst v0;
	s22 =	sor.u32 s23, s24  }
0x334: {  	[tilespmem:s22+$0x14470] =	vst v0  }
0x335: {  	[tilespmem:s22+$0x14000] =	vst v0  }
0x336: {  	[tilespmem:s22+$0x14010] =	vst v0  }
0x337: {  	[tilespmem:s22+$0x14020] =	vst v0  }
0x338: {  	[tilespmem:s22+$0x14030] =	vst v0  }
0x339: {  	[tilespmem:s22+$0x14040] =	vst v0  }
0x33a: {  	[tilespmem:s22+$0x14050] =	vst v0  }
0x33b: {  	[tilespmem:s22+$0x14060] =	vst v0  }
.Ltmp6:
0x33c: {  	[tilespmem:s22+$0x14070] =	vst v0;
	(pc) =	sbr.rel @p0 .LBB2_15-.Ltmp6, $4  }
0x33d: {  	[tilespmem:s22+$0x14400] =	vst v0  }
0x33e: {  	[tilespmem:s22+$0x14410] =	vst v0  }
0x33f: {  	[tilespmem:s22+$0x14420] =	vst v0  }
0x340: {  	[tilespmem:s22+$0x14430] =	vst v0  }
0x341: {  	[tilespmem:s22+$0x14440] =	vst v0  }
0x342: {  	[tilespmem:s22+$0x14450] =	vst v0;
	s19 =	sor.u32 $0x8, s19  }
0x343: {  	[tilespmem:s22+$0x14460] =	vst v0;
	s18 =	sor.u32 $0x800, s18;
	s22 =	simm.s32 $0x0;
	p0 =	por $0x1, $0x1  }
.LBB2_17:
0x344: {  	s20 =	sor.u32 s19, s22  }
0x345: {  	s23 =	sshll.u32 s20, $0x8  }
0x346: {  	s24 =	sshll.u32 s22, $0x7;
	s20 =	sand.u32 $0x7800, s23  }
0x347: {  	s21 =	sor.u32 $0x1, s22;
	s25 =	sor.u32 s24, s20  }
0x348: {  	s30 =	sshll.u32 s21, $0x7;
	v1 =	vld [tilespmem:s25+$0x0]  }
0x349: {  	s20 =	sor.u32 s18, s30  }
0x34a: {  	v3 =	vld [tilespmem:s20+$0x0]  }
0x34b: {  	v2 =	vmov s22  }
0x34c: {  	s28 =	sor.u32 $0x3, s22;
	v2 =	vshll.u32 v2, $0x7  }
0x34d: {  	s26 =	sor.u32 $0x2, s22;
	s22 =	sshll.u32 s28, $0x7;
	v2 =	vand.u32 $0x200, v2;
	v4 =	vand.u32 $0x7F, v1;
	v1 =	vshll.u32 v1, $0x3  }
0x34e: {  	s22 =	sor.u32 s18, s22;
	v5 =	vand.u32 $0xFFFFFC00, v1;
	v1 =	vbroadcast v2, $0x0;
	v2 =	vmov s21  }
0x34f: {  	s31 =	sshll.u32 s26, $0x7;
	v9 =	vld [tilespmem:s22+$0x0];
	v6 =	vshll.u32 v3, $0x3;
	v2 =	vshll.u32 v2, $0x7  }
0x350: {  	v32 =	vld [tilespmem:s25+$0x8000];
	v3 =	vand.u32 $0x7F, v3;
	s21 =	sor.u32 s18, s31;
	v4 =	vor.u32 v5, v4;
	v2 =	vand.u32 $0x280, v2  }
0x351: {  	v6 =	vand.u32 $0xFFFFFC00, v6;
	v7 =	vld [tilespmem:s21+$0x0];
	v4 =	vor.u32 v1, v4;
	v2 =	vbroadcast v2, $0x0  }
0x352: {  	v3 =	vor.u32 v6, v3  }
0x353: {  	v33 =	vld [tilespmem:s20+$0x8000];
	v8 =	vor.u32 v2, v3  }
0x354: {  	v10 =	vmov s28;
	v3 =	vmov s26  }
0x355: {  	v37 =	vshll.u32 v10, $0x7;
	v40 =	vld [tilespmem:s21+$0x8000];
	v3 =	vshll.u32 v3, $0x7  }
0x356: {  	v39 =	vshll.u32 v9, $0x3;
	v35 =	vshll.u32 v7, $0x3;
	[tilespmem:v4+s13+$0x0] =	vst.idx.add.f32.msk $0xffff, v32;
	v3 =	vand.u32 $0x300, v3  }
0x357: {  	v34 =	vand.u32 $0x7F, v7;
	v5 =	vand.u32 $0xFFFFFC00, v35;
	v36 =	vld [tilespmem:s25+$0x10];
	v3 =	vbroadcast v3, $0x0  }
0x358: {  	s28 =	sor.u32 $0x10, s20;
	v9 =	vand.u32 $0x7F, v9;
	v4 =	vor.u32 v5, v34;
	v5 =	vand.u32 $0x380, v37;
	[tilespmem:v8+s13+$0x0] =	vst.idx.add.f32.msk $0xffff, v33  }
0x359: {  	v11 =	vand.u32 $0xFFFFFC00, v39;
	v38 =	vor.u32 v3, v4;
	v4 =	vbroadcast v5, $0x0;
	v6 =	vld [tilespmem:s28+$0x0]  }
0x35a: {  	v41 =	vor.u32 v11, v9  }
0x35b: {  	v43 =	vld [tilespmem:s22+$0x8000];
	v5 =	vor.u32 v4, v41  }
0x35c: {  	v12 =	vld [tilespmem:s25+$0x8010];
	v42 =	vshll.u32 v36, $0x3  }
0x35d: {  	v44 =	vld [tilespmem:s20+$0x8010];
	v7 =	vand.u32 $0x7F, v36;
	v9 =	vand.u32 $0xFFFFFC00, v42  }
0x35e: {  	s29 =	sor.u32 $0x10, s21;
	v7 =	vor.u32 v9, v7;
	[tilespmem:v38+s13+$0x0] =	vst.idx.add.f32.msk $0xffff, v40;
	v13 =	vshll.u32 v6, $0x3  }
0x35f: {  	v7 =	vor.u32 v1, v7;
	v6 =	vand.u32 $0x7F, v6;
	v8 =	vld [tilespmem:s29+$0x0];
	v13 =	vand.u32 $0xFFFFFC00, v13  }
0x360: {  	s30 =	sor.u32 $0x10, s22;
	[tilespmem:v5+s13+$0x0] =	vst.idx.add.f32.msk $0xffff, v43;
	v6 =	vor.u32 v13, v6  }
0x361: {  	v5 =	vld [tilespmem:s30+$0x0];
	v6 =	vor.u32 v2, v6;
	_ =	sdelay $0x1  }
0x362: {  	v49 =	vld [tilespmem:s21+$0x8010]  }
0x363: {  	[tilespmem:v7+s13+$0x0] =	vst.idx.add.f32.msk $0xffff, v12;
	v45 =	vshll.u32 v8, $0x3  }
0x364: {  	v46 =	vand.u32 $0x7F, v8;
	v7 =	vld [tilespmem:s25+$0x20];
	v47 =	vand.u32 $0xFFFFFC00, v45  }
0x365: {  	s31 =	sor.u32 $0x20, s20;
	v48 =	vshll.u32 v5, $0x3;
	[tilespmem:v6+s13+$0x0] =	vst.idx.add.f32.msk $0xffff, v44;
	v6 =	vor.u32 v47, v46  }
0x366: {  	v5 =	vand.u32 $0x7F, v5;
	v8 =	vand.u32 $0xFFFFFC00, v48;
	v9 =	vld [tilespmem:s31+$0x0];
	v6 =	vor.u32 v3, v6  }
0x367: {  	v5 =	vor.u32 v8, v5  }
0x368: {  	v11 =	vld [tilespmem:s22+$0x8010];
	v5 =	vor.u32 v4, v5  }
0x369: {  	v12 =	vld [tilespmem:s25+$0x8020];
	v50 =	vshll.u32 v7, $0x3  }
0x36a: {  	v51 =	vld [tilespmem:s20+$0x8020];
	v7 =	vand.u32 $0x7F, v7;
	v8 =	vand.u32 $0xFFFFFC00, v50  }
0x36b: {  	s28 =	sor.u32 $0x20, s21;
	v7 =	vor.u32 v8, v7;
	v52 =	vshll.u32 v9, $0x3;
	[tilespmem:v6+s13+$0x0] =	vst.idx.add.f32.msk $0xffff, v49  }
0x36c: {  	v7 =	vor.u32 v1, v7;
	v9 =	vand.u32 $0x7F, v9;
	v13 =	vand.u32 $0xFFFFFC00, v52;
	v54 =	vld [tilespmem:s28+$0x0]  }
0x36d: {  	s29 =	sor.u32 $0x20, s22;
	[tilespmem:v5+s13+$0x0] =	vst.idx.add.f32.msk $0xffff, v11;
	v53 =	vor.u32 v13, v9  }
0x36e: {  	v5 =	vld [tilespmem:s29+$0x0];
	v6 =	vor.u32 v2, v53;
	_ =	sdelay $0x1  }
0x36f: {  	v60 =	vld [tilespmem:s21+$0x8020]  }
0x370: {  	[tilespmem:v7+s13+$0x0] =	vst.idx.add.f32.msk $0xffff, v12;
	v55 =	vshll.u32 v54, $0x3  }
0x371: {  	v7 =	vld [tilespmem:s25+$0x30];
	v56 =	vand.u32 $0x7F, v54;
	v57 =	vand.u32 $0xFFFFFC00, v55  }
0x372: {  	s30 =	sor.u32 $0x30, s20;
	v59 =	vshll.u32 v5, $0x3;
	[tilespmem:v6+s13+$0x0] =	vst.idx.add.f32.msk $0xffff, v51;
	v6 =	vor.u32 v57, v56  }
0x373: {  	v5 =	vand.u32 $0x7F, v5;
	v8 =	vand.u32 $0xFFFFFC00, v59;
	v58 =	vld [tilespmem:s30+$0x0];
	v6 =	vor.u32 v3, v6  }
0x374: {  	v5 =	vor.u32 v8, v5  }
0x375: {  	v11 =	vld [tilespmem:s22+$0x8020];
	v5 =	vor.u32 v4, v5  }
0x376: {  	v12 =	vld [tilespmem:s25+$0x8030];
	v61 =	vshll.u32 v7, $0x3  }
0x377: {  	v62 =	vld [tilespmem:s20+$0x8030];
	v7 =	vand.u32 $0x7F, v7;
	v8 =	vand.u32 $0xFFFFFC00, v61  }
0x378: {  	s31 =	sor.u32 $0x30, s21;
	v7 =	vor.u32 v8, v7;
	v63 =	vshll.u32 v58, $0x3;
	[tilespmem:v6+s13+$0x0] =	vst.idx.add.f32.msk $0xffff, v60  }
0x379: {  	v7 =	vor.u32 v1, v7;
	v9 =	vand.u32 $0x7F, v58;
	v13 =	vand.u32 $0xFFFFFC00, v63;
	v15 =	vld [tilespmem:s31+$0x0]  }
0x37a: {  	s28 =	sor.u32 $0x30, s22;
	[tilespmem:v5+s13+$0x0] =	vst.idx.add.f32.msk $0xffff, v11;
	v14 =	vor.u32 v13, v9  }
0x37b: {  	v5 =	vld [tilespmem:s28+$0x0];
	v6 =	vor.u32 v2, v14;
	_ =	sdelay $0x1  }
0x37c: {  	v21 =	vld [tilespmem:s21+$0x8030]  }
0x37d: {  	[tilespmem:v7+s13+$0x0] =	vst.idx.add.f32.msk $0xffff, v12;
	v16 =	vshll.u32 v15, $0x3  }
0x37e: {  	v7 =	vld [tilespmem:s25+$0x40];
	v17 =	vand.u32 $0x7F, v15;
	v18 =	vand.u32 $0xFFFFFC00, v16  }
0x37f: {  	s29 =	sor.u32 $0x40, s20;
	v20 =	vshll.u32 v5, $0x3;
	[tilespmem:v6+s13+$0x0] =	vst.idx.add.f32.msk $0xffff, v62;
	v6 =	vor.u32 v18, v17  }
0x380: {  	v5 =	vand.u32 $0x7F, v5;
	v8 =	vand.u32 $0xFFFFFC00, v20;
	v19 =	vld [tilespmem:s29+$0x0];
	v6 =	vor.u32 v3, v6  }
0x381: {  	v5 =	vor.u32 v8, v5  }
0x382: {  	v11 =	vld [tilespmem:s22+$0x8030];
	v5 =	vor.u32 v4, v5  }
0x383: {  	v12 =	vld [tilespmem:s25+$0x8040];
	v22 =	vshll.u32 v7, $0x3  }
0x384: {  	v23 =	vld [tilespmem:s20+$0x8040];
	v7 =	vand.u32 $0x7F, v7;
	v8 =	vand.u32 $0xFFFFFC00, v22  }
0x385: {  	s30 =	sor.u32 $0x40, s21;
	v7 =	vor.u32 v8, v7;
	v24 =	vshll.u32 v19, $0x3;
	[tilespmem:v6+s13+$0x0] =	vst.idx.add.f32.msk $0xffff, v21  }
0x386: {  	v7 =	vor.u32 v1, v7;
	v9 =	vand.u32 $0x7F, v19;
	v13 =	vand.u32 $0xFFFFFC00, v24;
	v26 =	vld [tilespmem:s30+$0x0]  }
0x387: {  	s31 =	sor.u32 $0x40, s22;
	[tilespmem:v5+s13+$0x0] =	vst.idx.add.f32.msk $0xffff, v11;
	v25 =	vor.u32 v13, v9  }
0x388: {  	v5 =	vld [tilespmem:s31+$0x0];
	v6 =	vor.u32 v2, v25;
	_ =	sdelay $0x1  }
0x389: {  	v32 =	vld [tilespmem:s21+$0x8040]  }
0x38a: {  	[tilespmem:v7+s13+$0x0] =	vst.idx.add.f32.msk $0xffff, v12;
	v27 =	vshll.u32 v26, $0x3  }
0x38b: {  	v7 =	vld [tilespmem:s25+$0x50];
	v28 =	vand.u32 $0x7F, v26;
	v29 =	vand.u32 $0xFFFFFC00, v27  }
0x38c: {  	s28 =	sor.u32 $0x50, s20;
	v31 =	vshll.u32 v5, $0x3;
	[tilespmem:v6+s13+$0x0] =	vst.idx.add.f32.msk $0xffff, v23;
	v6 =	vor.u32 v29, v28  }
0x38d: {  	v5 =	vand.u32 $0x7F, v5;
	v8 =	vand.u32 $0xFFFFFC00, v31;
	v30 =	vld [tilespmem:s28+$0x0];
	v6 =	vor.u32 v3, v6  }
0x38e: {  	v5 =	vor.u32 v8, v5  }
0x38f: {  	v11 =	vld [tilespmem:s22+$0x8040];
	v5 =	vor.u32 v4, v5  }
0x390: {  	v12 =	vld [tilespmem:s25+$0x8050];
	v33 =	vshll.u32 v7, $0x3  }
0x391: {  	v34 =	vld [tilespmem:s20+$0x8050];
	v7 =	vand.u32 $0x7F, v7;
	v8 =	vand.u32 $0xFFFFFC00, v33  }
0x392: {  	s29 =	sor.u32 $0x50, s21;
	v7 =	vor.u32 v8, v7;
	v35 =	vshll.u32 v30, $0x3;
	[tilespmem:v6+s13+$0x0] =	vst.idx.add.f32.msk $0xffff, v32  }
0x393: {  	v7 =	vor.u32 v1, v7;
	v9 =	vand.u32 $0x7F, v30;
	v13 =	vand.u32 $0xFFFFFC00, v35;
	v37 =	vld [tilespmem:s29+$0x0]  }
0x394: {  	s30 =	sor.u32 $0x50, s22;
	[tilespmem:v5+s13+$0x0] =	vst.idx.add.f32.msk $0xffff, v11;
	v36 =	vor.u32 v13, v9  }
0x395: {  	v5 =	vld [tilespmem:s30+$0x0];
	v6 =	vor.u32 v2, v36;
	_ =	sdelay $0x1  }
0x396: {  	v43 =	vld [tilespmem:s21+$0x8050]  }
0x397: {  	[tilespmem:v7+s13+$0x0] =	vst.idx.add.f32.msk $0xffff, v12;
	v38 =	vshll.u32 v37, $0x3  }
0x398: {  	v7 =	vld [tilespmem:s25+$0x60];
	v39 =	vand.u32 $0x7F, v37;
	v40 =	vand.u32 $0xFFFFFC00, v38  }
0x399: {  	s31 =	sor.u32 $0x60, s20;
	v42 =	vshll.u32 v5, $0x3;
	[tilespmem:v6+s13+$0x0] =	vst.idx.add.f32.msk $0xffff, v34;
	v6 =	vor.u32 v40, v39  }
0x39a: {  	v5 =	vand.u32 $0x7F, v5;
	v8 =	vand.u32 $0xFFFFFC00, v42;
	v41 =	vld [tilespmem:s31+$0x0];
	v6 =	vor.u32 v3, v6  }
0x39b: {  	v5 =	vor.u32 v8, v5  }
0x39c: {  	v11 =	vld [tilespmem:s22+$0x8050];
	v5 =	vor.u32 v4, v5  }
0x39d: {  	v12 =	vld [tilespmem:s25+$0x8060];
	v44 =	vshll.u32 v7, $0x3  }
0x39e: {  	v45 =	vld [tilespmem:s20+$0x8060];
	v7 =	vand.u32 $0x7F, v7;
	v8 =	vand.u32 $0xFFFFFC00, v44  }
0x39f: {  	s28 =	sor.u32 $0x60, s21;
	v7 =	vor.u32 v8, v7;
	v46 =	vshll.u32 v41, $0x3;
	[tilespmem:v6+s13+$0x0] =	vst.idx.add.f32.msk $0xffff, v43  }
0x3a0: {  	v7 =	vor.u32 v1, v7;
	v9 =	vand.u32 $0x7F, v41;
	v13 =	vand.u32 $0xFFFFFC00, v46;
	v48 =	vld [tilespmem:s28+$0x0]  }
0x3a1: {  	s29 =	sor.u32 $0x60, s22;
	[tilespmem:v5+s13+$0x0] =	vst.idx.add.f32.msk $0xffff, v11;
	v47 =	vor.u32 v13, v9  }
0x3a2: {  	v5 =	vld [tilespmem:s29+$0x0];
	v6 =	vor.u32 v2, v47;
	_ =	sdelay $0x1  }
0x3a3: {  	v54 =	vld [tilespmem:s21+$0x8060]  }
0x3a4: {  	[tilespmem:v7+s13+$0x0] =	vst.idx.add.f32.msk $0xffff, v12;
	v49 =	vshll.u32 v48, $0x3  }
0x3a5: {  	v7 =	vld [tilespmem:s25+$0x70];
	v50 =	vand.u32 $0x7F, v48;
	v51 =	vand.u32 $0xFFFFFC00, v49  }
0x3a6: {  	s30 =	sor.u32 $0x70, s20;
	v53 =	vshll.u32 v5, $0x3;
	[tilespmem:v6+s13+$0x0] =	vst.idx.add.f32.msk $0xffff, v45;
	v6 =	vor.u32 v51, v50  }
0x3a7: {  	v5 =	vand.u32 $0x7F, v5;
	v8 =	vand.u32 $0xFFFFFC00, v53;
	v52 =	vld [tilespmem:s30+$0x0];
	v6 =	vor.u32 v3, v6  }
0x3a8: {  	v5 =	vor.u32 v8, v5  }
0x3a9: {  	v11 =	vld [tilespmem:s22+$0x8060];
	v5 =	vor.u32 v4, v5  }
0x3aa: {  	v12 =	vld [tilespmem:s25+$0x8070];
	v55 =	vshll.u32 v7, $0x3  }
0x3ab: {  	v56 =	vld [tilespmem:s20+$0x8070];
	v7 =	vand.u32 $0x7F, v7;
	v8 =	vand.u32 $0xFFFFFC00, v55  }
0x3ac: {  	s31 =	sor.u32 $0x70, s21;
	v7 =	vor.u32 v8, v7;
	v57 =	vshll.u32 v52, $0x3;
	[tilespmem:v6+s13+$0x0] =	vst.idx.add.f32.msk $0xffff, v54  }
0x3ad: {  	v7 =	vor.u32 v1, v7;
	v9 =	vand.u32 $0x7F, v52;
	v13 =	vand.u32 $0xFFFFFC00, v57;
	v59 =	vld [tilespmem:s31+$0x0]  }
0x3ae: {  	s26 =	sor.u32 $0x70, s22;
	[tilespmem:v5+s13+$0x0] =	vst.idx.add.f32.msk $0xffff, v11;
	v58 =	vor.u32 v13, v9  }
0x3af: {  	v5 =	vld [tilespmem:s26+$0x0];
	v6 =	vor.u32 v2, v58;
	_ =	sdelay $0x1  }
0x3b0: {  	s23 =	sor.u32 s24, s23;
	v17 =	vld [tilespmem:s21+$0x8070]  }
0x3b1: {  	s24 =	sor.u32 $0x400, s23;
	[tilespmem:v7+s13+$0x0] =	vst.idx.add.f32.msk $0xffff, v12;
	v60 =	vshll.u32 v59, $0x3  }
0x3b2: {  	v7 =	vld [tilespmem:s24+$0x0];
	v61 =	vand.u32 $0x7F, v59;
	v62 =	vand.u32 $0xFFFFFC00, v60  }
0x3b3: {  	s28 =	sor.u32 $0x400, s20;
	v16 =	vshll.u32 v5, $0x3;
	[tilespmem:v6+s13+$0x0] =	vst.idx.add.f32.msk $0xffff, v56;
	v6 =	vor.u32 v62, v61  }
0x3b4: {  	v5 =	vand.u32 $0x7F, v5;
	v8 =	vand.u32 $0xFFFFFC00, v16;
	v63 =	vld [tilespmem:s28+$0x0];
	v6 =	vor.u32 v3, v6  }
0x3b5: {  	v5 =	vor.u32 v8, v5  }
0x3b6: {  	v11 =	vld [tilespmem:s22+$0x8070];
	v5 =	vor.u32 v4, v5  }
0x3b7: {  	v12 =	vld [tilespmem:s24+$0x8000];
	v18 =	vshll.u32 v7, $0x3  }
0x3b8: {  	v19 =	vld [tilespmem:s20+$0x8400];
	v7 =	vand.u32 $0x7F, v7;
	v8 =	vand.u32 $0xFFFFFC00, v18  }
0x3b9: {  	s29 =	sor.u32 $0x400, s21;
	v7 =	vor.u32 v8, v7;
	v20 =	vshll.u32 v63, $0x3;
	[tilespmem:v6+s13+$0x0] =	vst.idx.add.f32.msk $0xffff, v17  }
0x3ba: {  	v7 =	vor.u32 v1, v7;
	v9 =	vand.u32 $0x7F, v63;
	v13 =	vand.u32 $0xFFFFFC00, v20;
	v22 =	vld [tilespmem:s29+$0x0]  }
0x3bb: {  	s30 =	sor.u32 $0x400, s22;
	[tilespmem:v5+s13+$0x0] =	vst.idx.add.f32.msk $0xffff, v11;
	v21 =	vor.u32 v13, v9  }
0x3bc: {  	v5 =	vld [tilespmem:s30+$0x0];
	v6 =	vor.u32 v2, v21;
	_ =	sdelay $0x1  }
0x3bd: {  	v28 =	vld [tilespmem:s21+$0x8400]  }
0x3be: {  	s31 =	sor.u32 $0x410, s23;
	[tilespmem:v7+s13+$0x0] =	vst.idx.add.f32.msk $0xffff, v12;
	v23 =	vshll.u32 v22, $0x3  }
0x3bf: {  	v7 =	vld [tilespmem:s31+$0x0];
	v24 =	vand.u32 $0x7F, v22;
	v25 =	vand.u32 $0xFFFFFC00, v23  }
0x3c0: {  	s26 =	sor.u32 $0x410, s20;
	v27 =	vshll.u32 v5, $0x3;
	[tilespmem:v6+s13+$0x0] =	vst.idx.add.f32.msk $0xffff, v19;
	v6 =	vor.u32 v25, v24  }
0x3c1: {  	v5 =	vand.u32 $0x7F, v5;
	v8 =	vand.u32 $0xFFFFFC00, v27;
	v26 =	vld [tilespmem:s26+$0x0];
	v6 =	vor.u32 v3, v6  }
0x3c2: {  	v5 =	vor.u32 v8, v5  }
0x3c3: {  	v11 =	vld [tilespmem:s22+$0x8400];
	v5 =	vor.u32 v4, v5  }
0x3c4: {  	v12 =	vld [tilespmem:s31+$0x8000];
	v29 =	vshll.u32 v7, $0x3  }
0x3c5: {  	v30 =	vld [tilespmem:s20+$0x8410];
	v7 =	vand.u32 $0x7F, v7;
	v8 =	vand.u32 $0xFFFFFC00, v29  }
0x3c6: {  	s28 =	sor.u32 $0x410, s21;
	v7 =	vor.u32 v8, v7;
	v31 =	vshll.u32 v26, $0x3;
	[tilespmem:v6+s13+$0x0] =	vst.idx.add.f32.msk $0xffff, v28  }
0x3c7: {  	v7 =	vor.u32 v1, v7;
	v9 =	vand.u32 $0x7F, v26;
	v13 =	vand.u32 $0xFFFFFC00, v31;
	v33 =	vld [tilespmem:s28+$0x0]  }
0x3c8: {  	s29 =	sor.u32 $0x410, s22;
	[tilespmem:v5+s13+$0x0] =	vst.idx.add.f32.msk $0xffff, v11;
	v32 =	vor.u32 v13, v9  }
0x3c9: {  	v5 =	vld [tilespmem:s29+$0x0];
	v6 =	vor.u32 v2, v32;
	_ =	sdelay $0x1  }
0x3ca: {  	v39 =	vld [tilespmem:s21+$0x8410]  }
0x3cb: {  	s30 =	sor.u32 $0x420, s23;
	[tilespmem:v7+s13+$0x0] =	vst.idx.add.f32.msk $0xffff, v12;
	v34 =	vshll.u32 v33, $0x3  }
0x3cc: {  	v7 =	vld [tilespmem:s30+$0x0];
	v35 =	vand.u32 $0x7F, v33;
	v36 =	vand.u32 $0xFFFFFC00, v34  }
0x3cd: {  	s31 =	sor.u32 $0x420, s20;
	v38 =	vshll.u32 v5, $0x3;
	[tilespmem:v6+s13+$0x0] =	vst.idx.add.f32.msk $0xffff, v30;
	v6 =	vor.u32 v36, v35  }
0x3ce: {  	v5 =	vand.u32 $0x7F, v5;
	v8 =	vand.u32 $0xFFFFFC00, v38;
	v37 =	vld [tilespmem:s31+$0x0];
	v6 =	vor.u32 v3, v6  }
0x3cf: {  	v5 =	vor.u32 v8, v5  }
0x3d0: {  	v11 =	vld [tilespmem:s22+$0x8410];
	v5 =	vor.u32 v4, v5  }
0x3d1: {  	v12 =	vld [tilespmem:s30+$0x8000];
	v40 =	vshll.u32 v7, $0x3  }
0x3d2: {  	v41 =	vld [tilespmem:s20+$0x8420];
	v7 =	vand.u32 $0x7F, v7;
	v8 =	vand.u32 $0xFFFFFC00, v40  }
0x3d3: {  	s26 =	sor.u32 $0x420, s21;
	v7 =	vor.u32 v8, v7;
	v42 =	vshll.u32 v37, $0x3;
	[tilespmem:v6+s13+$0x0] =	vst.idx.add.f32.msk $0xffff, v39  }
0x3d4: {  	v7 =	vor.u32 v1, v7;
	v9 =	vand.u32 $0x7F, v37;
	v13 =	vand.u32 $0xFFFFFC00, v42;
	v44 =	vld [tilespmem:s26+$0x0]  }
0x3d5: {  	s28 =	sor.u32 $0x420, s22;
	[tilespmem:v5+s13+$0x0] =	vst.idx.add.f32.msk $0xffff, v11;
	v43 =	vor.u32 v13, v9  }
0x3d6: {  	v5 =	vld [tilespmem:s28+$0x0];
	v6 =	vor.u32 v2, v43;
	_ =	sdelay $0x1  }
0x3d7: {  	v50 =	vld [tilespmem:s21+$0x8420]  }
0x3d8: {  	s29 =	sor.u32 $0x430, s23;
	[tilespmem:v7+s13+$0x0] =	vst.idx.add.f32.msk $0xffff, v12;
	v45 =	vshll.u32 v44, $0x3  }
0x3d9: {  	v7 =	vld [tilespmem:s29+$0x0];
	v46 =	vand.u32 $0x7F, v44;
	v47 =	vand.u32 $0xFFFFFC00, v45  }
0x3da: {  	s30 =	sor.u32 $0x430, s20;
	v49 =	vshll.u32 v5, $0x3;
	[tilespmem:v6+s13+$0x0] =	vst.idx.add.f32.msk $0xffff, v41;
	v6 =	vor.u32 v47, v46  }
0x3db: {  	v5 =	vand.u32 $0x7F, v5;
	v8 =	vand.u32 $0xFFFFFC00, v49;
	v48 =	vld [tilespmem:s30+$0x0];
	v6 =	vor.u32 v3, v6  }
0x3dc: {  	v5 =	vor.u32 v8, v5  }
0x3dd: {  	v11 =	vld [tilespmem:s22+$0x8420];
	v5 =	vor.u32 v4, v5  }
0x3de: {  	v12 =	vld [tilespmem:s29+$0x8000];
	v51 =	vshll.u32 v7, $0x3  }
0x3df: {  	v52 =	vld [tilespmem:s20+$0x8430];
	v7 =	vand.u32 $0x7F, v7;
	v8 =	vand.u32 $0xFFFFFC00, v51  }
0x3e0: {  	s31 =	sor.u32 $0x430, s21;
	v7 =	vor.u32 v8, v7;
	v53 =	vshll.u32 v48, $0x3;
	[tilespmem:v6+s13+$0x0] =	vst.idx.add.f32.msk $0xffff, v50  }
0x3e1: {  	v7 =	vor.u32 v1, v7;
	v9 =	vand.u32 $0x7F, v48;
	v13 =	vand.u32 $0xFFFFFC00, v53;
	v55 =	vld [tilespmem:s31+$0x0]  }
0x3e2: {  	s25 =	sor.u32 $0x430, s22;
	[tilespmem:v5+s13+$0x0] =	vst.idx.add.f32.msk $0xffff, v11;
	v54 =	vor.u32 v13, v9  }
0x3e3: {  	v5 =	vld [tilespmem:s25+$0x0];
	v6 =	vor.u32 v2, v54;
	_ =	sdelay $0x1  }
0x3e4: {  	v61 =	vld [tilespmem:s21+$0x8430]  }
0x3e5: {  	s26 =	sor.u32 $0x440, s23;
	[tilespmem:v7+s13+$0x0] =	vst.idx.add.f32.msk $0xffff, v12;
	v56 =	vshll.u32 v55, $0x3  }
0x3e6: {  	v7 =	vld [tilespmem:s26+$0x0];
	v57 =	vand.u32 $0x7F, v55;
	v58 =	vand.u32 $0xFFFFFC00, v56  }
0x3e7: {  	s28 =	sor.u32 $0x440, s20;
	v60 =	vshll.u32 v5, $0x3;
	[tilespmem:v6+s13+$0x0] =	vst.idx.add.f32.msk $0xffff, v52;
	v6 =	vor.u32 v58, v57  }
0x3e8: {  	v5 =	vand.u32 $0x7F, v5;
	v8 =	vand.u32 $0xFFFFFC00, v60;
	v59 =	vld [tilespmem:s28+$0x0];
	v6 =	vor.u32 v3, v6  }
0x3e9: {  	v5 =	vor.u32 v8, v5  }
0x3ea: {  	v11 =	vld [tilespmem:s22+$0x8430];
	v5 =	vor.u32 v4, v5  }
0x3eb: {  	v12 =	vld [tilespmem:s26+$0x8000];
	v62 =	vshll.u32 v7, $0x3  }
0x3ec: {  	v63 =	vld [tilespmem:s20+$0x8440];
	v7 =	vand.u32 $0x7F, v7;
	v8 =	vand.u32 $0xFFFFFC00, v62  }
0x3ed: {  	s29 =	sor.u32 $0x440, s21;
	v7 =	vor.u32 v8, v7;
	v16 =	vshll.u32 v59, $0x3;
	[tilespmem:v6+s13+$0x0] =	vst.idx.add.f32.msk $0xffff, v61  }
0x3ee: {  	v7 =	vor.u32 v1, v7;
	v9 =	vand.u32 $0x7F, v59;
	v13 =	vand.u32 $0xFFFFFC00, v16;
	v18 =	vld [tilespmem:s29+$0x0]  }
0x3ef: {  	s30 =	sor.u32 $0x440, s22;
	[tilespmem:v5+s13+$0x0] =	vst.idx.add.f32.msk $0xffff, v11;
	v17 =	vor.u32 v13, v9  }
0x3f0: {  	v5 =	vld [tilespmem:s30+$0x0];
	v6 =	vor.u32 v2, v17;
	_ =	sdelay $0x2  }
0x3f1: {  	s31 =	sor.u32 $0x450, s23;
	[tilespmem:v7+s13+$0x0] =	vst.idx.add.f32.msk $0xffff, v12;
	v19 =	vshll.u32 v18, $0x3  }
0x3f2: {  	v7 =	vld [tilespmem:s31+$0x0];
	v20 =	vand.u32 $0x7F, v18;
	v21 =	vand.u32 $0xFFFFFC00, v19  }
0x3f3: {  	v23 =	vshll.u32 v5, $0x3;
	[tilespmem:v6+s13+$0x0] =	vst.idx.add.f32.msk $0xffff, v63;
	v6 =	vor.u32 v21, v20  }
0x3f4: {  	v24 =	vld [tilespmem:s21+$0x8440];
	v5 =	vand.u32 $0x7F, v5;
	v8 =	vand.u32 $0xFFFFFC00, v23;
	v6 =	vor.u32 v3, v6  }
0x3f5: {  	v5 =	vor.u32 v8, v5  }
0x3f6: {  	s26 =	sor.u32 $0x450, s20;
	v25 =	vld [tilespmem:s22+$0x8440];
	v5 =	vor.u32 v4, v5  }
0x3f7: {  	v22 =	vld [tilespmem:s26+$0x0]  }
0x3f8: {  	v26 =	vld [tilespmem:s31+$0x8000];
	v27 =	vshll.u32 v7, $0x3  }
0x3f9: {  	s28 =	sor.u32 $0x450, s21;
	v7 =	vand.u32 $0x7F, v7;
	v12 =	vand.u32 $0xFFFFFC00, v27;
	[tilespmem:v6+s13+$0x0] =	vst.idx.add.f32.msk $0xffff, v24  }
0x3fa: {  	v7 =	vor.u32 v12, v7;
	v10 =	vld [tilespmem:s28+$0x0]  }
0x3fb: {  	s29 =	sor.u32 $0x450, s22;
	v7 =	vor.u32 v1, v7;
	[tilespmem:v5+s13+$0x0] =	vst.idx.add.f32.msk $0xffff, v25  }
0x3fc: {  	v29 =	vshll.u32 v22, $0x3;
	v31 =	vld [tilespmem:s29+$0x0]  }
0x3fd: {  	v9 =	vand.u32 $0x7F, v22;
	v6 =	vand.u32 $0xFFFFFC00, v29  }
0x3fe: {  	v6 =	vor.u32 v6, v9  }
0x3ff: {  	v28 =	vld [tilespmem:s20+$0x8450];
	v30 =	vor.u32 v2, v6;
	v32 =	vshll.u32 v10, $0x3  }
0x400: {  	[tilespmem:v7+s13+$0x0] =	vst.idx.add.f32.msk $0xffff, v26;
	v34 =	vand.u32 $0x7F, v10;
	v7 =	vand.u32 $0xFFFFFC00, v32  }
0x401: {  	v37 =	vld [tilespmem:s21+$0x8450];
	v36 =	vshll.u32 v31, $0x3;
	v35 =	vor.u32 v7, v34  }
0x402: {  	s30 =	sor.u32 $0x460, s23;
	v39 =	vld [tilespmem:s22+$0x8450];
	v6 =	vand.u32 $0x7F, v31;
	v7 =	vand.u32 $0xFFFFFC00, v36;
	v5 =	vor.u32 v3, v35  }
0x403: {  	v33 =	vld [tilespmem:s30+$0x0];
	v6 =	vor.u32 v7, v6  }
0x404: {  	s31 =	sor.u32 $0x460, s20;
	[tilespmem:v30+s13+$0x0] =	vst.idx.add.f32.msk $0xffff, v28;
	v6 =	vor.u32 v4, v6  }
0x405: {  	v38 =	vld [tilespmem:s31+$0x0];
	_ =	sdelay $0x1  }
0x406: {  	s26 =	sor.u32 $0x460, s21;
	[tilespmem:v5+s13+$0x0] =	vst.idx.add.f32.msk $0xffff, v37  }
0x407: {  	v40 =	vshll.u32 v33, $0x3;
	v9 =	vld [tilespmem:s26+$0x0]  }
0x408: {  	s28 =	sor.u32 $0x460, s22;
	v8 =	vand.u32 $0x7F, v33;
	v5 =	vand.u32 $0xFFFFFC00, v40;
	[tilespmem:v6+s13+$0x0] =	vst.idx.add.f32.msk $0xffff, v39  }
0x409: {  	v41 =	vshll.u32 v38, $0x3;
	v5 =	vor.u32 v5, v8;
	v44 =	vld [tilespmem:s28+$0x0]  }
0x40a: {  	v11 =	vld [tilespmem:s30+$0x8000];
	v42 =	vand.u32 $0x7F, v38;
	v43 =	vand.u32 $0xFFFFFC00, v41;
	v5 =	vor.u32 v1, v5  }
0x40b: {  	v6 =	vor.u32 v43, v42  }
0x40c: {  	v45 =	vld [tilespmem:s20+$0x8460];
	v6 =	vor.u32 v2, v6;
	v46 =	vshll.u32 v9, $0x3  }
0x40d: {  	v9 =	vand.u32 $0x7F, v9;
	v10 =	vand.u32 $0xFFFFFC00, v46  }
0x40e: {  	v49 =	vld [tilespmem:s21+$0x8460];
	v48 =	vshll.u32 v44, $0x3;
	v47 =	vor.u32 v10, v9  }
0x40f: {  	[tilespmem:v5+s13+$0x0] =	vst.idx.add.f32.msk $0xffff, v11;
	v8 =	vand.u32 $0x7F, v44;
	v9 =	vand.u32 $0xFFFFFC00, v48;
	v5 =	vor.u32 v3, v47  }
0x410: {  	v51 =	vld [tilespmem:s22+$0x8460];
	v50 =	vor.u32 v9, v8  }
0x411: {  	s23 =	sor.u32 $0x470, s23;
	[tilespmem:v6+s13+$0x0] =	vst.idx.add.f32.msk $0xffff, v45;
	v6 =	vor.u32 v4, v50  }
0x412: {  	s29 =	sor.u32 $0x470, s20;
	v52 =	vld [tilespmem:s23+$0x0]  }
0x413: {  	v53 =	vld [tilespmem:s29+$0x0]  }
0x414: {  	s30 =	sor.u32 $0x470, s21;
	[tilespmem:v5+s13+$0x0] =	vst.idx.add.f32.msk $0xffff, v49  }
0x415: {  	v5 =	vld [tilespmem:s30+$0x0]  }
0x416: {  	s31 =	sor.u32 $0x470, s22;
	[tilespmem:v6+s13+$0x0] =	vst.idx.add.f32.msk $0xffff, v51  }
0x417: {  	v6 =	vld [tilespmem:s31+$0x0]  }
0x418: {  	v54 =	vand.u32 $0x7F, v52;
	v8 =	vshll.u32 v52, $0x3;
	v55 =	vshll.u32 v53, $0x3  }
0x419: {  	v8 =	vand.u32 $0xFFFFFC00, v8;
	v9 =	vand.u32 $0x7F, v53;
	v10 =	vand.u32 $0xFFFFFC00, v55  }
0x41a: {  	v7 =	vor.u32 v8, v54;
	v56 =	vor.u32 v10, v9  }
0x41b: {  	v1 =	vor.u32 v1, v7;
	v2 =	vor.u32 v2, v56;
	v57 =	vshll.u32 v5, $0x3  }
0x41c: {  	v58 =	vld [tilespmem:s23+$0x8000];
	v5 =	vand.u32 $0x7F, v5;
	v7 =	vand.u32 $0xFFFFFC00, v57;
	v59 =	vshll.u32 v6, $0x3  }
0x41d: {  	v60 =	vld [tilespmem:s20+$0x8470];
	v6 =	vand.u32 $0x7F, v6;
	v5 =	vor.u32 v7, v5;
	v9 =	vand.u32 $0xFFFFFC00, v59  }
0x41e: {  	v62 =	vld [tilespmem:s21+$0x8470];
	v3 =	vor.u32 v3, v5;
	v61 =	vor.u32 v9, v6  }
0x41f: {  	p1 =	por p0, p0;
	v63 =	vld [tilespmem:s22+$0x8470];
	v4 =	vor.u32 v4, v61  }
.Ltmp7:
0x420: {  	_ = 	snop;
	(pc) =	sbr.rel @p1 .LBB2_17-.Ltmp7, $4  }
0x421: {  	[tilespmem:v1+s13+$0x0] =	vst.idx.add.f32.msk $0xffff, v58  }
0x422: {  	[tilespmem:v2+s13+$0x0] =	vst.idx.add.f32.msk $0xffff, v60  }
0x423: {  	[tilespmem:v3+s13+$0x0] =	vst.idx.add.f32.msk $0xffff, v62  }
0x424: {  	p0 =	por $0x0, $0x0;
	s22 =	simm.s32 $0x4;
	[tilespmem:v4+s13+$0x0] =	vst.idx.add.f32.msk $0xffff, v63  }
0x425: {  	s17 =	sadd.s32 $0x1, s17  }
0x426: {  	p0 =	sne.s32 s17, $0x8  }
.Ltmp8:
0x427: {  	_ = 	snop;
	(pc) =	sbr.rel @p0 .LBB2_10-.Ltmp8, $4  }
0x428: {  	s18 =	sadd.s32 s4, s19  }
0x429: {  	s18 =	sshll.u32 s18, $0x8  }
0x42a: {  	s18 =	sadd.s32 s1, s18  }
0x42b: {  	[hbm4b:s18+s3] =	stream.linear.scatter [tilespmem:s13], [sflag:$0x3], $0x4000, $0x38;
	[tilespmem:$0x18000] =	vst v63  }
0x42c: {  	s16 =	sadd.s32 $0x1, s16  }
0x42d: {  	_ =	swait.ge [sflag:s14], $0x4000;
	p0 =	sne.s32 s16, s9  }
.Ltmp9:
0x42e: {  	[sflag:s14] =	ssyncset.done $0x0;
	(pc) =	sbr.rel @p0 .LBB2_1-.Ltmp9, $4  }
0x42f: {  	[sflag:s14] =	ssyncadd.s32 $0xFFFFC000  }
0x430: {  	_ =	swait.ge [sflag:s15], $0x4000  }
0x431: {  	[sflag:s15] =	ssyncset.done $0x0  }
0x432: {  	[sflag:s15] =	ssyncadd.s32 $0xFFFFC000  }
0x433: {  	_ =	sfence.sel $0x180000  }
0x434: {  	[bflag:$0x0] =	sbarrier.arrive $0xFFFF  }
0x435: {  	p0 =	sne.s32 s2, $0x0;
	_ =	strace $0x90000047  }
0x436: {  	s0 =	sadd.s32 @!p0 $0x100000, s0;
	[bflag:$0x2] =	sbarrier.arrive $0xFFFF  }
0x437: {  	[sflag:s0] =	ssyncadd.tile.s32 @!p0 $0x1;
	_ =	shalt  }
.Lfunc_end2:
_tile_overlayer_lowered:
.L_overlay_start_2:
0x438: {  	(tag) =	ssettag $0x2  }
0x439: {  	s0 =	rddreg [dreg:$0x0];
	s2 =	stileid.u32  }
0x43a: {  	s1 =	rddreg [dreg:$0x1];
	p0 =	sne.s32 s2, $0x0  }
0x43b: {  	s3 =	rddreg [dreg:$0x2];
	[bflag:$0x3] =	sbarrier.arrive $0xFFFF;
	s2 =	simm.s32 @!p0 $0x1C04  }
0x43c: {  	[timem:s3], [sflag:s2] =	dma.local @!p0 [hbm:s0], s1  }
0x43d: {  	s0 =	simm.s32 @!p0 $0x4  }
0x43e: {  	_ =	swait.ge @!p0 [sflag:s0], s1  }
0x43f: {  	s1 =	ssub.s32 @!p0 $0x0, s1;
	[sflag:s0] =	ssyncset.done @!p0 $0x0  }
0x440: {  	[sflag:s0] =	ssyncadd.s32 @!p0 s1  }
0x441: {  	[bflag:$0x3] =	sbarrier.arrive $0xFFFF  }
0x442: {  	_ =	shalt  }

</sc_bundles>
